<compile_context>
chip_gen: v7x
topology: tpu7x:2x2x1
jax: 0.10.2.dev20260603
libtpu: 0.0.44.dev20260713+nightly
codegen_flags: <defaults>
</compile_context>

<pallas_src>
import functools

import jax
import jax.numpy as jnp
from jax import lax
from jax.experimental import pallas as pl
from jax.experimental.pallas import tpu as pltpu
from jax.experimental.pallas import tpu_sc as plsc

_B, _N, _C = 4, 20000, 80
_MAX_DET = 100
_NMS_THR = 0.7
_SCORE_THR = 0.05
_KPAD = 112
_BLK = 160
_NBLK = _N // _BLK
_BMPAD = 128
_CH = 4000
_L = 16


def _prep_body(s_ref, o_ref, cx_ref, cy_ref, cw_ref, chh_ref,
               sm_ref, x1_ref, y1_ref, x2_ref, y2_ref):
    s = s_ref[0]
    m = jnp.max(s, axis=-1)
    sm = jnp.where(o_ref[0, 0, 0] >= 0.5, m, -jnp.inf)

    cx = cx_ref[0, 0, 0]
    cy = cy_ref[0, 0, 0]
    whx = cw_ref[0, 0, 0] / 2.0
    why = chh_ref[0, 0, 0] / 2.0
    x2u = whx + cx
    y2u = why + cy
    x1u = cx - x2u / 2.0
    y1u = cy - y2u / 2.0

    sm_ref[0, 0, 0] = sm
    x1_ref[0, 0, 0] = jnp.clip(x1u, 0.0, 1.0)
    y1_ref[0, 0, 0] = jnp.clip(y1u, 0.0, 1.0)
    x2_ref[0, 0, 0] = jnp.clip(x2u, 0.0, 1.0)
    y2_ref[0, 0, 0] = jnp.clip(y2u, 0.0, 1.0)


_NK = _N // _CH


def _prep(s, o, cx, cy, cw, chh):
    bs4 = pl.BlockSpec((1, 1, 1, _CH), lambda i, k: (i, k, 0, 0))
    f32 = jnp.float32
    r4 = lambda a: a.reshape(_B, _NK, 1, _CH)
    outs = pl.pallas_call(
        _prep_body,
        grid=(_B, _NK),
        in_specs=[pl.BlockSpec((1, _CH, _C), lambda i, k: (i, k, 0)),
                  bs4, bs4, bs4, bs4, bs4],
        out_specs=[bs4, bs4, bs4, bs4, bs4],
        out_shape=[jax.ShapeDtypeStruct((_B, _NK, 1, _CH), f32)] * 5,
    )(s, r4(o), r4(cx), r4(cy), r4(cw), r4(chh))
    return [a.reshape(_B, _N) for a in outs]


_mesh = plsc.VectorSubcoreMesh(core_axis_name="c", subcore_axis_name="s")


@functools.partial(
    pl.kernel,
    mesh=_mesh,
    compiler_params=pltpu.CompilerParams(needs_layout_passes=False),
    out_type=[
        jax.ShapeDtypeStruct((_B, 4, _KPAD), jnp.float32),
        jax.ShapeDtypeStruct((_B, _KPAD), jnp.float32),
        jax.ShapeDtypeStruct((_B, _KPAD), jnp.int32),
        jax.ShapeDtypeStruct((_B, _L), jnp.int32),
    ],
    scratch_types=[
        pltpu.VMEM((_N,), jnp.float32),
        pltpu.VMEM((_N,), jnp.float32),
        pltpu.VMEM((_N,), jnp.float32),
        pltpu.VMEM((_N,), jnp.float32),
        pltpu.VMEM((_N,), jnp.float32),
        pltpu.VMEM((_BMPAD,), jnp.float32),
        pltpu.VMEM((_KPAD,), jnp.float32),
        pltpu.VMEM((_KPAD,), jnp.float32),
        pltpu.VMEM((_KPAD,), jnp.float32),
        pltpu.VMEM((_KPAD,), jnp.float32),
        pltpu.VMEM((_KPAD,), jnp.float32),
        pltpu.VMEM((_KPAD,), jnp.float32),
        pltpu.VMEM((_KPAD,), jnp.int32),
        pltpu.VMEM((_KPAD, _C), jnp.float32),
        pltpu.VMEM((_L,), jnp.int32),
        pltpu.VMEM((_L,), jnp.int32),
        pltpu.SMEM((2,), jnp.int32),
        pltpu.SemaphoreType.DMA,
    ],
)
def _nms_sc(sc_hbm, x1_hbm, y1_hbm, x2_hbm, y2_hbm, srows_hbm,
            ob_hbm, os_hbm, ol_hbm, oc_hbm,
            sc_v, x1_v, y1_v, x2_v, y2_v, bm_v,
            kx1, ky1, kx2, ky2, karea, ksc, klab, krows, cnt_v, supp_v,
            st_s, sem):
    wid = lax.axis_index("s") * 2 + lax.axis_index("c")

    @pl.when(wid < _B)
    def _():
        i = wid
        pltpu.sync_copy(sc_hbm.at[i], sc_v)
        pltpu.sync_copy(x1_hbm.at[i], x1_v)
        pltpu.sync_copy(y1_hbm.at[i], y1_v)
        pltpu.sync_copy(x2_hbm.at[i], x2_v)
        pltpu.sync_copy(y2_hbm.at[i], y2_v)

        lanes = lax.iota(jnp.int32, _L)
        lane0 = lanes == 0
        fzero = jnp.zeros((_L,), jnp.float32)
        izero = jnp.zeros((_L,), jnp.int32)
        ftwo = jnp.full((_L,), 2.0, jnp.float32)
        neginf = jnp.full((_L,), -jnp.inf, jnp.float32)
        big = jnp.full((_L,), jnp.int32(1 << 30), jnp.int32)

        for k in range(_KPAD // _L):
            sl = pl.ds(k * _L, _L)
            kx1[sl] = ftwo
            ky1[sl] = ftwo
            kx2[sl] = ftwo
            ky2[sl] = ftwo
            karea[sl] = fzero
            ksc[sl] = fzero
            klab[sl] = izero

        bm_v[pl.ds(_NBLK // _L * _L, _L)] = neginf
        def _bm_build(b, carry):
            m2 = neginf
            for t in range(_BLK // _L):
                m2 = jnp.maximum(m2, sc_v[pl.ds(b * _BLK + t * _L, _L)])
            plsc.store_scatter(bm_v, [jnp.full((_L,), b, jnp.int32)],
                               jnp.full((_L,), jnp.max(m2), jnp.float32),
                               mask=lane0)
            return carry
        lax.fori_loop(0, _NBLK, _bm_build, 0)

        st_s[0] = jnp.int32(1)
        st_s[1] = jnp.int32(0)

        def step():
            cnt = st_s[1]
            gm = bm_v[pl.ds(0, _L)]
            karg = jnp.zeros((_L,), jnp.int32)
            for k in range(1, _BMPAD // _L):
                v = bm_v[pl.ds(k * _L, _L)]
                upd = v > gm
                gm = jnp.where(upd, v, gm)
                karg = jnp.where(upd, jnp.int32(k), karg)
            gmax = jnp.max(gm)
            bacc = jnp.where(gm == gmax, karg * _L + lanes, big)
            blk = jnp.minimum(jnp.min(bacc), jnp.int32(_NBLK - 1))
            base = blk * _BLK
            jacc = big
            for t in range(_BLK // _L):
                v = sc_v[pl.ds(base + t * _L, _L)]
                jacc = jnp.minimum(jacc, jnp.where(v == gmax, lanes + (base + t * _L), big))
            j = jnp.minimum(jnp.min(jacc), jnp.int32(_N - 1))
            proceed = gmax >= _SCORE_THR

            jv = jnp.full((_L,), j, jnp.int32)
            cx1 = plsc.load_gather(x1_v, [jv])
            cy1 = plsc.load_gather(y1_v, [jv])
            cx2 = plsc.load_gather(x2_v, [jv])
            cy2 = plsc.load_gather(y2_v, [jv])
            aj = (cx2 - cx1) * (cy2 - cy1)

            def _iou_chunk(k, sacc):
                sl = pl.ds(k * _L, _L)
                bx1 = kx1[sl]
                by1 = ky1[sl]
                bx2 = kx2[sl]
                by2 = ky2[sl]
                ba = karea[sl]
                xx1 = jnp.maximum(bx1, cx1)
                yy1 = jnp.maximum(by1, cy1)
                xx2 = jnp.minimum(bx2, cx2)
                yy2 = jnp.minimum(by2, cy2)
                w = jnp.maximum(jnp.float32(0.0), xx2 - xx1)
                h = jnp.maximum(jnp.float32(0.0), yy2 - yy1)
                inter = w * h
                iou = inter / (ba + aj - inter + jnp.float32(1e-12))
                return sacc | (iou > _NMS_THR)
            supp = jnp.zeros((_L,), jnp.bool_)
            for k in range(_KPAD // _L):
                supp = _iou_chunk(k, supp)
            keep = proceed & jnp.logical_not(jnp.any(supp))

            @pl.when(proceed)
            def _kill():
                plsc.store_scatter(sc_v, [jv], neginf, mask=lane0)
                m2 = neginf
                for t in range(_BLK // _L):
                    m2 = jnp.maximum(m2, sc_v[pl.ds(base + t * _L, _L)])
                m2s = jnp.max(m2)
                plsc.store_scatter(
                    bm_v, [jnp.full((_L,), blk, jnp.int32)],
                    jnp.full((_L,), m2s, jnp.float32), mask=lane0)

            @pl.when(keep)
            def _fetch_row():
                pltpu.async_copy(srows_hbm.at[j + i * _N], krows.at[cnt], sem)

            keepmask = lane0 & jnp.full((_L,), keep, jnp.bool_)
            cv = jnp.full((_L,), cnt, jnp.int32)
            plsc.store_scatter(kx1, [cv], cx1, mask=keepmask)
            plsc.store_scatter(ky1, [cv], cy1, mask=keepmask)
            plsc.store_scatter(kx2, [cv], cx2, mask=keepmask)
            plsc.store_scatter(ky2, [cv], cy2, mask=keepmask)
            plsc.store_scatter(karea, [cv], aj, mask=keepmask)
            plsc.store_scatter(ksc, [cv], jnp.full((_L,), gmax, jnp.float32), mask=keepmask)
            cnt2 = cnt + keep.astype(jnp.int32)
            st_s[1] = cnt2
            st_s[0] = (proceed & (cnt2 < _MAX_DET)).astype(jnp.int32)

        def chunk(_c, carry):
            @pl.when(st_s[0] != 0)
            def _():
                def inner(_t, icarry):
                    @pl.when(st_s[0] != 0)
                    def _():
                        step()
                    return icarry
                lax.fori_loop(0, 16, inner, 0)
            return carry

        lax.fori_loop(0, 32, chunk, 0)
        @pl.when(st_s[0] != 0)
        def _fallback():
            lax.fori_loop(0, _N // 16, chunk, 0)

        cntf = st_s[1]

        def _drain(t, carry):
            @pl.when(t < cntf)
            def _():
                pltpu.make_async_copy(srows_hbm.at[t], krows.at[t], sem).wait()
            return carry

        lax.fori_loop(0, _KPAD, _drain, 0)

        def _lab_body(t, carry):
            @pl.when(t < cntf)
            def _():
                _lab_one(t)
            return carry

        def _lab_one(t):
            rm = neginf
            for k in range(_C // _L):
                rm = jnp.maximum(rm, krows[t, pl.ds(k * _L, _L)])
            rms = jnp.max(rm)
            lacc = big
            for k in range(_C // _L):
                v = krows[t, pl.ds(k * _L, _L)]
                lacc = jnp.minimum(
                    lacc, jnp.where(v == rms, lanes + k * _L, big))
            labt = jnp.min(lacc)
            plsc.store_scatter(klab, [jnp.full((_L,), t, jnp.int32)],
                               jnp.full((_L,), labt, jnp.int32), mask=lane0)

        lax.fori_loop(0, _KPAD, _lab_body, 0)

        for k in range(_KPAD // _L):
            sl = pl.ds(k * _L, _L)
            mvalid = (lanes + k * _L) < cntf
            kx1[sl] = jnp.where(mvalid, kx1[sl], 0.0)
            ky1[sl] = jnp.where(mvalid, ky1[sl], 0.0)
            kx2[sl] = jnp.where(mvalid, kx2[sl], 0.0)
            ky2[sl] = jnp.where(mvalid, ky2[sl], 0.0)
            ksc[sl] = jnp.where(mvalid, ksc[sl], 0.0)
            klab[sl] = jnp.where(mvalid, klab[sl], 0)
        cnt_v[pl.ds(0, _L)] = jnp.full((_L,), cntf, jnp.int32)

        pltpu.sync_copy(kx1, ob_hbm.at[i, 0])
        pltpu.sync_copy(ky1, ob_hbm.at[i, 1])
        pltpu.sync_copy(kx2, ob_hbm.at[i, 2])
        pltpu.sync_copy(ky2, ob_hbm.at[i, 3])
        pltpu.sync_copy(ksc, os_hbm.at[i])
        pltpu.sync_copy(klab, ol_hbm.at[i])
        pltpu.sync_copy(cnt_v, oc_hbm.at[i])


def kernel(b_coords, b_o, b_scores):
    cx = b_coords[..., 0]
    cy = b_coords[..., 1]
    cw = b_coords[..., 2]
    chh = b_coords[..., 3]
    sm, x1, y1, x2, y2 = _prep(b_scores, b_o, cx, cy, cw, chh)
    ob, osc, ol, oc = _nms_sc(sm, x1, y1, x2, y2,
                              b_scores.reshape(_B * _N, _C))
    out_boxes = jnp.transpose(ob, (0, 2, 1))[:, :_MAX_DET, :]
    out_scores = osc[:, :_MAX_DET]
    out_labels = ol[:, :_MAX_DET]
    counts = oc[:, 0]
    return out_boxes, out_scores, out_labels, counts

# --- scband reference (transcript-rebuilt; emitter-appended) ---
"""Pipeline reference for scband-yolo-84361747628425 (READ-ONLY COPY).

The authoritative reference and input builder live on the scoring server;
editing this copy changes nothing except your own understanding.
"""

import jax, jax.numpy as jnp
import numpy as np

B, N, C = 4, 20000, 80
MAX_DET = 100
NMS_THR = 0.7
SCORE_THR = 0.05


def setup_inputs(seed: int = 0) -> dict:
    key = jax.random.key(seed)
    k1, k2, k3 = jax.random.split(key, 3)
    b_coords = jax.random.uniform(k1, (B, N, 4), dtype=jnp.float32)
    b_o = jax.random.normal(k2, (B, N), dtype=jnp.float32)
    b_scores = jax.random.normal(k3, (B, N, C), dtype=jnp.float32)
    return {"b_coords": b_coords, "b_o": b_o, "b_scores": b_scores}


def _transform_np(coords):
    # Faithful to torch code incl. view aliasing: wh = coords[..., 2:] is a VIEW,
    # so after in-place updates, coords[:, :2] -= wh/2 uses the UPDATED coords[:, 2:].
    coords = coords.copy()
    coords[:, 2:] = coords[:, 2:] / 2.0
    coords[:, 2:] = coords[:, 2:] + coords[:, :2]
    coords[:, :2] = coords[:, :2] - coords[:, 2:] / 2.0
    return np.clip(coords, 0.0, 1.0)


def _nms_np(boxes, scores, iou_thr):
    # greedy NMS matching torchvision.ops.nms semantics
    x1, y1, x2, y2 = boxes[:, 0], boxes[:, 1], boxes[:, 2], boxes[:, 3]
    areas = (x2 - x1) * (y2 - y1)
    order = np.argsort(-scores, kind="stable")
    keep = []
    while order.size > 0:
        i = order[0]
        keep.append(i)
        if order.size == 1:
            break
        rest = order[1:]
        xx1 = np.maximum(x1[i], x1[rest])
        yy1 = np.maximum(y1[i], y1[rest])
        xx2 = np.minimum(x2[i], x2[rest])
        yy2 = np.minimum(y2[i], y2[rest])
        w = np.maximum(0.0, xx2 - xx1)
        h = np.maximum(0.0, yy2 - yy1)
        inter = w * h
        iou = inter / (areas[i] + areas[rest] - inter + 1e-12)
        order = rest[iou <= iou_thr]
    return np.asarray(keep, dtype=np.int64)


def _transform_jnp(coords):
    wh = coords[:, 2:] / 2.0
    xy2 = wh + coords[:, :2]
    xy1 = coords[:, :2] - xy2 / 2.0
    return jnp.clip(jnp.concatenate([xy1, xy2], axis=1), 0.0, 1.0)


def reference(b_coords, b_o, b_scores):
    out_boxes = jnp.zeros((B, MAX_DET, 4), jnp.float32)
    out_scores = jnp.zeros((B, MAX_DET), jnp.float32)
    out_labels = jnp.zeros((B, MAX_DET), jnp.int32)
    counts = jnp.zeros((B,), jnp.int32)
    for i in range(b_coords.shape[0]):
        alive0 = b_o[i] >= 0.5
        boxes = _transform_jnp(b_coords[i])
        cls = b_scores[i]
        labels = jnp.argmax(cls, axis=-1).astype(jnp.int32)
        scores = jnp.max(cls, axis=-1)
        x1, y1, x2, y2 = boxes[:, 0], boxes[:, 1], boxes[:, 2], boxes[:, 3]
        areas = (x2 - x1) * (y2 - y1)

        def body(t, st):
            alive, ob, osc, ol, cnt = st
            masked = jnp.where(alive, scores, -jnp.inf)
            j = jnp.argmax(masked)
            has = alive[j]
            sj = scores[j]
            keep = has & (sj >= SCORE_THR)
            ob = ob.at[t].set(jnp.where(keep, boxes[j], ob[t]))
            osc = osc.at[t].set(jnp.where(keep, sj, osc[t]))
            ol = ol.at[t].set(jnp.where(keep, labels[j], ol[t]))
            cnt = cnt + keep.astype(jnp.int32)
            xx1 = jnp.maximum(x1[j], x1)
            yy1 = jnp.maximum(y1[j], y1)
            xx2 = jnp.minimum(x2[j], x2)
            yy2 = jnp.minimum(y2[j], y2)
            w = jnp.maximum(0.0, xx2 - xx1)
            h = jnp.maximum(0.0, yy2 - yy1)
            inter = w * h
            iou = inter / (areas[j] + areas - inter + 1e-12)
            new_alive = alive & (iou <= NMS_THR)
            new_alive = new_alive.at[j].set(False)
            alive = jnp.where(keep, new_alive, jnp.zeros_like(alive))
            return (alive, ob, osc, ol, cnt)

        init = (
            alive0,
            jnp.zeros((MAX_DET, 4), jnp.float32),
            jnp.zeros((MAX_DET,), jnp.float32),
            jnp.zeros((MAX_DET,), jnp.int32),
            jnp.zeros((), jnp.int32),
        )
        _, ob_i, osc_i, ol_i, cnt_i = jax.lax.fori_loop(0, MAX_DET, body, init)
        out_boxes = out_boxes.at[i].set(ob_i)
        out_scores = out_scores.at[i].set(osc_i)
        out_labels = out_labels.at[i].set(ol_i)
        counts = counts.at[i].set(cnt_i)
    return (out_boxes, out_scores, out_labels, counts)

if __name__ == "__main__":
    import jax
    _d = setup_inputs()
    print(jax.jit(kernel)(*tuple(_d.values())))

</pallas_src>

<mosaic_0001>
#map = affine_map<(d0, d1) -> (0, 0)>
#map1 = affine_map<(d0, d1) -> (0, 0, 0)>
module attributes {stable_mosaic.version = 14 : i64} {
  func.func @_nms_sc(%arg0: i32, %arg1: i32, %arg2: memref<4x20000xf32, #tpu.memory_space<hbm>>, %arg3: memref<4x20000xf32, #tpu.memory_space<hbm>>, %arg4: memref<4x20000xf32, #tpu.memory_space<hbm>>, %arg5: memref<4x20000xf32, #tpu.memory_space<hbm>>, %arg6: memref<4x20000xf32, #tpu.memory_space<hbm>>, %arg7: memref<80000x80xf32, #tpu.memory_space<hbm>>, %arg8: memref<4x4x112xf32, #tpu.memory_space<hbm>>, %arg9: memref<4x112xf32, #tpu.memory_space<hbm>>, %arg10: memref<4x112xi32, #tpu.memory_space<hbm>>, %arg11: memref<4x16xi32, #tpu.memory_space<hbm>>, %arg12: memref<20000xf32, #tpu.memory_space<vmem>>, %arg13: memref<20000xf32, #tpu.memory_space<vmem>>, %arg14: memref<20000xf32, #tpu.memory_space<vmem>>, %arg15: memref<20000xf32, #tpu.memory_space<vmem>>, %arg16: memref<20000xf32, #tpu.memory_space<vmem>>, %arg17: memref<128xf32, #tpu.memory_space<vmem>>, %arg18: memref<112xf32, #tpu.memory_space<vmem>>, %arg19: memref<112xf32, #tpu.memory_space<vmem>>, %arg20: memref<112xf32, #tpu.memory_space<vmem>>, %arg21: memref<112xf32, #tpu.memory_space<vmem>>, %arg22: memref<112xf32, #tpu.memory_space<vmem>>, %arg23: memref<112xf32, #tpu.memory_space<vmem>>, %arg24: memref<112xi32, #tpu.memory_space<vmem>>, %arg25: memref<112x80xf32, #tpu.memory_space<vmem>>, %arg26: memref<16xi32, #tpu.memory_space<vmem>>, %arg27: memref<16xi32, #tpu.memory_space<vmem>>, %arg28: memref<2xi32, #tpu.memory_space<smem>>, %arg29: memref<!tpu.dma_semaphore, #tpu.memory_space<semaphore_mem>>) attributes {dimension_semantics = [#tpu.dimension_semantics<core_parallel>, #tpu.dimension_semantics<subcore_parallel>], iteration_bounds = array<i64: 2, 16>, scalar_prefetch = 0 : i64, scratch_operands = 18 : i64, tpu.core_type = #tpu.core_type<sc_vector_subcore>, window_params = [{transform_indices = #map}, {transform_indices = #map}, {transform_indices = #map}, {transform_indices = #map}, {transform_indices = #map}, {transform_indices = #map}, {transform_indices = #map1}, {transform_indices = #map}, {transform_indices = #map}, {transform_indices = #map}]} {
    %mul3A = arith.constant 2 : i32
    %mul3A_0 = arith.muli %arg1, %mul3A : i32
    %add3A = arith.addi %mul3A_0, %arg0 : i32
    %lt3A = arith.constant 4 : i32
    %lt3A_1 = arith.cmpi slt, %add3A, %lt3A : i32
    %convert_element_type3A = arith.extui %lt3A_1 : i1 to i32
    %cond3A = arith.constant 0 : i32
    %cond3A_2 = arith.cmpi ne, %convert_element_type3A, %cond3A : i32
    scf.if %cond3A_2 {
      "tpu.region"() ({
        %run_scoped3A_486 = tpu.sem_alloc : memref<!tpu.dma_semaphore, #tpu.memory_space<semaphore_mem>>
        %dma_start3A = arith.constant 0 : i32
        %dma_start3A_487 = tpu.memref_slice %arg2[%add3A, %dma_start3A] : memref<4x20000xf32, #tpu.memory_space<hbm>> -> memref<1x20000xf32, #tpu.memory_space<hbm>>
        %dma_start3A_488 = tpu.memref_squeeze %dma_start3A_487 : memref<1x20000xf32, #tpu.memory_space<hbm>> -> memref<20000xf32, #tpu.memory_space<hbm>>
        %dma_start3A_489 = arith.constant 0 : i32
        %dma_start3A_490 = tpu.memref_slice %arg2[%add3A, %dma_start3A_489] : memref<4x20000xf32, #tpu.memory_space<hbm>> -> memref<1x20000xf32, #tpu.memory_space<hbm>>
        %dma_start3A_491 = tpu.memref_squeeze %dma_start3A_490 : memref<1x20000xf32, #tpu.memory_space<hbm>> -> memref<20000xf32, #tpu.memory_space<hbm>>
        tpu.enqueue_dma source(%dma_start3A_491 : memref<20000xf32, #tpu.memory_space<hbm>>) target(%arg12 : memref<20000xf32, #tpu.memory_space<vmem>>) target_semaphore(%run_scoped3A_486 : memref<!tpu.dma_semaphore, #tpu.memory_space<semaphore_mem>>)
        %dma_wait3A = arith.constant 0 : i32
        %dma_wait3A_492 = tpu.memref_slice %arg2[%add3A, %dma_wait3A] : memref<4x20000xf32, #tpu.memory_space<hbm>> -> memref<1x20000xf32, #tpu.memory_space<hbm>>
        %dma_wait3A_493 = tpu.memref_squeeze %dma_wait3A_492 : memref<1x20000xf32, #tpu.memory_space<hbm>> -> memref<20000xf32, #tpu.memory_space<hbm>>
        %dma_wait3A_494 = arith.constant 0 : i32
        %dma_wait3A_495 = tpu.memref_slice %arg2[%add3A, %dma_wait3A_494] : memref<4x20000xf32, #tpu.memory_space<hbm>> -> memref<1x20000xf32, #tpu.memory_space<hbm>>
        %dma_wait3A_496 = tpu.memref_squeeze %dma_wait3A_495 : memref<1x20000xf32, #tpu.memory_space<hbm>> -> memref<20000xf32, #tpu.memory_space<hbm>>
        tpu.wait_dma2 semaphore(%run_scoped3A_486 : memref<!tpu.dma_semaphore, #tpu.memory_space<semaphore_mem>>) src(%dma_wait3A_496 : memref<20000xf32, #tpu.memory_space<hbm>>) dst(%arg12 : memref<20000xf32, #tpu.memory_space<vmem>>)
        tpu.yield
      }) : () -> ()
      "tpu.region"() ({
        %run_scoped3A_486 = tpu.sem_alloc : memref<!tpu.dma_semaphore, #tpu.memory_space<semaphore_mem>>
        %dma_start3A = arith.constant 0 : i32
        %dma_start3A_487 = tpu.memref_slice %arg3[%add3A, %dma_start3A] : memref<4x20000xf32, #tpu.memory_space<hbm>> -> memref<1x20000xf32, #tpu.memory_space<hbm>>
        %dma_start3A_488 = tpu.memref_squeeze %dma_start3A_487 : memref<1x20000xf32, #tpu.memory_space<hbm>> -> memref<20000xf32, #tpu.memory_space<hbm>>
        %dma_start3A_489 = arith.constant 0 : i32
        %dma_start3A_490 = tpu.memref_slice %arg3[%add3A, %dma_start3A_489] : memref<4x20000xf32, #tpu.memory_space<hbm>> -> memref<1x20000xf32, #tpu.memory_space<hbm>>
        %dma_start3A_491 = tpu.memref_squeeze %dma_start3A_490 : memref<1x20000xf32, #tpu.memory_space<hbm>> -> memref<20000xf32, #tpu.memory_space<hbm>>
        tpu.enqueue_dma source(%dma_start3A_491 : memref<20000xf32, #tpu.memory_space<hbm>>) target(%arg13 : memref<20000xf32, #tpu.memory_space<vmem>>) target_semaphore(%run_scoped3A_486 : memref<!tpu.dma_semaphore, #tpu.memory_space<semaphore_mem>>)
        %dma_wait3A = arith.constant 0 : i32
        %dma_wait3A_492 = tpu.memref_slice %arg3[%add3A, %dma_wait3A] : memref<4x20000xf32, #tpu.memory_space<hbm>> -> memref<1x20000xf32, #tpu.memory_space<hbm>>
        %dma_wait3A_493 = tpu.memref_squeeze %dma_wait3A_492 : memref<1x20000xf32, #tpu.memory_space<hbm>> -> memref<20000xf32, #tpu.memory_space<hbm>>
        %dma_wait3A_494 = arith.constant 0 : i32
        %dma_wait3A_495 = tpu.memref_slice %arg3[%add3A, %dma_wait3A_494] : memref<4x20000xf32, #tpu.memory_space<hbm>> -> memref<1x20000xf32, #tpu.memory_space<hbm>>
        %dma_wait3A_496 = tpu.memref_squeeze %dma_wait3A_495 : memref<1x20000xf32, #tpu.memory_space<hbm>> -> memref<20000xf32, #tpu.memory_space<hbm>>
        tpu.wait_dma2 semaphore(%run_scoped3A_486 : memref<!tpu.dma_semaphore, #tpu.memory_space<semaphore_mem>>) src(%dma_wait3A_496 : memref<20000xf32, #tpu.memory_space<hbm>>) dst(%arg13 : memref<20000xf32, #tpu.memory_space<vmem>>)
        tpu.yield
      }) : () -> ()
      "tpu.region"() ({
        %run_scoped3A_486 = tpu.sem_alloc : memref<!tpu.dma_semaphore, #tpu.memory_space<semaphore_mem>>
        %dma_start3A = arith.constant 0 : i32
        %dma_start3A_487 = tpu.memref_slice %arg4[%add3A, %dma_start3A] : memref<4x20000xf32, #tpu.memory_space<hbm>> -> memref<1x20000xf32, #tpu.memory_space<hbm>>
        %dma_start3A_488 = tpu.memref_squeeze %dma_start3A_487 : memref<1x20000xf32, #tpu.memory_space<hbm>> -> memref<20000xf32, #tpu.memory_space<hbm>>
        %dma_start3A_489 = arith.constant 0 : i32
        %dma_start3A_490 = tpu.memref_slice %arg4[%add3A, %dma_start3A_489] : memref<4x20000xf32, #tpu.memory_space<hbm>> -> memref<1x20000xf32, #tpu.memory_space<hbm>>
        %dma_start3A_491 = tpu.memref_squeeze %dma_start3A_490 : memref<1x20000xf32, #tpu.memory_space<hbm>> -> memref<20000xf32, #tpu.memory_space<hbm>>
        tpu.enqueue_dma source(%dma_start3A_491 : memref<20000xf32, #tpu.memory_space<hbm>>) target(%arg14 : memref<20000xf32, #tpu.memory_space<vmem>>) target_semaphore(%run_scoped3A_486 : memref<!tpu.dma_semaphore, #tpu.memory_space<semaphore_mem>>)
        %dma_wait3A = arith.constant 0 : i32
        %dma_wait3A_492 = tpu.memref_slice %arg4[%add3A, %dma_wait3A] : memref<4x20000xf32, #tpu.memory_space<hbm>> -> memref<1x20000xf32, #tpu.memory_space<hbm>>
        %dma_wait3A_493 = tpu.memref_squeeze %dma_wait3A_492 : memref<1x20000xf32, #tpu.memory_space<hbm>> -> memref<20000xf32, #tpu.memory_space<hbm>>
        %dma_wait3A_494 = arith.constant 0 : i32
        %dma_wait3A_495 = tpu.memref_slice %arg4[%add3A, %dma_wait3A_494] : memref<4x20000xf32, #tpu.memory_space<hbm>> -> memref<1x20000xf32, #tpu.memory_space<hbm>>
        %dma_wait3A_496 = tpu.memref_squeeze %dma_wait3A_495 : memref<1x20000xf32, #tpu.memory_space<hbm>> -> memref<20000xf32, #tpu.memory_space<hbm>>
        tpu.wait_dma2 semaphore(%run_scoped3A_486 : memref<!tpu.dma_semaphore, #tpu.memory_space<semaphore_mem>>) src(%dma_wait3A_496 : memref<20000xf32, #tpu.memory_space<hbm>>) dst(%arg14 : memref<20000xf32, #tpu.memory_space<vmem>>)
        tpu.yield
      }) : () -> ()
      "tpu.region"() ({
        %run_scoped3A_486 = tpu.sem_alloc : memref<!tpu.dma_semaphore, #tpu.memory_space<semaphore_mem>>
        %dma_start3A = arith.constant 0 : i32
        %dma_start3A_487 = tpu.memref_slice %arg5[%add3A, %dma_start3A] : memref<4x20000xf32, #tpu.memory_space<hbm>> -> memref<1x20000xf32, #tpu.memory_space<hbm>>
        %dma_start3A_488 = tpu.memref_squeeze %dma_start3A_487 : memref<1x20000xf32, #tpu.memory_space<hbm>> -> memref<20000xf32, #tpu.memory_space<hbm>>
        %dma_start3A_489 = arith.constant 0 : i32
        %dma_start3A_490 = tpu.memref_slice %arg5[%add3A, %dma_start3A_489] : memref<4x20000xf32, #tpu.memory_space<hbm>> -> memref<1x20000xf32, #tpu.memory_space<hbm>>
        %dma_start3A_491 = tpu.memref_squeeze %dma_start3A_490 : memref<1x20000xf32, #tpu.memory_space<hbm>> -> memref<20000xf32, #tpu.memory_space<hbm>>
        tpu.enqueue_dma source(%dma_start3A_491 : memref<20000xf32, #tpu.memory_space<hbm>>) target(%arg15 : memref<20000xf32, #tpu.memory_space<vmem>>) target_semaphore(%run_scoped3A_486 : memref<!tpu.dma_semaphore, #tpu.memory_space<semaphore_mem>>)
        %dma_wait3A = arith.constant 0 : i32
        %dma_wait3A_492 = tpu.memref_slice %arg5[%add3A, %dma_wait3A] : memref<4x20000xf32, #tpu.memory_space<hbm>> -> memref<1x20000xf32, #tpu.memory_space<hbm>>
        %dma_wait3A_493 = tpu.memref_squeeze %dma_wait3A_492 : memref<1x20000xf32, #tpu.memory_space<hbm>> -> memref<20000xf32, #tpu.memory_space<hbm>>
        %dma_wait3A_494 = arith.constant 0 : i32
        %dma_wait3A_495 = tpu.memref_slice %arg5[%add3A, %dma_wait3A_494] : memref<4x20000xf32, #tpu.memory_space<hbm>> -> memref<1x20000xf32, #tpu.memory_space<hbm>>
        %dma_wait3A_496 = tpu.memref_squeeze %dma_wait3A_495 : memref<1x20000xf32, #tpu.memory_space<hbm>> -> memref<20000xf32, #tpu.memory_space<hbm>>
        tpu.wait_dma2 semaphore(%run_scoped3A_486 : memref<!tpu.dma_semaphore, #tpu.memory_space<semaphore_mem>>) src(%dma_wait3A_496 : memref<20000xf32, #tpu.memory_space<hbm>>) dst(%arg15 : memref<20000xf32, #tpu.memory_space<vmem>>)
        tpu.yield
      }) : () -> ()
      "tpu.region"() ({
        %run_scoped3A_486 = tpu.sem_alloc : memref<!tpu.dma_semaphore, #tpu.memory_space<semaphore_mem>>
        %dma_start3A = arith.constant 0 : i32
        %dma_start3A_487 = tpu.memref_slice %arg6[%add3A, %dma_start3A] : memref<4x20000xf32, #tpu.memory_space<hbm>> -> memref<1x20000xf32, #tpu.memory_space<hbm>>
        %dma_start3A_488 = tpu.memref_squeeze %dma_start3A_487 : memref<1x20000xf32, #tpu.memory_space<hbm>> -> memref<20000xf32, #tpu.memory_space<hbm>>
        %dma_start3A_489 = arith.constant 0 : i32
        %dma_start3A_490 = tpu.memref_slice %arg6[%add3A, %dma_start3A_489] : memref<4x20000xf32, #tpu.memory_space<hbm>> -> memref<1x20000xf32, #tpu.memory_space<hbm>>
        %dma_start3A_491 = tpu.memref_squeeze %dma_start3A_490 : memref<1x20000xf32, #tpu.memory_space<hbm>> -> memref<20000xf32, #tpu.memory_space<hbm>>
        tpu.enqueue_dma source(%dma_start3A_491 : memref<20000xf32, #tpu.memory_space<hbm>>) target(%arg16 : memref<20000xf32, #tpu.memory_space<vmem>>) target_semaphore(%run_scoped3A_486 : memref<!tpu.dma_semaphore, #tpu.memory_space<semaphore_mem>>)
        %dma_wait3A = arith.constant 0 : i32
        %dma_wait3A_492 = tpu.memref_slice %arg6[%add3A, %dma_wait3A] : memref<4x20000xf32, #tpu.memory_space<hbm>> -> memref<1x20000xf32, #tpu.memory_space<hbm>>
        %dma_wait3A_493 = tpu.memref_squeeze %dma_wait3A_492 : memref<1x20000xf32, #tpu.memory_space<hbm>> -> memref<20000xf32, #tpu.memory_space<hbm>>
        %dma_wait3A_494 = arith.constant 0 : i32
        %dma_wait3A_495 = tpu.memref_slice %arg6[%add3A, %dma_wait3A_494] : memref<4x20000xf32, #tpu.memory_space<hbm>> -> memref<1x20000xf32, #tpu.memory_space<hbm>>
        %dma_wait3A_496 = tpu.memref_squeeze %dma_wait3A_495 : memref<1x20000xf32, #tpu.memory_space<hbm>> -> memref<20000xf32, #tpu.memory_space<hbm>>
        tpu.wait_dma2 semaphore(%run_scoped3A_486 : memref<!tpu.dma_semaphore, #tpu.memory_space<semaphore_mem>>) src(%dma_wait3A_496 : memref<20000xf32, #tpu.memory_space<hbm>>) dst(%arg16 : memref<20000xf32, #tpu.memory_space<vmem>>)
        tpu.yield
      }) : () -> ()
      %iota3A = tpu.iota {dimensions = array<i32: 0>} : vector<16xi32>
      %eq3A = arith.constant 0 : i32
      %eq3A_3 = vector.broadcast %eq3A : i32 to vector<16xi32>
      %eq3A_4 = arith.cmpi eq, %iota3A, %eq3A_3 : vector<16xi32>
      %broadcast_in_dim3A = arith.constant 0.000000e+00 : f32
      %broadcast_in_dim3A_5 = vector.broadcast %broadcast_in_dim3A : f32 to vector<16xf32>
      %broadcast_in_dim3A_6 = arith.constant 0 : i32
      %broadcast_in_dim3A_7 = vector.broadcast %broadcast_in_dim3A_6 : i32 to vector<16xi32>
      %broadcast_in_dim3A_8 = arith.constant 2.000000e+00 : f32
      %broadcast_in_dim3A_9 = vector.broadcast %broadcast_in_dim3A_8 : f32 to vector<16xf32>
      %broadcast_in_dim3A_10 = arith.constant 0xFF800000 : f32
      %broadcast_in_dim3A_11 = vector.broadcast %broadcast_in_dim3A_10 : f32 to vector<16xf32>
      %broadcast_in_dim3A_12 = arith.constant 1073741824 : i32
      %broadcast_in_dim3A_13 = vector.broadcast %broadcast_in_dim3A_12 : i32 to vector<16xi32>
      %swap3A = arith.constant 0 : index
      %swap3A_14 = tpu.vector_load %arg18[%swap3A] {strides = array<i32>} : memref<112xf32, #tpu.memory_space<vmem>>, vector<16xf32>,
      tpu.vector_store %arg18[%swap3A], %broadcast_in_dim3A_9 {strides = array<i32>} : memref<112xf32, #tpu.memory_space<vmem>>, vector<16xf32>,
      %swap3A_15 = arith.constant 0 : index
      %swap3A_16 = tpu.vector_load %arg19[%swap3A_15] {strides = array<i32>} : memref<112xf32, #tpu.memory_space<vmem>>, vector<16xf32>,
      tpu.vector_store %arg19[%swap3A_15], %broadcast_in_dim3A_9 {strides = array<i32>} : memref<112xf32, #tpu.memory_space<vmem>>, vector<16xf32>,
      %swap3A_17 = arith.constant 0 : index
      %swap3A_18 = tpu.vector_load %arg20[%swap3A_17] {strides = array<i32>} : memref<112xf32, #tpu.memory_space<vmem>>, vector<16xf32>,
      tpu.vector_store %arg20[%swap3A_17], %broadcast_in_dim3A_9 {strides = array<i32>} : memref<112xf32, #tpu.memory_space<vmem>>, vector<16xf32>,
      %swap3A_19 = arith.constant 0 : index
      %swap3A_20 = tpu.vector_load %arg21[%swap3A_19] {strides = array<i32>} : memref<112xf32, #tpu.memory_space<vmem>>, vector<16xf32>,
      tpu.vector_store %arg21[%swap3A_19], %broadcast_in_dim3A_9 {strides = array<i32>} : memref<112xf32, #tpu.memory_space<vmem>>, vector<16xf32>,
      %swap3A_21 = arith.constant 0 : index
      %swap3A_22 = tpu.vector_load %arg22[%swap3A_21] {strides = array<i32>} : memref<112xf32, #tpu.memory_space<vmem>>, vector<16xf32>,
      tpu.vector_store %arg22[%swap3A_21], %broadcast_in_dim3A_5 {strides = array<i32>} : memref<112xf32, #tpu.memory_space<vmem>>, vector<16xf32>,
      %swap3A_23 = arith.constant 0 : index
      %swap3A_24 = tpu.vector_load %arg23[%swap3A_23] {strides = array<i32>} : memref<112xf32, #tpu.memory_space<vmem>>, vector<16xf32>,
      tpu.vector_store %arg23[%swap3A_23], %broadcast_in_dim3A_5 {strides = array<i32>} : memref<112xf32, #tpu.memory_space<vmem>>, vector<16xf32>,
      %swap3A_25 = arith.constant 0 : index
      %swap3A_26 = tpu.vector_load %arg24[%swap3A_25] {strides = array<i32>} : memref<112xi32, #tpu.memory_space<vmem>>, vector<16xi32>,
      tpu.vector_store %arg24[%swap3A_25], %broadcast_in_dim3A_7 {strides = array<i32>} : memref<112xi32, #tpu.memory_space<vmem>>, vector<16xi32>,
      %swap3A_27 = arith.constant 16 : index
      %swap3A_28 = tpu.vector_load %arg18[%swap3A_27] {strides = array<i32>} : memref<112xf32, #tpu.memory_space<vmem>>, vector<16xf32>,
      tpu.vector_store %arg18[%swap3A_27], %broadcast_in_dim3A_9 {strides = array<i32>} : memref<112xf32, #tpu.memory_space<vmem>>, vector<16xf32>,
      %swap3A_29 = arith.constant 16 : index
      %swap3A_30 = tpu.vector_load %arg19[%swap3A_29] {strides = array<i32>} : memref<112xf32, #tpu.memory_space<vmem>>, vector<16xf32>,
      tpu.vector_store %arg19[%swap3A_29], %broadcast_in_dim3A_9 {strides = array<i32>} : memref<112xf32, #tpu.memory_space<vmem>>, vector<16xf32>,
      %swap3A_31 = arith.constant 16 : index
      %swap3A_32 = tpu.vector_load %arg20[%swap3A_31] {strides = array<i32>} : memref<112xf32, #tpu.memory_space<vmem>>, vector<16xf32>,
      tpu.vector_store %arg20[%swap3A_31], %broadcast_in_dim3A_9 {strides = array<i32>} : memref<112xf32, #tpu.memory_space<vmem>>, vector<16xf32>,
      %swap3A_33 = arith.constant 16 : index
      %swap3A_34 = tpu.vector_load %arg21[%swap3A_33] {strides = array<i32>} : memref<112xf32, #tpu.memory_space<vmem>>, vector<16xf32>,
      tpu.vector_store %arg21[%swap3A_33], %broadcast_in_dim3A_9 {strides = array<i32>} : memref<112xf32, #tpu.memory_space<vmem>>, vector<16xf32>,
      %swap3A_35 = arith.constant 16 : index
      %swap3A_36 = tpu.vector_load %arg22[%swap3A_35] {strides = array<i32>} : memref<112xf32, #tpu.memory_space<vmem>>, vector<16xf32>,
      tpu.vector_store %arg22[%swap3A_35], %broadcast_in_dim3A_5 {strides = array<i32>} : memref<112xf32, #tpu.memory_space<vmem>>, vector<16xf32>,
      %swap3A_37 = arith.constant 16 : index
      %swap3A_38 = tpu.vector_load %arg23[%swap3A_37] {strides = array<i32>} : memref<112xf32, #tpu.memory_space<vmem>>, vector<16xf32>,
      tpu.vector_store %arg23[%swap3A_37], %broadcast_in_dim3A_5 {strides = array<i32>} : memref<112xf32, #tpu.memory_space<vmem>>, vector<16xf32>,
      %swap3A_39 = arith.constant 16 : index
      %swap3A_40 = tpu.vector_load %arg24[%swap3A_39] {strides = array<i32>} : memref<112xi32, #tpu.memory_space<vmem>>, vector<16xi32>,
      tpu.vector_store %arg24[%swap3A_39], %broadcast_in_dim3A_7 {strides = array<i32>} : memref<112xi32, #tpu.memory_space<vmem>>, vector<16xi32>,
      %swap3A_41 = arith.constant 32 : index
      %swap3A_42 = tpu.vector_load %arg18[%swap3A_41] {strides = array<i32>} : memref<112xf32, #tpu.memory_space<vmem>>, vector<16xf32>,
      tpu.vector_store %arg18[%swap3A_41], %broadcast_in_dim3A_9 {strides = array<i32>} : memref<112xf32, #tpu.memory_space<vmem>>, vector<16xf32>,
      %swap3A_43 = arith.constant 32 : index
      %swap3A_44 = tpu.vector_load %arg19[%swap3A_43] {strides = array<i32>} : memref<112xf32, #tpu.memory_space<vmem>>, vector<16xf32>,
      tpu.vector_store %arg19[%swap3A_43], %broadcast_in_dim3A_9 {strides = array<i32>} : memref<112xf32, #tpu.memory_space<vmem>>, vector<16xf32>,
      %swap3A_45 = arith.constant 32 : index
      %swap3A_46 = tpu.vector_load %arg20[%swap3A_45] {strides = array<i32>} : memref<112xf32, #tpu.memory_space<vmem>>, vector<16xf32>,
      tpu.vector_store %arg20[%swap3A_45], %broadcast_in_dim3A_9 {strides = array<i32>} : memref<112xf32, #tpu.memory_space<vmem>>, vector<16xf32>,
      %swap3A_47 = arith.constant 32 : index
      %swap3A_48 = tpu.vector_load %arg21[%swap3A_47] {strides = array<i32>} : memref<112xf32, #tpu.memory_space<vmem>>, vector<16xf32>,
      tpu.vector_store %arg21[%swap3A_47], %broadcast_in_dim3A_9 {strides = array<i32>} : memref<112xf32, #tpu.memory_space<vmem>>, vector<16xf32>,
      %swap3A_49 = arith.constant 32 : index
      %swap3A_50 = tpu.vector_load %arg22[%swap3A_49] {strides = array<i32>} : memref<112xf32, #tpu.memory_space<vmem>>, vector<16xf32>,
      tpu.vector_store %arg22[%swap3A_49], %broadcast_in_dim3A_5 {strides = array<i32>} : memref<112xf32, #tpu.memory_space<vmem>>, vector<16xf32>,
      %swap3A_51 = arith.constant 32 : index
      %swap3A_52 = tpu.vector_load %arg23[%swap3A_51] {strides = array<i32>} : memref<112xf32, #tpu.memory_space<vmem>>, vector<16xf32>,
      tpu.vector_store %arg23[%swap3A_51], %broadcast_in_dim3A_5 {strides = array<i32>} : memref<112xf32, #tpu.memory_space<vmem>>, vector<16xf32>,
      %swap3A_53 = arith.constant 32 : index
      %swap3A_54 = tpu.vector_load %arg24[%swap3A_53] {strides = array<i32>} : memref<112xi32, #tpu.memory_space<vmem>>, vector<16xi32>,
      tpu.vector_store %arg24[%swap3A_53], %broadcast_in_dim3A_7 {strides = array<i32>} : memref<112xi32, #tpu.memory_space<vmem>>, vector<16xi32>,
      %swap3A_55 = arith.constant 48 : index
      %swap3A_56 = tpu.vector_load %arg18[%swap3A_55] {strides = array<i32>} : memref<112xf32, #tpu.memory_space<vmem>>, vector<16xf32>,
      tpu.vector_store %arg18[%swap3A_55], %broadcast_in_dim3A_9 {strides = array<i32>} : memref<112xf32, #tpu.memory_space<vmem>>, vector<16xf32>,
      %swap3A_57 = arith.constant 48 : index
      %swap3A_58 = tpu.vector_load %arg19[%swap3A_57] {strides = array<i32>} : memref<112xf32, #tpu.memory_space<vmem>>, vector<16xf32>,
      tpu.vector_store %arg19[%swap3A_57], %broadcast_in_dim3A_9 {strides = array<i32>} : memref<112xf32, #tpu.memory_space<vmem>>, vector<16xf32>,
      %swap3A_59 = arith.constant 48 : index
      %swap3A_60 = tpu.vector_load %arg20[%swap3A_59] {strides = array<i32>} : memref<112xf32, #tpu.memory_space<vmem>>, vector<16xf32>,
      tpu.vector_store %arg20[%swap3A_59], %broadcast_in_dim3A_9 {strides = array<i32>} : memref<112xf32, #tpu.memory_space<vmem>>, vector<16xf32>,
      %swap3A_61 = arith.constant 48 : index
      %swap3A_62 = tpu.vector_load %arg21[%swap3A_61] {strides = array<i32>} : memref<112xf32, #tpu.memory_space<vmem>>, vector<16xf32>,
      tpu.vector_store %arg21[%swap3A_61], %broadcast_in_dim3A_9 {strides = array<i32>} : memref<112xf32, #tpu.memory_space<vmem>>, vector<16xf32>,
      %swap3A_63 = arith.constant 48 : index
      %swap3A_64 = tpu.vector_load %arg22[%swap3A_63] {strides = array<i32>} : memref<112xf32, #tpu.memory_space<vmem>>, vector<16xf32>,
      tpu.vector_store %arg22[%swap3A_63], %broadcast_in_dim3A_5 {strides = array<i32>} : memref<112xf32, #tpu.memory_space<vmem>>, vector<16xf32>,
      %swap3A_65 = arith.constant 48 : index
      %swap3A_66 = tpu.vector_load %arg23[%swap3A_65] {strides = array<i32>} : memref<112xf32, #tpu.memory_space<vmem>>, vector<16xf32>,
      tpu.vector_store %arg23[%swap3A_65], %broadcast_in_dim3A_5 {strides = array<i32>} : memref<112xf32, #tpu.memory_space<vmem>>, vector<16xf32>,
      %swap3A_67 = arith.constant 48 : index
      %swap3A_68 = tpu.vector_load %arg24[%swap3A_67] {strides = array<i32>} : memref<112xi32, #tpu.memory_space<vmem>>, vector<16xi32>,
      tpu.vector_store %arg24[%swap3A_67], %broadcast_in_dim3A_7 {strides = array<i32>} : memref<112xi32, #tpu.memory_space<vmem>>, vector<16xi32>,
      %swap3A_69 = arith.constant 64 : index
      %swap3A_70 = tpu.vector_load %arg18[%swap3A_69] {strides = array<i32>} : memref<112xf32, #tpu.memory_space<vmem>>, vector<16xf32>,
      tpu.vector_store %arg18[%swap3A_69], %broadcast_in_dim3A_9 {strides = array<i32>} : memref<112xf32, #tpu.memory_space<vmem>>, vector<16xf32>,
      %swap3A_71 = arith.constant 64 : index
      %swap3A_72 = tpu.vector_load %arg19[%swap3A_71] {strides = array<i32>} : memref<112xf32, #tpu.memory_space<vmem>>, vector<16xf32>,
      tpu.vector_store %arg19[%swap3A_71], %broadcast_in_dim3A_9 {strides = array<i32>} : memref<112xf32, #tpu.memory_space<vmem>>, vector<16xf32>,
      %swap3A_73 = arith.constant 64 : index
      %swap3A_74 = tpu.vector_load %arg20[%swap3A_73] {strides = array<i32>} : memref<112xf32, #tpu.memory_space<vmem>>, vector<16xf32>,
      tpu.vector_store %arg20[%swap3A_73], %broadcast_in_dim3A_9 {strides = array<i32>} : memref<112xf32, #tpu.memory_space<vmem>>, vector<16xf32>,
      %swap3A_75 = arith.constant 64 : index
      %swap3A_76 = tpu.vector_load %arg21[%swap3A_75] {strides = array<i32>} : memref<112xf32, #tpu.memory_space<vmem>>, vector<16xf32>,
      tpu.vector_store %arg21[%swap3A_75], %broadcast_in_dim3A_9 {strides = array<i32>} : memref<112xf32, #tpu.memory_space<vmem>>, vector<16xf32>,
      %swap3A_77 = arith.constant 64 : index
      %swap3A_78 = tpu.vector_load %arg22[%swap3A_77] {strides = array<i32>} : memref<112xf32, #tpu.memory_space<vmem>>, vector<16xf32>,
      tpu.vector_store %arg22[%swap3A_77], %broadcast_in_dim3A_5 {strides = array<i32>} : memref<112xf32, #tpu.memory_space<vmem>>, vector<16xf32>,
      %swap3A_79 = arith.constant 64 : index
      %swap3A_80 = tpu.vector_load %arg23[%swap3A_79] {strides = array<i32>} : memref<112xf32, #tpu.memory_space<vmem>>, vector<16xf32>,
      tpu.vector_store %arg23[%swap3A_79], %broadcast_in_dim3A_5 {strides = array<i32>} : memref<112xf32, #tpu.memory_space<vmem>>, vector<16xf32>,
      %swap3A_81 = arith.constant 64 : index
      %swap3A_82 = tpu.vector_load %arg24[%swap3A_81] {strides = array<i32>} : memref<112xi32, #tpu.memory_space<vmem>>, vector<16xi32>,
      tpu.vector_store %arg24[%swap3A_81], %broadcast_in_dim3A_7 {strides = array<i32>} : memref<112xi32, #tpu.memory_space<vmem>>, vector<16xi32>,
      %swap3A_83 = arith.constant 80 : index
      %swap3A_84 = tpu.vector_load %arg18[%swap3A_83] {strides = array<i32>} : memref<112xf32, #tpu.memory_space<vmem>>, vector<16xf32>,
      tpu.vector_store %arg18[%swap3A_83], %broadcast_in_dim3A_9 {strides = array<i32>} : memref<112xf32, #tpu.memory_space<vmem>>, vector<16xf32>,
      %swap3A_85 = arith.constant 80 : index
      %swap3A_86 = tpu.vector_load %arg19[%swap3A_85] {strides = array<i32>} : memref<112xf32, #tpu.memory_space<vmem>>, vector<16xf32>,
      tpu.vector_store %arg19[%swap3A_85], %broadcast_in_dim3A_9 {strides = array<i32>} : memref<112xf32, #tpu.memory_space<vmem>>, vector<16xf32>,
      %swap3A_87 = arith.constant 80 : index
      %swap3A_88 = tpu.vector_load %arg20[%swap3A_87] {strides = array<i32>} : memref<112xf32, #tpu.memory_space<vmem>>, vector<16xf32>,
      tpu.vector_store %arg20[%swap3A_87], %broadcast_in_dim3A_9 {strides = array<i32>} : memref<112xf32, #tpu.memory_space<vmem>>, vector<16xf32>,
      %swap3A_89 = arith.constant 80 : index
      %swap3A_90 = tpu.vector_load %arg21[%swap3A_89] {strides = array<i32>} : memref<112xf32, #tpu.memory_space<vmem>>, vector<16xf32>,
      tpu.vector_store %arg21[%swap3A_89], %broadcast_in_dim3A_9 {strides = array<i32>} : memref<112xf32, #tpu.memory_space<vmem>>, vector<16xf32>,
      %swap3A_91 = arith.constant 80 : index
      %swap3A_92 = tpu.vector_load %arg22[%swap3A_91] {strides = array<i32>} : memref<112xf32, #tpu.memory_space<vmem>>, vector<16xf32>,
      tpu.vector_store %arg22[%swap3A_91], %broadcast_in_dim3A_5 {strides = array<i32>} : memref<112xf32, #tpu.memory_space<vmem>>, vector<16xf32>,
      %swap3A_93 = arith.constant 80 : index
      %swap3A_94 = tpu.vector_load %arg23[%swap3A_93] {strides = array<i32>} : memref<112xf32, #tpu.memory_space<vmem>>, vector<16xf32>,
      tpu.vector_store %arg23[%swap3A_93], %broadcast_in_dim3A_5 {strides = array<i32>} : memref<112xf32, #tpu.memory_space<vmem>>, vector<16xf32>,
      %swap3A_95 = arith.constant 80 : index
      %swap3A_96 = tpu.vector_load %arg24[%swap3A_95] {strides = array<i32>} : memref<112xi32, #tpu.memory_space<vmem>>, vector<16xi32>,
      tpu.vector_store %arg24[%swap3A_95], %broadcast_in_dim3A_7 {strides = array<i32>} : memref<112xi32, #tpu.memory_space<vmem>>, vector<16xi32>,
      %swap3A_97 = arith.constant 96 : index
      %swap3A_98 = tpu.vector_load %arg18[%swap3A_97] {strides = array<i32>} : memref<112xf32, #tpu.memory_space<vmem>>, vector<16xf32>,
      tpu.vector_store %arg18[%swap3A_97], %broadcast_in_dim3A_9 {strides = array<i32>} : memref<112xf32, #tpu.memory_space<vmem>>, vector<16xf32>,
      %swap3A_99 = arith.constant 96 : index
      %swap3A_100 = tpu.vector_load %arg19[%swap3A_99] {strides = array<i32>} : memref<112xf32, #tpu.memory_space<vmem>>, vector<16xf32>,
      tpu.vector_store %arg19[%swap3A_99], %broadcast_in_dim3A_9 {strides = array<i32>} : memref<112xf32, #tpu.memory_space<vmem>>, vector<16xf32>,
      %swap3A_101 = arith.constant 96 : index
      %swap3A_102 = tpu.vector_load %arg20[%swap3A_101] {strides = array<i32>} : memref<112xf32, #tpu.memory_space<vmem>>, vector<16xf32>,
      tpu.vector_store %arg20[%swap3A_101], %broadcast_in_dim3A_9 {strides = array<i32>} : memref<112xf32, #tpu.memory_space<vmem>>, vector<16xf32>,
      %swap3A_103 = arith.constant 96 : index
      %swap3A_104 = tpu.vector_load %arg21[%swap3A_103] {strides = array<i32>} : memref<112xf32, #tpu.memory_space<vmem>>, vector<16xf32>,
      tpu.vector_store %arg21[%swap3A_103], %broadcast_in_dim3A_9 {strides = array<i32>} : memref<112xf32, #tpu.memory_space<vmem>>, vector<16xf32>,
      %swap3A_105 = arith.constant 96 : index
      %swap3A_106 = tpu.vector_load %arg22[%swap3A_105] {strides = array<i32>} : memref<112xf32, #tpu.memory_space<vmem>>, vector<16xf32>,
      tpu.vector_store %arg22[%swap3A_105], %broadcast_in_dim3A_5 {strides = array<i32>} : memref<112xf32, #tpu.memory_space<vmem>>, vector<16xf32>,
      %swap3A_107 = arith.constant 96 : index
      %swap3A_108 = tpu.vector_load %arg23[%swap3A_107] {strides = array<i32>} : memref<112xf32, #tpu.memory_space<vmem>>, vector<16xf32>,
      tpu.vector_store %arg23[%swap3A_107], %broadcast_in_dim3A_5 {strides = array<i32>} : memref<112xf32, #tpu.memory_space<vmem>>, vector<16xf32>,
      %swap3A_109 = arith.constant 96 : index
      %swap3A_110 = tpu.vector_load %arg24[%swap3A_109] {strides = array<i32>} : memref<112xi32, #tpu.memory_space<vmem>>, vector<16xi32>,
      tpu.vector_store %arg24[%swap3A_109], %broadcast_in_dim3A_7 {strides = array<i32>} : memref<112xi32, #tpu.memory_space<vmem>>, vector<16xi32>,
      %swap3A_111 = arith.constant 112 : index
      %swap3A_112 = tpu.vector_load %arg17[%swap3A_111] {strides = array<i32>} : memref<128xf32, #tpu.memory_space<vmem>>, vector<16xf32>,
      tpu.vector_store %arg17[%swap3A_111], %broadcast_in_dim3A_11 {strides = array<i32>} : memref<128xf32, #tpu.memory_space<vmem>>, vector<16xf32>,
      %scan3A = arith.constant 0 : i32
      %scan3A_113 = arith.constant 0 : i32
      %scan3A_114 = arith.constant 125 : i32
      %scan3A_115 = arith.addi %scan3A_113, %scan3A_114 : i32
      %scan3A_116 = arith.constant 1 : i32
      scf.for %scan3A_486 = %scan3A_113 to %scan3A_115 step %scan3A_116  : i32 {
        %mul3A_487 = arith.constant 160 : i32
        %mul3A_488 = arith.muli %scan3A_486, %mul3A_487 : i32
        %add3A_489 = arith.constant 0 : i32
        %add3A_490 = arith.addi %mul3A_488, %add3A_489 : i32
        %get3A_491 = arith.index_cast %add3A_490 : i32 to index
        %get3A_492 = tpu.vector_load %arg12[%get3A_491] {strides = array<i32>} : memref<20000xf32, #tpu.memory_space<vmem>>, vector<16xf32>,
        %max3A = arith.maximumf %broadcast_in_dim3A_11, %get3A_492 : vector<16xf32>
        %mul3A_493 = arith.constant 160 : i32
        %mul3A_494 = arith.muli %scan3A_486, %mul3A_493 : i32
        %add3A_495 = arith.constant 16 : i32
        %add3A_496 = arith.addi %mul3A_494, %add3A_495 : i32
        %get3A_497 = arith.index_cast %add3A_496 : i32 to index
        %get3A_498 = tpu.vector_load %arg12[%get3A_497] {strides = array<i32>} : memref<20000xf32, #tpu.memory_space<vmem>>, vector<16xf32>,
        %max3A_499 = arith.maximumf %max3A, %get3A_498 : vector<16xf32>
        %mul3A_500 = arith.constant 160 : i32
        %mul3A_501 = arith.muli %scan3A_486, %mul3A_500 : i32
        %add3A_502 = arith.constant 32 : i32
        %add3A_503 = arith.addi %mul3A_501, %add3A_502 : i32
        %get3A_504 = arith.index_cast %add3A_503 : i32 to index
        %get3A_505 = tpu.vector_load %arg12[%get3A_504] {strides = array<i32>} : memref<20000xf32, #tpu.memory_space<vmem>>, vector<16xf32>,
        %max3A_506 = arith.maximumf %max3A_499, %get3A_505 : vector<16xf32>
        %mul3A_507 = arith.constant 160 : i32
        %mul3A_508 = arith.muli %scan3A_486, %mul3A_507 : i32
        %add3A_509 = arith.constant 48 : i32
        %add3A_510 = arith.addi %mul3A_508, %add3A_509 : i32
        %get3A_511 = arith.index_cast %add3A_510 : i32 to index
        %get3A_512 = tpu.vector_load %arg12[%get3A_511] {strides = array<i32>} : memref<20000xf32, #tpu.memory_space<vmem>>, vector<16xf32>,
        %max3A_513 = arith.maximumf %max3A_506, %get3A_512 : vector<16xf32>
        %mul3A_514 = arith.constant 160 : i32
        %mul3A_515 = arith.muli %scan3A_486, %mul3A_514 : i32
        %add3A_516 = arith.constant 64 : i32
        %add3A_517 = arith.addi %mul3A_515, %add3A_516 : i32
        %get3A_518 = arith.index_cast %add3A_517 : i32 to index
        %get3A_519 = tpu.vector_load %arg12[%get3A_518] {strides = array<i32>} : memref<20000xf32, #tpu.memory_space<vmem>>, vector<16xf32>,
        %max3A_520 = arith.maximumf %max3A_513, %get3A_519 : vector<16xf32>
        %mul3A_521 = arith.constant 160 : i32
        %mul3A_522 = arith.muli %scan3A_486, %mul3A_521 : i32
        %add3A_523 = arith.constant 80 : i32
        %add3A_524 = arith.addi %mul3A_522, %add3A_523 : i32
        %get3A_525 = arith.index_cast %add3A_524 : i32 to index
        %get3A_526 = tpu.vector_load %arg12[%get3A_525] {strides = array<i32>} : memref<20000xf32, #tpu.memory_space<vmem>>, vector<16xf32>,
        %max3A_527 = arith.maximumf %max3A_520, %get3A_526 : vector<16xf32>
        %mul3A_528 = arith.constant 160 : i32
        %mul3A_529 = arith.muli %scan3A_486, %mul3A_528 : i32
        %add3A_530 = arith.constant 96 : i32
        %add3A_531 = arith.addi %mul3A_529, %add3A_530 : i32
        %get3A_532 = arith.index_cast %add3A_531 : i32 to index
        %get3A_533 = tpu.vector_load %arg12[%get3A_532] {strides = array<i32>} : memref<20000xf32, #tpu.memory_space<vmem>>, vector<16xf32>,
        %max3A_534 = arith.maximumf %max3A_527, %get3A_533 : vector<16xf32>
        %mul3A_535 = arith.constant 160 : i32
        %mul3A_536 = arith.muli %scan3A_486, %mul3A_535 : i32
        %add3A_537 = arith.constant 112 : i32
        %add3A_538 = arith.addi %mul3A_536, %add3A_537 : i32
        %get3A_539 = arith.index_cast %add3A_538 : i32 to index
        %get3A_540 = tpu.vector_load %arg12[%get3A_539] {strides = array<i32>} : memref<20000xf32, #tpu.memory_space<vmem>>, vector<16xf32>,
        %max3A_541 = arith.maximumf %max3A_534, %get3A_540 : vector<16xf32>
        %mul3A_542 = arith.constant 160 : i32
        %mul3A_543 = arith.muli %scan3A_486, %mul3A_542 : i32
        %add3A_544 = arith.constant 128 : i32
        %add3A_545 = arith.addi %mul3A_543, %add3A_544 : i32
        %get3A_546 = arith.index_cast %add3A_545 : i32 to index
        %get3A_547 = tpu.vector_load %arg12[%get3A_546] {strides = array<i32>} : memref<20000xf32, #tpu.memory_space<vmem>>, vector<16xf32>,
        %max3A_548 = arith.maximumf %max3A_541, %get3A_547 : vector<16xf32>
        %mul3A_549 = arith.constant 160 : i32
        %mul3A_550 = arith.muli %scan3A_486, %mul3A_549 : i32
        %add3A_551 = arith.constant 144 : i32
        %add3A_552 = arith.addi %mul3A_550, %add3A_551 : i32
        %get3A_553 = arith.index_cast %add3A_552 : i32 to index
        %get3A_554 = tpu.vector_load %arg12[%get3A_553] {strides = array<i32>} : memref<20000xf32, #tpu.memory_space<vmem>>, vector<16xf32>,
        %max3A_555 = arith.maximumf %max3A_548, %get3A_554 : vector<16xf32>
        %broadcast_in_dim3A_556 = vector.broadcast %scan3A_486 : i32 to vector<16xi32>
        %reduce_max3A = arith.constant true
        %reduce_max3A_557 = vector.broadcast %reduce_max3A : i1 to vector<16xi1>
        %reduce_max3A_558 = tpu.scan <max>, %max3A_555 masked %reduce_max3A_557 : vector<16xf32>, vector<16xi1> -> vector<16xf32>
        %reduce_max3A_559 = vector.extract %reduce_max3A_558[15] : f32 from vector<16xf32>
        %broadcast_in_dim3A_560 = vector.broadcast %reduce_max3A_559 : f32 to vector<16xf32>
        tpu.vector_store_idx %arg17[%broadcast_in_dim3A_556], %broadcast_in_dim3A_560 masked %eq3A_4 : memref<128xf32, #tpu.memory_space<vmem>>[vector<16xi32>], vector<16xf32>, vector<16xi1>
      }
      %scan3A_117 = arith.constant 125 : i32
      %swap3A_118 = arith.constant 1 : i32
      %swap3A_119 = arith.constant 0 : i32
      %swap3A_120 = arith.index_cast %swap3A_119 : i32 to index
      %swap3A_121 = memref.load %arg28[%swap3A_120] : memref<2xi32, #tpu.memory_space<smem>>
      memref.store %swap3A_118, %arg28[%swap3A_120] : memref<2xi32, #tpu.memory_space<smem>>
      %swap3A_122 = arith.constant 0 : i32
      %swap3A_123 = arith.constant 1 : i32
      %swap3A_124 = arith.index_cast %swap3A_123 : i32 to index
      %swap3A_125 = memref.load %arg28[%swap3A_124] : memref<2xi32, #tpu.memory_space<smem>>
      memref.store %swap3A_122, %arg28[%swap3A_124] : memref<2xi32, #tpu.memory_space<smem>>
      %scan3A_126 = arith.constant 0 : i32
      %scan3A_127 = arith.constant 0 : i32
      %scan3A_128 = arith.constant 32 : i32
      %scan3A_129 = arith.addi %scan3A_127, %scan3A_128 : i32
      %scan3A_130 = arith.constant 1 : i32
      scf.for %scan3A_486 = %scan3A_127 to %scan3A_129 step %scan3A_130  : i32 {
        %get3A_487 = arith.constant 0 : i32
        %get3A_488 = arith.index_cast %get3A_487 : i32 to index
        %get3A_489 = memref.load %arg28[%get3A_488] : memref<2xi32, #tpu.memory_space<smem>>
        %ne3A_490 = arith.constant 0 : i32
        %ne3A_491 = arith.cmpi ne, %get3A_489, %ne3A_490 : i32
        %convert_element_type3A_492 = arith.extui %ne3A_491 : i1 to i32
        %cond3A_493 = arith.constant 0 : i32
        %cond3A_494 = arith.cmpi ne, %convert_element_type3A_492, %cond3A_493 : i32
        scf.if %cond3A_494 {
          %scan3A_495 = arith.constant 0 : i32
          %scan3A_496 = arith.constant 0 : i32
          %scan3A_497 = arith.constant 16 : i32
          %scan3A_498 = arith.addi %scan3A_496, %scan3A_497 : i32
          %scan3A_499 = arith.constant 1 : i32
          scf.for %scan3A_501 = %scan3A_496 to %scan3A_498 step %scan3A_499  : i32 {
            %get3A_502 = arith.constant 0 : i32
            %get3A_503 = arith.index_cast %get3A_502 : i32 to index
            %get3A_504 = memref.load %arg28[%get3A_503] : memref<2xi32, #tpu.memory_space<smem>>
            %ne3A_505 = arith.constant 0 : i32
            %ne3A_506 = arith.cmpi ne, %get3A_504, %ne3A_505 : i32
            %convert_element_type3A_507 = arith.extui %ne3A_506 : i1 to i32
            %cond3A_508 = arith.constant 0 : i32
            %cond3A_509 = arith.cmpi ne, %convert_element_type3A_507, %cond3A_508 : i32
            scf.if %cond3A_509 {
              %get3A_510 = arith.constant 1 : i32
              %get3A_511 = arith.index_cast %get3A_510 : i32 to index
              %get3A_512 = memref.load %arg28[%get3A_511] : memref<2xi32, #tpu.memory_space<smem>>
              %get3A_513 = arith.constant 0 : index
              %get3A_514 = tpu.vector_load %arg17[%get3A_513] {strides = array<i32>} : memref<128xf32, #tpu.memory_space<vmem>>, vector<16xf32>,
              %broadcast_in_dim3A_515 = arith.constant 0 : i32
              %broadcast_in_dim3A_516 = vector.broadcast %broadcast_in_dim3A_515 : i32 to vector<16xi32>
              %get3A_517 = arith.constant 16 : index
              %get3A_518 = tpu.vector_load %arg17[%get3A_517] {strides = array<i32>} : memref<128xf32, #tpu.memory_space<vmem>>, vector<16xf32>,
              %gt3A = arith.cmpf ogt, %get3A_518, %get3A_514 : vector<16xf32>
              %select_n3A_519 = arith.select %gt3A, %get3A_518, %get3A_514 : vector<16xi1>, vector<16xf32>
              %jit3A_520 = arith.constant 1 : i32
              %broadcast_in_dim3A_521 = vector.broadcast %jit3A_520 : i32 to vector<16xi32>
              %select_n3A_522 = arith.select %gt3A, %broadcast_in_dim3A_521, %broadcast_in_dim3A_516 : vector<16xi1>, vector<16xi32>
              %get3A_523 = arith.constant 32 : index
              %get3A_524 = tpu.vector_load %arg17[%get3A_523] {strides = array<i32>} : memref<128xf32, #tpu.memory_space<vmem>>, vector<16xf32>,
              %gt3A_525 = arith.cmpf ogt, %get3A_524, %select_n3A_519 : vector<16xf32>
              %select_n3A_526 = arith.select %gt3A_525, %get3A_524, %select_n3A_519 : vector<16xi1>, vector<16xf32>
              %jit3A_527 = arith.constant 2 : i32
              %broadcast_in_dim3A_528 = vector.broadcast %jit3A_527 : i32 to vector<16xi32>
              %select_n3A_529 = arith.select %gt3A_525, %broadcast_in_dim3A_528, %select_n3A_522 : vector<16xi1>, vector<16xi32>
              %get3A_530 = arith.constant 48 : index
              %get3A_531 = tpu.vector_load %arg17[%get3A_530] {strides = array<i32>} : memref<128xf32, #tpu.memory_space<vmem>>, vector<16xf32>,
              %gt3A_532 = arith.cmpf ogt, %get3A_531, %select_n3A_526 : vector<16xf32>
              %select_n3A_533 = arith.select %gt3A_532, %get3A_531, %select_n3A_526 : vector<16xi1>, vector<16xf32>
              %jit3A_534 = arith.constant 3 : i32
              %broadcast_in_dim3A_535 = vector.broadcast %jit3A_534 : i32 to vector<16xi32>
              %select_n3A_536 = arith.select %gt3A_532, %broadcast_in_dim3A_535, %select_n3A_529 : vector<16xi1>, vector<16xi32>
              %get3A_537 = arith.constant 64 : index
              %get3A_538 = tpu.vector_load %arg17[%get3A_537] {strides = array<i32>} : memref<128xf32, #tpu.memory_space<vmem>>, vector<16xf32>,
              %gt3A_539 = arith.cmpf ogt, %get3A_538, %select_n3A_533 : vector<16xf32>
              %select_n3A_540 = arith.select %gt3A_539, %get3A_538, %select_n3A_533 : vector<16xi1>, vector<16xf32>
              %jit3A_541 = arith.constant 4 : i32
              %broadcast_in_dim3A_542 = vector.broadcast %jit3A_541 : i32 to vector<16xi32>
              %select_n3A_543 = arith.select %gt3A_539, %broadcast_in_dim3A_542, %select_n3A_536 : vector<16xi1>, vector<16xi32>
              %get3A_544 = arith.constant 80 : index
              %get3A_545 = tpu.vector_load %arg17[%get3A_544] {strides = array<i32>} : memref<128xf32, #tpu.memory_space<vmem>>, vector<16xf32>,
              %gt3A_546 = arith.cmpf ogt, %get3A_545, %select_n3A_540 : vector<16xf32>
              %select_n3A_547 = arith.select %gt3A_546, %get3A_545, %select_n3A_540 : vector<16xi1>, vector<16xf32>
              %jit3A_548 = arith.constant 5 : i32
              %broadcast_in_dim3A_549 = vector.broadcast %jit3A_548 : i32 to vector<16xi32>
              %select_n3A_550 = arith.select %gt3A_546, %broadcast_in_dim3A_549, %select_n3A_543 : vector<16xi1>, vector<16xi32>
              %get3A_551 = arith.constant 96 : index
              %get3A_552 = tpu.vector_load %arg17[%get3A_551] {strides = array<i32>} : memref<128xf32, #tpu.memory_space<vmem>>, vector<16xf32>,
              %gt3A_553 = arith.cmpf ogt, %get3A_552, %select_n3A_547 : vector<16xf32>
              %select_n3A_554 = arith.select %gt3A_553, %get3A_552, %select_n3A_547 : vector<16xi1>, vector<16xf32>
              %jit3A_555 = arith.constant 6 : i32
              %broadcast_in_dim3A_556 = vector.broadcast %jit3A_555 : i32 to vector<16xi32>
              %select_n3A_557 = arith.select %gt3A_553, %broadcast_in_dim3A_556, %select_n3A_550 : vector<16xi1>, vector<16xi32>
              %get3A_558 = arith.constant 112 : index
              %get3A_559 = tpu.vector_load %arg17[%get3A_558] {strides = array<i32>} : memref<128xf32, #tpu.memory_space<vmem>>, vector<16xf32>,
              %gt3A_560 = arith.cmpf ogt, %get3A_559, %select_n3A_554 : vector<16xf32>
              %select_n3A_561 = arith.select %gt3A_560, %get3A_559, %select_n3A_554 : vector<16xi1>, vector<16xf32>
              %jit3A_562 = arith.constant 7 : i32
              %broadcast_in_dim3A_563 = vector.broadcast %jit3A_562 : i32 to vector<16xi32>
              %select_n3A_564 = arith.select %gt3A_560, %broadcast_in_dim3A_563, %select_n3A_557 : vector<16xi1>, vector<16xi32>
              %reduce_max3A = arith.constant true
              %reduce_max3A_565 = vector.broadcast %reduce_max3A : i1 to vector<16xi1>
              %reduce_max3A_566 = tpu.scan <max>, %select_n3A_561 masked %reduce_max3A_565 : vector<16xf32>, vector<16xi1> -> vector<16xf32>
              %reduce_max3A_567 = vector.extract %reduce_max3A_566[15] : f32 from vector<16xf32>
              %eq3A_568 = vector.broadcast %reduce_max3A_567 : f32 to vector<16xf32>
              %eq3A_569 = arith.cmpf oeq, %select_n3A_561, %eq3A_568 : vector<16xf32>
              %mul3A_570 = arith.constant 16 : i32
              %mul3A_571 = vector.broadcast %mul3A_570 : i32 to vector<16xi32>
              %mul3A_572 = arith.muli %select_n3A_564, %mul3A_571 : vector<16xi32>
              %add3A_573 = arith.addi %mul3A_572, %iota3A : vector<16xi32>
              %select_n3A_574 = arith.select %eq3A_569, %add3A_573, %broadcast_in_dim3A_13 : vector<16xi1>, vector<16xi32>
              %reduce_min3A = arith.constant true
              %reduce_min3A_575 = vector.broadcast %reduce_min3A : i1 to vector<16xi1>
              %reduce_min3A_576 = arith.constant -2147483648 : i32
              %reduce_min3A_577 = vector.broadcast %reduce_min3A_576 : i32 to vector<16xi32>
              %reduce_min3A_578 = arith.xori %select_n3A_574, %reduce_min3A_577 : vector<16xi32>
              %reduce_min3A_579 = tpu.scan <min>, %reduce_min3A_578 masked %reduce_min3A_575 : vector<16xi32>, vector<16xi1> -> vector<16xi32>
              %reduce_min3A_580 = arith.xori %reduce_min3A_579, %reduce_min3A_577 : vector<16xi32>
              %reduce_min3A_581 = vector.extract %reduce_min3A_580[15] : i32 from vector<16xi32>
              %min3A = arith.constant 124 : i32
              %min3A_582 = arith.minsi %reduce_min3A_581, %min3A : i32
              %mul3A_583 = arith.constant 160 : i32
              %mul3A_584 = arith.muli %min3A_582, %mul3A_583 : i32
              %add3A_585 = arith.constant 0 : i32
              %add3A_586 = arith.addi %mul3A_584, %add3A_585 : i32
              %get3A_587 = arith.index_cast %add3A_586 : i32 to index
              %get3A_588 = tpu.vector_load %arg12[%get3A_587] {strides = array<i32>} : memref<20000xf32, #tpu.memory_space<vmem>>, vector<16xf32>,
              %eq3A_589 = vector.broadcast %reduce_max3A_567 : f32 to vector<16xf32>
              %eq3A_590 = arith.cmpf oeq, %get3A_588, %eq3A_589 : vector<16xf32>
              %add3A_591 = arith.constant 0 : i32
              %add3A_592 = arith.addi %mul3A_584, %add3A_591 : i32
              %add3A_593 = vector.broadcast %add3A_592 : i32 to vector<16xi32>
              %add3A_594 = arith.addi %iota3A, %add3A_593 : vector<16xi32>
              %select_n3A_595 = arith.select %eq3A_590, %add3A_594, %broadcast_in_dim3A_13 : vector<16xi1>, vector<16xi32>
              %min3A_596 = arith.minsi %broadcast_in_dim3A_13, %select_n3A_595 : vector<16xi32>
              %add3A_597 = arith.constant 16 : i32
              %add3A_598 = arith.addi %mul3A_584, %add3A_597 : i32
              %get3A_599 = arith.index_cast %add3A_598 : i32 to index
              %get3A_600 = tpu.vector_load %arg12[%get3A_599] {strides = array<i32>} : memref<20000xf32, #tpu.memory_space<vmem>>, vector<16xf32>,
              %eq3A_601 = vector.broadcast %reduce_max3A_567 : f32 to vector<16xf32>
              %eq3A_602 = arith.cmpf oeq, %get3A_600, %eq3A_601 : vector<16xf32>
              %add3A_603 = arith.constant 16 : i32
              %add3A_604 = arith.addi %mul3A_584, %add3A_603 : i32
              %add3A_605 = vector.broadcast %add3A_604 : i32 to vector<16xi32>
              %add3A_606 = arith.addi %iota3A, %add3A_605 : vector<16xi32>
              %select_n3A_607 = arith.select %eq3A_602, %add3A_606, %broadcast_in_dim3A_13 : vector<16xi1>, vector<16xi32>
              %min3A_608 = arith.minsi %min3A_596, %select_n3A_607 : vector<16xi32>
              %add3A_609 = arith.constant 32 : i32
              %add3A_610 = arith.addi %mul3A_584, %add3A_609 : i32
              %get3A_611 = arith.index_cast %add3A_610 : i32 to index
              %get3A_612 = tpu.vector_load %arg12[%get3A_611] {strides = array<i32>} : memref<20000xf32, #tpu.memory_space<vmem>>, vector<16xf32>,
              %eq3A_613 = vector.broadcast %reduce_max3A_567 : f32 to vector<16xf32>
              %eq3A_614 = arith.cmpf oeq, %get3A_612, %eq3A_613 : vector<16xf32>
              %add3A_615 = arith.constant 32 : i32
              %add3A_616 = arith.addi %mul3A_584, %add3A_615 : i32
              %add3A_617 = vector.broadcast %add3A_616 : i32 to vector<16xi32>
              %add3A_618 = arith.addi %iota3A, %add3A_617 : vector<16xi32>
              %select_n3A_619 = arith.select %eq3A_614, %add3A_618, %broadcast_in_dim3A_13 : vector<16xi1>, vector<16xi32>
              %min3A_620 = arith.minsi %min3A_608, %select_n3A_619 : vector<16xi32>
              %add3A_621 = arith.constant 48 : i32
              %add3A_622 = arith.addi %mul3A_584, %add3A_621 : i32
              %get3A_623 = arith.index_cast %add3A_622 : i32 to index
              %get3A_624 = tpu.vector_load %arg12[%get3A_623] {strides = array<i32>} : memref<20000xf32, #tpu.memory_space<vmem>>, vector<16xf32>,
              %eq3A_625 = vector.broadcast %reduce_max3A_567 : f32 to vector<16xf32>
              %eq3A_626 = arith.cmpf oeq, %get3A_624, %eq3A_625 : vector<16xf32>
              %add3A_627 = arith.constant 48 : i32
              %add3A_628 = arith.addi %mul3A_584, %add3A_627 : i32
              %add3A_629 = vector.broadcast %add3A_628 : i32 to vector<16xi32>
              %add3A_630 = arith.addi %iota3A, %add3A_629 : vector<16xi32>
              %select_n3A_631 = arith.select %eq3A_626, %add3A_630, %broadcast_in_dim3A_13 : vector<16xi1>, vector<16xi32>
              %min3A_632 = arith.minsi %min3A_620, %select_n3A_631 : vector<16xi32>
              %add3A_633 = arith.constant 64 : i32
              %add3A_634 = arith.addi %mul3A_584, %add3A_633 : i32
              %get3A_635 = arith.index_cast %add3A_634 : i32 to index
              %get3A_636 = tpu.vector_load %arg12[%get3A_635] {strides = array<i32>} : memref<20000xf32, #tpu.memory_space<vmem>>, vector<16xf32>,
              %eq3A_637 = vector.broadcast %reduce_max3A_567 : f32 to vector<16xf32>
              %eq3A_638 = arith.cmpf oeq, %get3A_636, %eq3A_637 : vector<16xf32>
              %add3A_639 = arith.constant 64 : i32
              %add3A_640 = arith.addi %mul3A_584, %add3A_639 : i32
              %add3A_641 = vector.broadcast %add3A_640 : i32 to vector<16xi32>
              %add3A_642 = arith.addi %iota3A, %add3A_641 : vector<16xi32>
              %select_n3A_643 = arith.select %eq3A_638, %add3A_642, %broadcast_in_dim3A_13 : vector<16xi1>, vector<16xi32>
              %min3A_644 = arith.minsi %min3A_632, %select_n3A_643 : vector<16xi32>
              %add3A_645 = arith.constant 80 : i32
              %add3A_646 = arith.addi %mul3A_584, %add3A_645 : i32
              %get3A_647 = arith.index_cast %add3A_646 : i32 to index
              %get3A_648 = tpu.vector_load %arg12[%get3A_647] {strides = array<i32>} : memref<20000xf32, #tpu.memory_space<vmem>>, vector<16xf32>,
              %eq3A_649 = vector.broadcast %reduce_max3A_567 : f32 to vector<16xf32>
              %eq3A_650 = arith.cmpf oeq, %get3A_648, %eq3A_649 : vector<16xf32>
              %add3A_651 = arith.constant 80 : i32
              %add3A_652 = arith.addi %mul3A_584, %add3A_651 : i32
              %add3A_653 = vector.broadcast %add3A_652 : i32 to vector<16xi32>
              %add3A_654 = arith.addi %iota3A, %add3A_653 : vector<16xi32>
              %select_n3A_655 = arith.select %eq3A_650, %add3A_654, %broadcast_in_dim3A_13 : vector<16xi1>, vector<16xi32>
              %min3A_656 = arith.minsi %min3A_644, %select_n3A_655 : vector<16xi32>
              %add3A_657 = arith.constant 96 : i32
              %add3A_658 = arith.addi %mul3A_584, %add3A_657 : i32
              %get3A_659 = arith.index_cast %add3A_658 : i32 to index
              %get3A_660 = tpu.vector_load %arg12[%get3A_659] {strides = array<i32>} : memref<20000xf32, #tpu.memory_space<vmem>>, vector<16xf32>,
              %eq3A_661 = vector.broadcast %reduce_max3A_567 : f32 to vector<16xf32>
              %eq3A_662 = arith.cmpf oeq, %get3A_660, %eq3A_661 : vector<16xf32>
              %add3A_663 = arith.constant 96 : i32
              %add3A_664 = arith.addi %mul3A_584, %add3A_663 : i32
              %add3A_665 = vector.broadcast %add3A_664 : i32 to vector<16xi32>
              %add3A_666 = arith.addi %iota3A, %add3A_665 : vector<16xi32>
              %select_n3A_667 = arith.select %eq3A_662, %add3A_666, %broadcast_in_dim3A_13 : vector<16xi1>, vector<16xi32>
              %min3A_668 = arith.minsi %min3A_656, %select_n3A_667 : vector<16xi32>
              %add3A_669 = arith.constant 112 : i32
              %add3A_670 = arith.addi %mul3A_584, %add3A_669 : i32
              %get3A_671 = arith.index_cast %add3A_670 : i32 to index
              %get3A_672 = tpu.vector_load %arg12[%get3A_671] {strides = array<i32>} : memref<20000xf32, #tpu.memory_space<vmem>>, vector<16xf32>,
              %eq3A_673 = vector.broadcast %reduce_max3A_567 : f32 to vector<16xf32>
              %eq3A_674 = arith.cmpf oeq, %get3A_672, %eq3A_673 : vector<16xf32>
              %add3A_675 = arith.constant 112 : i32
              %add3A_676 = arith.addi %mul3A_584, %add3A_675 : i32
              %add3A_677 = vector.broadcast %add3A_676 : i32 to vector<16xi32>
              %add3A_678 = arith.addi %iota3A, %add3A_677 : vector<16xi32>
              %select_n3A_679 = arith.select %eq3A_674, %add3A_678, %broadcast_in_dim3A_13 : vector<16xi1>, vector<16xi32>
              %min3A_680 = arith.minsi %min3A_668, %select_n3A_679 : vector<16xi32>
              %add3A_681 = arith.constant 128 : i32
              %add3A_682 = arith.addi %mul3A_584, %add3A_681 : i32
              %get3A_683 = arith.index_cast %add3A_682 : i32 to index
              %get3A_684 = tpu.vector_load %arg12[%get3A_683] {strides = array<i32>} : memref<20000xf32, #tpu.memory_space<vmem>>, vector<16xf32>,
              %eq3A_685 = vector.broadcast %reduce_max3A_567 : f32 to vector<16xf32>
              %eq3A_686 = arith.cmpf oeq, %get3A_684, %eq3A_685 : vector<16xf32>
              %add3A_687 = arith.constant 128 : i32
              %add3A_688 = arith.addi %mul3A_584, %add3A_687 : i32
              %add3A_689 = vector.broadcast %add3A_688 : i32 to vector<16xi32>
              %add3A_690 = arith.addi %iota3A, %add3A_689 : vector<16xi32>
              %select_n3A_691 = arith.select %eq3A_686, %add3A_690, %broadcast_in_dim3A_13 : vector<16xi1>, vector<16xi32>
              %min3A_692 = arith.minsi %min3A_680, %select_n3A_691 : vector<16xi32>
              %add3A_693 = arith.constant 144 : i32
              %add3A_694 = arith.addi %mul3A_584, %add3A_693 : i32
              %get3A_695 = arith.index_cast %add3A_694 : i32 to index
              %get3A_696 = tpu.vector_load %arg12[%get3A_695] {strides = array<i32>} : memref<20000xf32, #tpu.memory_space<vmem>>, vector<16xf32>,
              %eq3A_697 = vector.broadcast %reduce_max3A_567 : f32 to vector<16xf32>
              %eq3A_698 = arith.cmpf oeq, %get3A_696, %eq3A_697 : vector<16xf32>
              %add3A_699 = arith.constant 144 : i32
              %add3A_700 = arith.addi %mul3A_584, %add3A_699 : i32
              %add3A_701 = vector.broadcast %add3A_700 : i32 to vector<16xi32>
              %add3A_702 = arith.addi %iota3A, %add3A_701 : vector<16xi32>
              %select_n3A_703 = arith.select %eq3A_698, %add3A_702, %broadcast_in_dim3A_13 : vector<16xi1>, vector<16xi32>
              %min3A_704 = arith.minsi %min3A_692, %select_n3A_703 : vector<16xi32>
              %reduce_min3A_705 = arith.constant true
              %reduce_min3A_706 = vector.broadcast %reduce_min3A_705 : i1 to vector<16xi1>
              %reduce_min3A_707 = arith.constant -2147483648 : i32
              %reduce_min3A_708 = vector.broadcast %reduce_min3A_707 : i32 to vector<16xi32>
              %reduce_min3A_709 = arith.xori %min3A_704, %reduce_min3A_708 : vector<16xi32>
              %reduce_min3A_710 = tpu.scan <min>, %reduce_min3A_709 masked %reduce_min3A_706 : vector<16xi32>, vector<16xi1> -> vector<16xi32>
              %reduce_min3A_711 = arith.xori %reduce_min3A_710, %reduce_min3A_708 : vector<16xi32>
              %reduce_min3A_712 = vector.extract %reduce_min3A_711[15] : i32 from vector<16xi32>
              %min3A_713 = arith.constant 19999 : i32
              %min3A_714 = arith.minsi %reduce_min3A_712, %min3A_713 : i32
              %ge3A = arith.constant 5.000000e-02 : f32
              %ge3A_715 = arith.cmpf oge, %reduce_max3A_567, %ge3A : f32
              %broadcast_in_dim3A_716 = vector.broadcast %min3A_714 : i32 to vector<16xi32>
              %gather3A = tpu.vector_load_idx %arg13[%broadcast_in_dim3A_716] : memref<20000xf32, #tpu.memory_space<vmem>>[vector<16xi32>], vector<16xf32>,
              %gather3A_717 = tpu.vector_load_idx %arg14[%broadcast_in_dim3A_716] : memref<20000xf32, #tpu.memory_space<vmem>>[vector<16xi32>], vector<16xf32>,
              %gather3A_718 = tpu.vector_load_idx %arg15[%broadcast_in_dim3A_716] : memref<20000xf32, #tpu.memory_space<vmem>>[vector<16xi32>], vector<16xf32>,
              %gather3A_719 = tpu.vector_load_idx %arg16[%broadcast_in_dim3A_716] : memref<20000xf32, #tpu.memory_space<vmem>>[vector<16xi32>], vector<16xf32>,
              %sub3A = arith.subf %gather3A_718, %gather3A : vector<16xf32>
              %sub3A_720 = arith.subf %gather3A_719, %gather3A_717 : vector<16xf32>
              %mul3A_721 = arith.mulf %sub3A, %sub3A_720 : vector<16xf32>
              %broadcast_in_dim3A_722 = arith.constant false
              %broadcast_in_dim3A_723 = vector.broadcast %broadcast_in_dim3A_722 : i1 to vector<16xi1>
              %get3A_724 = arith.constant 0 : index
              %get3A_725 = tpu.vector_load %arg18[%get3A_724] {strides = array<i32>} : memref<112xf32, #tpu.memory_space<vmem>>, vector<16xf32>,
              %get3A_726 = arith.constant 0 : index
              %get3A_727 = tpu.vector_load %arg19[%get3A_726] {strides = array<i32>} : memref<112xf32, #tpu.memory_space<vmem>>, vector<16xf32>,
              %get3A_728 = arith.constant 0 : index
              %get3A_729 = tpu.vector_load %arg20[%get3A_728] {strides = array<i32>} : memref<112xf32, #tpu.memory_space<vmem>>, vector<16xf32>,
              %get3A_730 = arith.constant 0 : index
              %get3A_731 = tpu.vector_load %arg21[%get3A_730] {strides = array<i32>} : memref<112xf32, #tpu.memory_space<vmem>>, vector<16xf32>,
              %get3A_732 = arith.constant 0 : index
              %get3A_733 = tpu.vector_load %arg22[%get3A_732] {strides = array<i32>} : memref<112xf32, #tpu.memory_space<vmem>>, vector<16xf32>,
              %max3A = arith.maximumf %get3A_725, %gather3A : vector<16xf32>
              %max3A_734 = arith.maximumf %get3A_727, %gather3A_717 : vector<16xf32>
              %min3A_735 = arith.minimumf %get3A_729, %gather3A_718 : vector<16xf32>
              %min3A_736 = arith.minimumf %get3A_731, %gather3A_719 : vector<16xf32>
              %sub3A_737 = arith.subf %min3A_735, %max3A : vector<16xf32>
              %max3A_738 = arith.constant 0.000000e+00 : f32
              %max3A_739 = vector.broadcast %max3A_738 : f32 to vector<16xf32>
              %max3A_740 = arith.maximumf %max3A_739, %sub3A_737 : vector<16xf32>
              %sub3A_741 = arith.subf %min3A_736, %max3A_734 : vector<16xf32>
              %max3A_742 = arith.constant 0.000000e+00 : f32
              %max3A_743 = vector.broadcast %max3A_742 : f32 to vector<16xf32>
              %max3A_744 = arith.maximumf %max3A_743, %sub3A_741 : vector<16xf32>
              %mul3A_745 = arith.mulf %max3A_740, %max3A_744 : vector<16xf32>
              %add3A_746 = arith.addf %get3A_733, %mul3A_721 : vector<16xf32>
              %sub3A_747 = arith.subf %add3A_746, %mul3A_745 : vector<16xf32>
              %add3A_748 = arith.constant 9.99999996E-13 : f32
              %add3A_749 = vector.broadcast %add3A_748 : f32 to vector<16xf32>
              %add3A_750 = arith.addf %sub3A_747, %add3A_749 : vector<16xf32>
              %div3A = arith.divf %mul3A_745, %add3A_750 : vector<16xf32>
              %gt3A_751 = arith.constant 0.699999988 : f32
              %gt3A_752 = vector.broadcast %gt3A_751 : f32 to vector<16xf32>
              %gt3A_753 = arith.cmpf ogt, %div3A, %gt3A_752 : vector<16xf32>
              %or3A = arith.ori %broadcast_in_dim3A_723, %gt3A_753 : vector<16xi1>
              %get3A_754 = arith.constant 16 : index
              %get3A_755 = tpu.vector_load %arg18[%get3A_754] {strides = array<i32>} : memref<112xf32, #tpu.memory_space<vmem>>, vector<16xf32>,
              %get3A_756 = arith.constant 16 : index
              %get3A_757 = tpu.vector_load %arg19[%get3A_756] {strides = array<i32>} : memref<112xf32, #tpu.memory_space<vmem>>, vector<16xf32>,
              %get3A_758 = arith.constant 16 : index
              %get3A_759 = tpu.vector_load %arg20[%get3A_758] {strides = array<i32>} : memref<112xf32, #tpu.memory_space<vmem>>, vector<16xf32>,
              %get3A_760 = arith.constant 16 : index
              %get3A_761 = tpu.vector_load %arg21[%get3A_760] {strides = array<i32>} : memref<112xf32, #tpu.memory_space<vmem>>, vector<16xf32>,
              %get3A_762 = arith.constant 16 : index
              %get3A_763 = tpu.vector_load %arg22[%get3A_762] {strides = array<i32>} : memref<112xf32, #tpu.memory_space<vmem>>, vector<16xf32>,
              %max3A_764 = arith.maximumf %get3A_755, %gather3A : vector<16xf32>
              %max3A_765 = arith.maximumf %get3A_757, %gather3A_717 : vector<16xf32>
              %min3A_766 = arith.minimumf %get3A_759, %gather3A_718 : vector<16xf32>
              %min3A_767 = arith.minimumf %get3A_761, %gather3A_719 : vector<16xf32>
              %sub3A_768 = arith.subf %min3A_766, %max3A_764 : vector<16xf32>
              %max3A_769 = arith.constant 0.000000e+00 : f32
              %max3A_770 = vector.broadcast %max3A_769 : f32 to vector<16xf32>
              %max3A_771 = arith.maximumf %max3A_770, %sub3A_768 : vector<16xf32>
              %sub3A_772 = arith.subf %min3A_767, %max3A_765 : vector<16xf32>
              %max3A_773 = arith.constant 0.000000e+00 : f32
              %max3A_774 = vector.broadcast %max3A_773 : f32 to vector<16xf32>
              %max3A_775 = arith.maximumf %max3A_774, %sub3A_772 : vector<16xf32>
              %mul3A_776 = arith.mulf %max3A_771, %max3A_775 : vector<16xf32>
              %add3A_777 = arith.addf %get3A_763, %mul3A_721 : vector<16xf32>
              %sub3A_778 = arith.subf %add3A_777, %mul3A_776 : vector<16xf32>
              %add3A_779 = arith.constant 9.99999996E-13 : f32
              %add3A_780 = vector.broadcast %add3A_779 : f32 to vector<16xf32>
              %add3A_781 = arith.addf %sub3A_778, %add3A_780 : vector<16xf32>
              %div3A_782 = arith.divf %mul3A_776, %add3A_781 : vector<16xf32>
              %gt3A_783 = arith.constant 0.699999988 : f32
              %gt3A_784 = vector.broadcast %gt3A_783 : f32 to vector<16xf32>
              %gt3A_785 = arith.cmpf ogt, %div3A_782, %gt3A_784 : vector<16xf32>
              %or3A_786 = arith.ori %or3A, %gt3A_785 : vector<16xi1>
              %get3A_787 = arith.constant 32 : index
              %get3A_788 = tpu.vector_load %arg18[%get3A_787] {strides = array<i32>} : memref<112xf32, #tpu.memory_space<vmem>>, vector<16xf32>,
              %get3A_789 = arith.constant 32 : index
              %get3A_790 = tpu.vector_load %arg19[%get3A_789] {strides = array<i32>} : memref<112xf32, #tpu.memory_space<vmem>>, vector<16xf32>,
              %get3A_791 = arith.constant 32 : index
              %get3A_792 = tpu.vector_load %arg20[%get3A_791] {strides = array<i32>} : memref<112xf32, #tpu.memory_space<vmem>>, vector<16xf32>,
              %get3A_793 = arith.constant 32 : index
              %get3A_794 = tpu.vector_load %arg21[%get3A_793] {strides = array<i32>} : memref<112xf32, #tpu.memory_space<vmem>>, vector<16xf32>,
              %get3A_795 = arith.constant 32 : index
              %get3A_796 = tpu.vector_load %arg22[%get3A_795] {strides = array<i32>} : memref<112xf32, #tpu.memory_space<vmem>>, vector<16xf32>,
              %max3A_797 = arith.maximumf %get3A_788, %gather3A : vector<16xf32>
              %max3A_798 = arith.maximumf %get3A_790, %gather3A_717 : vector<16xf32>
              %min3A_799 = arith.minimumf %get3A_792, %gather3A_718 : vector<16xf32>
              %min3A_800 = arith.minimumf %get3A_794, %gather3A_719 : vector<16xf32>
              %sub3A_801 = arith.subf %min3A_799, %max3A_797 : vector<16xf32>
              %max3A_802 = arith.constant 0.000000e+00 : f32
              %max3A_803 = vector.broadcast %max3A_802 : f32 to vector<16xf32>
              %max3A_804 = arith.maximumf %max3A_803, %sub3A_801 : vector<16xf32>
              %sub3A_805 = arith.subf %min3A_800, %max3A_798 : vector<16xf32>
              %max3A_806 = arith.constant 0.000000e+00 : f32
              %max3A_807 = vector.broadcast %max3A_806 : f32 to vector<16xf32>
              %max3A_808 = arith.maximumf %max3A_807, %sub3A_805 : vector<16xf32>
              %mul3A_809 = arith.mulf %max3A_804, %max3A_808 : vector<16xf32>
              %add3A_810 = arith.addf %get3A_796, %mul3A_721 : vector<16xf32>
              %sub3A_811 = arith.subf %add3A_810, %mul3A_809 : vector<16xf32>
              %add3A_812 = arith.constant 9.99999996E-13 : f32
              %add3A_813 = vector.broadcast %add3A_812 : f32 to vector<16xf32>
              %add3A_814 = arith.addf %sub3A_811, %add3A_813 : vector<16xf32>
              %div3A_815 = arith.divf %mul3A_809, %add3A_814 : vector<16xf32>
              %gt3A_816 = arith.constant 0.699999988 : f32
              %gt3A_817 = vector.broadcast %gt3A_816 : f32 to vector<16xf32>
              %gt3A_818 = arith.cmpf ogt, %div3A_815, %gt3A_817 : vector<16xf32>
              %or3A_819 = arith.ori %or3A_786, %gt3A_818 : vector<16xi1>
              %get3A_820 = arith.constant 48 : index
              %get3A_821 = tpu.vector_load %arg18[%get3A_820] {strides = array<i32>} : memref<112xf32, #tpu.memory_space<vmem>>, vector<16xf32>,
              %get3A_822 = arith.constant 48 : index
              %get3A_823 = tpu.vector_load %arg19[%get3A_822] {strides = array<i32>} : memref<112xf32, #tpu.memory_space<vmem>>, vector<16xf32>,
              %get3A_824 = arith.constant 48 : index
              %get3A_825 = tpu.vector_load %arg20[%get3A_824] {strides = array<i32>} : memref<112xf32, #tpu.memory_space<vmem>>, vector<16xf32>,
              %get3A_826 = arith.constant 48 : index
              %get3A_827 = tpu.vector_load %arg21[%get3A_826] {strides = array<i32>} : memref<112xf32, #tpu.memory_space<vmem>>, vector<16xf32>,
              %get3A_828 = arith.constant 48 : index
              %get3A_829 = tpu.vector_load %arg22[%get3A_828] {strides = array<i32>} : memref<112xf32, #tpu.memory_space<vmem>>, vector<16xf32>,
              %max3A_830 = arith.maximumf %get3A_821, %gather3A : vector<16xf32>
              %max3A_831 = arith.maximumf %get3A_823, %gather3A_717 : vector<16xf32>
              %min3A_832 = arith.minimumf %get3A_825, %gather3A_718 : vector<16xf32>
              %min3A_833 = arith.minimumf %get3A_827, %gather3A_719 : vector<16xf32>
              %sub3A_834 = arith.subf %min3A_832, %max3A_830 : vector<16xf32>
              %max3A_835 = arith.constant 0.000000e+00 : f32
              %max3A_836 = vector.broadcast %max3A_835 : f32 to vector<16xf32>
              %max3A_837 = arith.maximumf %max3A_836, %sub3A_834 : vector<16xf32>
              %sub3A_838 = arith.subf %min3A_833, %max3A_831 : vector<16xf32>
              %max3A_839 = arith.constant 0.000000e+00 : f32
              %max3A_840 = vector.broadcast %max3A_839 : f32 to vector<16xf32>
              %max3A_841 = arith.maximumf %max3A_840, %sub3A_838 : vector<16xf32>
              %mul3A_842 = arith.mulf %max3A_837, %max3A_841 : vector<16xf32>
              %add3A_843 = arith.addf %get3A_829, %mul3A_721 : vector<16xf32>
              %sub3A_844 = arith.subf %add3A_843, %mul3A_842 : vector<16xf32>
              %add3A_845 = arith.constant 9.99999996E-13 : f32
              %add3A_846 = vector.broadcast %add3A_845 : f32 to vector<16xf32>
              %add3A_847 = arith.addf %sub3A_844, %add3A_846 : vector<16xf32>
              %div3A_848 = arith.divf %mul3A_842, %add3A_847 : vector<16xf32>
              %gt3A_849 = arith.constant 0.699999988 : f32
              %gt3A_850 = vector.broadcast %gt3A_849 : f32 to vector<16xf32>
              %gt3A_851 = arith.cmpf ogt, %div3A_848, %gt3A_850 : vector<16xf32>
              %or3A_852 = arith.ori %or3A_819, %gt3A_851 : vector<16xi1>
              %get3A_853 = arith.constant 64 : index
              %get3A_854 = tpu.vector_load %arg18[%get3A_853] {strides = array<i32>} : memref<112xf32, #tpu.memory_space<vmem>>, vector<16xf32>,
              %get3A_855 = arith.constant 64 : index
              %get3A_856 = tpu.vector_load %arg19[%get3A_855] {strides = array<i32>} : memref<112xf32, #tpu.memory_space<vmem>>, vector<16xf32>,
              %get3A_857 = arith.constant 64 : index
              %get3A_858 = tpu.vector_load %arg20[%get3A_857] {strides = array<i32>} : memref<112xf32, #tpu.memory_space<vmem>>, vector<16xf32>,
              %get3A_859 = arith.constant 64 : index
              %get3A_860 = tpu.vector_load %arg21[%get3A_859] {strides = array<i32>} : memref<112xf32, #tpu.memory_space<vmem>>, vector<16xf32>,
              %get3A_861 = arith.constant 64 : index
              %get3A_862 = tpu.vector_load %arg22[%get3A_861] {strides = array<i32>} : memref<112xf32, #tpu.memory_space<vmem>>, vector<16xf32>,
              %max3A_863 = arith.maximumf %get3A_854, %gather3A : vector<16xf32>
              %max3A_864 = arith.maximumf %get3A_856, %gather3A_717 : vector<16xf32>
              %min3A_865 = arith.minimumf %get3A_858, %gather3A_718 : vector<16xf32>
              %min3A_866 = arith.minimumf %get3A_860, %gather3A_719 : vector<16xf32>
              %sub3A_867 = arith.subf %min3A_865, %max3A_863 : vector<16xf32>
              %max3A_868 = arith.constant 0.000000e+00 : f32
              %max3A_869 = vector.broadcast %max3A_868 : f32 to vector<16xf32>
              %max3A_870 = arith.maximumf %max3A_869, %sub3A_867 : vector<16xf32>
              %sub3A_871 = arith.subf %min3A_866, %max3A_864 : vector<16xf32>
              %max3A_872 = arith.constant 0.000000e+00 : f32
              %max3A_873 = vector.broadcast %max3A_872 : f32 to vector<16xf32>
              %max3A_874 = arith.maximumf %max3A_873, %sub3A_871 : vector<16xf32>
              %mul3A_875 = arith.mulf %max3A_870, %max3A_874 : vector<16xf32>
              %add3A_876 = arith.addf %get3A_862, %mul3A_721 : vector<16xf32>
              %sub3A_877 = arith.subf %add3A_876, %mul3A_875 : vector<16xf32>
              %add3A_878 = arith.constant 9.99999996E-13 : f32
              %add3A_879 = vector.broadcast %add3A_878 : f32 to vector<16xf32>
              %add3A_880 = arith.addf %sub3A_877, %add3A_879 : vector<16xf32>
              %div3A_881 = arith.divf %mul3A_875, %add3A_880 : vector<16xf32>
              %gt3A_882 = arith.constant 0.699999988 : f32
              %gt3A_883 = vector.broadcast %gt3A_882 : f32 to vector<16xf32>
              %gt3A_884 = arith.cmpf ogt, %div3A_881, %gt3A_883 : vector<16xf32>
              %or3A_885 = arith.ori %or3A_852, %gt3A_884 : vector<16xi1>
              %get3A_886 = arith.constant 80 : index
              %get3A_887 = tpu.vector_load %arg18[%get3A_886] {strides = array<i32>} : memref<112xf32, #tpu.memory_space<vmem>>, vector<16xf32>,
              %get3A_888 = arith.constant 80 : index
              %get3A_889 = tpu.vector_load %arg19[%get3A_888] {strides = array<i32>} : memref<112xf32, #tpu.memory_space<vmem>>, vector<16xf32>,
              %get3A_890 = arith.constant 80 : index
              %get3A_891 = tpu.vector_load %arg20[%get3A_890] {strides = array<i32>} : memref<112xf32, #tpu.memory_space<vmem>>, vector<16xf32>,
              %get3A_892 = arith.constant 80 : index
              %get3A_893 = tpu.vector_load %arg21[%get3A_892] {strides = array<i32>} : memref<112xf32, #tpu.memory_space<vmem>>, vector<16xf32>,
              %get3A_894 = arith.constant 80 : index
              %get3A_895 = tpu.vector_load %arg22[%get3A_894] {strides = array<i32>} : memref<112xf32, #tpu.memory_space<vmem>>, vector<16xf32>,
              %max3A_896 = arith.maximumf %get3A_887, %gather3A : vector<16xf32>
              %max3A_897 = arith.maximumf %get3A_889, %gather3A_717 : vector<16xf32>
              %min3A_898 = arith.minimumf %get3A_891, %gather3A_718 : vector<16xf32>
              %min3A_899 = arith.minimumf %get3A_893, %gather3A_719 : vector<16xf32>
              %sub3A_900 = arith.subf %min3A_898, %max3A_896 : vector<16xf32>
              %max3A_901 = arith.constant 0.000000e+00 : f32
              %max3A_902 = vector.broadcast %max3A_901 : f32 to vector<16xf32>
              %max3A_903 = arith.maximumf %max3A_902, %sub3A_900 : vector<16xf32>
              %sub3A_904 = arith.subf %min3A_899, %max3A_897 : vector<16xf32>
              %max3A_905 = arith.constant 0.000000e+00 : f32
              %max3A_906 = vector.broadcast %max3A_905 : f32 to vector<16xf32>
              %max3A_907 = arith.maximumf %max3A_906, %sub3A_904 : vector<16xf32>
              %mul3A_908 = arith.mulf %max3A_903, %max3A_907 : vector<16xf32>
              %add3A_909 = arith.addf %get3A_895, %mul3A_721 : vector<16xf32>
              %sub3A_910 = arith.subf %add3A_909, %mul3A_908 : vector<16xf32>
              %add3A_911 = arith.constant 9.99999996E-13 : f32
              %add3A_912 = vector.broadcast %add3A_911 : f32 to vector<16xf32>
              %add3A_913 = arith.addf %sub3A_910, %add3A_912 : vector<16xf32>
              %div3A_914 = arith.divf %mul3A_908, %add3A_913 : vector<16xf32>
              %gt3A_915 = arith.constant 0.699999988 : f32
              %gt3A_916 = vector.broadcast %gt3A_915 : f32 to vector<16xf32>
              %gt3A_917 = arith.cmpf ogt, %div3A_914, %gt3A_916 : vector<16xf32>
              %or3A_918 = arith.ori %or3A_885, %gt3A_917 : vector<16xi1>
              %get3A_919 = arith.constant 96 : index
              %get3A_920 = tpu.vector_load %arg18[%get3A_919] {strides = array<i32>} : memref<112xf32, #tpu.memory_space<vmem>>, vector<16xf32>,
              %get3A_921 = arith.constant 96 : index
              %get3A_922 = tpu.vector_load %arg19[%get3A_921] {strides = array<i32>} : memref<112xf32, #tpu.memory_space<vmem>>, vector<16xf32>,
              %get3A_923 = arith.constant 96 : index
              %get3A_924 = tpu.vector_load %arg20[%get3A_923] {strides = array<i32>} : memref<112xf32, #tpu.memory_space<vmem>>, vector<16xf32>,
              %get3A_925 = arith.constant 96 : index
              %get3A_926 = tpu.vector_load %arg21[%get3A_925] {strides = array<i32>} : memref<112xf32, #tpu.memory_space<vmem>>, vector<16xf32>,
              %get3A_927 = arith.constant 96 : index
              %get3A_928 = tpu.vector_load %arg22[%get3A_927] {strides = array<i32>} : memref<112xf32, #tpu.memory_space<vmem>>, vector<16xf32>,
              %max3A_929 = arith.maximumf %get3A_920, %gather3A : vector<16xf32>
              %max3A_930 = arith.maximumf %get3A_922, %gather3A_717 : vector<16xf32>
              %min3A_931 = arith.minimumf %get3A_924, %gather3A_718 : vector<16xf32>
              %min3A_932 = arith.minimumf %get3A_926, %gather3A_719 : vector<16xf32>
              %sub3A_933 = arith.subf %min3A_931, %max3A_929 : vector<16xf32>
              %max3A_934 = arith.constant 0.000000e+00 : f32
              %max3A_935 = vector.broadcast %max3A_934 : f32 to vector<16xf32>
              %max3A_936 = arith.maximumf %max3A_935, %sub3A_933 : vector<16xf32>
              %sub3A_937 = arith.subf %min3A_932, %max3A_930 : vector<16xf32>
              %max3A_938 = arith.constant 0.000000e+00 : f32
              %max3A_939 = vector.broadcast %max3A_938 : f32 to vector<16xf32>
              %max3A_940 = arith.maximumf %max3A_939, %sub3A_937 : vector<16xf32>
              %mul3A_941 = arith.mulf %max3A_936, %max3A_940 : vector<16xf32>
              %add3A_942 = arith.addf %get3A_928, %mul3A_721 : vector<16xf32>
              %sub3A_943 = arith.subf %add3A_942, %mul3A_941 : vector<16xf32>
              %add3A_944 = arith.constant 9.99999996E-13 : f32
              %add3A_945 = vector.broadcast %add3A_944 : f32 to vector<16xf32>
              %add3A_946 = arith.addf %sub3A_943, %add3A_945 : vector<16xf32>
              %div3A_947 = arith.divf %mul3A_941, %add3A_946 : vector<16xf32>
              %gt3A_948 = arith.constant 0.699999988 : f32
              %gt3A_949 = vector.broadcast %gt3A_948 : f32 to vector<16xf32>
              %gt3A_950 = arith.cmpf ogt, %div3A_947, %gt3A_949 : vector<16xf32>
              %or3A_951 = arith.ori %or3A_918, %gt3A_950 : vector<16xi1>
              %reduce_or3A = arith.constant 1.000000e+00 : f32
              %reduce_or3A_952 = arith.constant 0.000000e+00 : f32
              %reduce_or3A_953 = vector.broadcast %reduce_or3A : f32 to vector<16xf32>
              %reduce_or3A_954 = vector.broadcast %reduce_or3A_952 : f32 to vector<16xf32>
              %reduce_or3A_955 = arith.select %or3A_951, %reduce_or3A_953, %reduce_or3A_954 : vector<16xi1>, vector<16xf32>
              %reduce_or3A_956 = arith.constant true
              %reduce_or3A_957 = vector.broadcast %reduce_or3A_956 : i1 to vector<16xi1>
              %reduce_or3A_958 = tpu.scan <max>, %reduce_or3A_955 masked %reduce_or3A_957 : vector<16xf32>, vector<16xi1> -> vector<16xf32>
              %reduce_or3A_959 = vector.extract %reduce_or3A_958[15] : f32 from vector<16xf32>
              %reduce_or3A_960 = arith.constant 0.000000e+00 : f32
              %reduce_or3A_961 = arith.cmpf ogt, %reduce_or3A_959, %reduce_or3A_960 : f32
              %not3A = arith.constant true
              %not3A_962 = arith.xori %reduce_or3A_961, %not3A : i1
              %and3A = arith.andi %ge3A_715, %not3A_962 : i1
              %convert_element_type3A_963 = arith.extui %ge3A_715 : i1 to i32
              %cond3A_964 = arith.constant 0 : i32
              %cond3A_965 = arith.cmpi ne, %convert_element_type3A_963, %cond3A_964 : i32
              scf.if %cond3A_965 {
                tpu.vector_store_idx %arg12[%broadcast_in_dim3A_716], %broadcast_in_dim3A_11 masked %eq3A_4 : memref<20000xf32, #tpu.memory_space<vmem>>[vector<16xi32>], vector<16xf32>, vector<16xi1>
                %add3A_985 = arith.constant 0 : i32
                %add3A_986 = arith.addi %mul3A_584, %add3A_985 : i32
                %get3A_987 = arith.index_cast %add3A_986 : i32 to index
                %get3A_988 = tpu.vector_load %arg12[%get3A_987] {strides = array<i32>} : memref<20000xf32, #tpu.memory_space<vmem>>, vector<16xf32>,
                %max3A_989 = arith.maximumf %broadcast_in_dim3A_11, %get3A_988 : vector<16xf32>
                %add3A_990 = arith.constant 16 : i32
                %add3A_991 = arith.addi %mul3A_584, %add3A_990 : i32
                %get3A_992 = arith.index_cast %add3A_991 : i32 to index
                %get3A_993 = tpu.vector_load %arg12[%get3A_992] {strides = array<i32>} : memref<20000xf32, #tpu.memory_space<vmem>>, vector<16xf32>,
                %max3A_994 = arith.maximumf %max3A_989, %get3A_993 : vector<16xf32>
                %add3A_995 = arith.constant 32 : i32
                %add3A_996 = arith.addi %mul3A_584, %add3A_995 : i32
                %get3A_997 = arith.index_cast %add3A_996 : i32 to index
                %get3A_998 = tpu.vector_load %arg12[%get3A_997] {strides = array<i32>} : memref<20000xf32, #tpu.memory_space<vmem>>, vector<16xf32>,
                %max3A_999 = arith.maximumf %max3A_994, %get3A_998 : vector<16xf32>
                %add3A_1000 = arith.constant 48 : i32
                %add3A_1001 = arith.addi %mul3A_584, %add3A_1000 : i32
                %get3A_1002 = arith.index_cast %add3A_1001 : i32 to index
                %get3A_1003 = tpu.vector_load %arg12[%get3A_1002] {strides = array<i32>} : memref<20000xf32, #tpu.memory_space<vmem>>, vector<16xf32>,
                %max3A_1004 = arith.maximumf %max3A_999, %get3A_1003 : vector<16xf32>
                %add3A_1005 = arith.constant 64 : i32
                %add3A_1006 = arith.addi %mul3A_584, %add3A_1005 : i32
                %get3A_1007 = arith.index_cast %add3A_1006 : i32 to index
                %get3A_1008 = tpu.vector_load %arg12[%get3A_1007] {strides = array<i32>} : memref<20000xf32, #tpu.memory_space<vmem>>, vector<16xf32>,
                %max3A_1009 = arith.maximumf %max3A_1004, %get3A_1008 : vector<16xf32>
                %add3A_1010 = arith.constant 80 : i32
                %add3A_1011 = arith.addi %mul3A_584, %add3A_1010 : i32
                %get3A_1012 = arith.index_cast %add3A_1011 : i32 to index
                %get3A_1013 = tpu.vector_load %arg12[%get3A_1012] {strides = array<i32>} : memref<20000xf32, #tpu.memory_space<vmem>>, vector<16xf32>,
                %max3A_1014 = arith.maximumf %max3A_1009, %get3A_1013 : vector<16xf32>
                %add3A_1015 = arith.constant 96 : i32
                %add3A_1016 = arith.addi %mul3A_584, %add3A_1015 : i32
                %get3A_1017 = arith.index_cast %add3A_1016 : i32 to index
                %get3A_1018 = tpu.vector_load %arg12[%get3A_1017] {strides = array<i32>} : memref<20000xf32, #tpu.memory_space<vmem>>, vector<16xf32>,
                %max3A_1019 = arith.maximumf %max3A_1014, %get3A_1018 : vector<16xf32>
                %add3A_1020 = arith.constant 112 : i32
                %add3A_1021 = arith.addi %mul3A_584, %add3A_1020 : i32
                %get3A_1022 = arith.index_cast %add3A_1021 : i32 to index
                %get3A_1023 = tpu.vector_load %arg12[%get3A_1022] {strides = array<i32>} : memref<20000xf32, #tpu.memory_space<vmem>>, vector<16xf32>,
                %max3A_1024 = arith.maximumf %max3A_1019, %get3A_1023 : vector<16xf32>
                %add3A_1025 = arith.constant 128 : i32
                %add3A_1026 = arith.addi %mul3A_584, %add3A_1025 : i32
                %get3A_1027 = arith.index_cast %add3A_1026 : i32 to index
                %get3A_1028 = tpu.vector_load %arg12[%get3A_1027] {strides = array<i32>} : memref<20000xf32, #tpu.memory_space<vmem>>, vector<16xf32>,
                %max3A_1029 = arith.maximumf %max3A_1024, %get3A_1028 : vector<16xf32>
                %add3A_1030 = arith.constant 144 : i32
                %add3A_1031 = arith.addi %mul3A_584, %add3A_1030 : i32
                %get3A_1032 = arith.index_cast %add3A_1031 : i32 to index
                %get3A_1033 = tpu.vector_load %arg12[%get3A_1032] {strides = array<i32>} : memref<20000xf32, #tpu.memory_space<vmem>>, vector<16xf32>,
                %max3A_1034 = arith.maximumf %max3A_1029, %get3A_1033 : vector<16xf32>
                %reduce_max3A_1035 = arith.constant true
                %reduce_max3A_1036 = vector.broadcast %reduce_max3A_1035 : i1 to vector<16xi1>
                %reduce_max3A_1037 = tpu.scan <max>, %max3A_1034 masked %reduce_max3A_1036 : vector<16xf32>, vector<16xi1> -> vector<16xf32>
                %reduce_max3A_1038 = vector.extract %reduce_max3A_1037[15] : f32 from vector<16xf32>
                %broadcast_in_dim3A_1039 = vector.broadcast %min3A_582 : i32 to vector<16xi32>
                %broadcast_in_dim3A_1040 = vector.broadcast %reduce_max3A_1038 : f32 to vector<16xf32>
                tpu.vector_store_idx %arg17[%broadcast_in_dim3A_1039], %broadcast_in_dim3A_1040 masked %eq3A_4 : memref<128xf32, #tpu.memory_space<vmem>>[vector<16xi32>], vector<16xf32>, vector<16xi1>
              } else {
              }
              %convert_element_type3A_966 = arith.extui %and3A : i1 to i32
              %cond3A_967 = arith.constant 0 : i32
              %cond3A_968 = arith.cmpi ne, %convert_element_type3A_966, %cond3A_967 : i32
              scf.if %cond3A_968 {
                %mul3A_985 = arith.constant 20000 : i32
                %mul3A_986 = arith.muli %add3A, %mul3A_985 : i32
                %add3A_987 = arith.addi %min3A_714, %mul3A_986 : i32
                %dma_start3A = arith.constant 0 : i32
                %dma_start3A_988 = tpu.memref_slice %arg25[%get3A_512, %dma_start3A] : memref<112x80xf32, #tpu.memory_space<vmem>> -> memref<1x80xf32, #tpu.memory_space<vmem>>
                %dma_start3A_989 = tpu.memref_squeeze %dma_start3A_988 : memref<1x80xf32, #tpu.memory_space<vmem>> -> memref<80xf32, #tpu.memory_space<vmem>>
                %dma_start3A_990 = arith.constant 0 : i32
                %dma_start3A_991 = tpu.memref_slice %arg7[%add3A_987, %dma_start3A_990] : memref<80000x80xf32, #tpu.memory_space<hbm>> -> memref<1x80xf32, #tpu.memory_space<hbm>>
                %dma_start3A_992 = tpu.memref_squeeze %dma_start3A_991 : memref<1x80xf32, #tpu.memory_space<hbm>> -> memref<80xf32, #tpu.memory_space<hbm>>
                %dma_start3A_993 = arith.constant 0 : i32
                %dma_start3A_994 = tpu.memref_slice %arg25[%get3A_512, %dma_start3A_993] : memref<112x80xf32, #tpu.memory_space<vmem>> -> memref<1x80xf32, #tpu.memory_space<vmem>>
                %dma_start3A_995 = tpu.memref_squeeze %dma_start3A_994 : memref<1x80xf32, #tpu.memory_space<vmem>> -> memref<80xf32, #tpu.memory_space<vmem>>
                %dma_start3A_996 = arith.constant 0 : i32
                %dma_start3A_997 = tpu.memref_slice %arg7[%add3A_987, %dma_start3A_996] : memref<80000x80xf32, #tpu.memory_space<hbm>> -> memref<1x80xf32, #tpu.memory_space<hbm>>
                %dma_start3A_998 = tpu.memref_squeeze %dma_start3A_997 : memref<1x80xf32, #tpu.memory_space<hbm>> -> memref<80xf32, #tpu.memory_space<hbm>>
                tpu.enqueue_dma source(%dma_start3A_998 : memref<80xf32, #tpu.memory_space<hbm>>) target(%dma_start3A_995 : memref<80xf32, #tpu.memory_space<vmem>>) target_semaphore(%arg29 : memref<!tpu.dma_semaphore, #tpu.memory_space<semaphore_mem>>)
              } else {
              }
              %broadcast_in_dim3A_969 = vector.broadcast %and3A : i1 to vector<16xi1>
              %and3A_970 = arith.andi %eq3A_4, %broadcast_in_dim3A_969 : vector<16xi1>
              %broadcast_in_dim3A_971 = vector.broadcast %get3A_512 : i32 to vector<16xi32>
              tpu.vector_store_idx %arg18[%broadcast_in_dim3A_971], %gather3A masked %and3A_970 : memref<112xf32, #tpu.memory_space<vmem>>[vector<16xi32>], vector<16xf32>, vector<16xi1>
              tpu.vector_store_idx %arg19[%broadcast_in_dim3A_971], %gather3A_717 masked %and3A_970 : memref<112xf32, #tpu.memory_space<vmem>>[vector<16xi32>], vector<16xf32>, vector<16xi1>
              tpu.vector_store_idx %arg20[%broadcast_in_dim3A_971], %gather3A_718 masked %and3A_970 : memref<112xf32, #tpu.memory_space<vmem>>[vector<16xi32>], vector<16xf32>, vector<16xi1>
              tpu.vector_store_idx %arg21[%broadcast_in_dim3A_971], %gather3A_719 masked %and3A_970 : memref<112xf32, #tpu.memory_space<vmem>>[vector<16xi32>], vector<16xf32>, vector<16xi1>
              tpu.vector_store_idx %arg22[%broadcast_in_dim3A_971], %mul3A_721 masked %and3A_970 : memref<112xf32, #tpu.memory_space<vmem>>[vector<16xi32>], vector<16xf32>, vector<16xi1>
              %broadcast_in_dim3A_972 = vector.broadcast %reduce_max3A_567 : f32 to vector<16xf32>
              tpu.vector_store_idx %arg23[%broadcast_in_dim3A_971], %broadcast_in_dim3A_972 masked %and3A_970 : memref<112xf32, #tpu.memory_space<vmem>>[vector<16xi32>], vector<16xf32>, vector<16xi1>
              %convert_element_type3A_973 = arith.extui %and3A : i1 to i32
              %add3A_974 = arith.addi %get3A_512, %convert_element_type3A_973 : i32
              %swap3A_975 = arith.constant 1 : i32
              %swap3A_976 = arith.index_cast %swap3A_975 : i32 to index
              %swap3A_977 = memref.load %arg28[%swap3A_976] : memref<2xi32, #tpu.memory_space<smem>>
              memref.store %add3A_974, %arg28[%swap3A_976] : memref<2xi32, #tpu.memory_space<smem>>
              %lt3A_978 = arith.constant 100 : i32
              %lt3A_979 = arith.cmpi slt, %add3A_974, %lt3A_978 : i32
              %and3A_980 = arith.andi %ge3A_715, %lt3A_979 : i1
              %convert_element_type3A_981 = arith.extui %and3A_980 : i1 to i32
              %swap3A_982 = arith.constant 0 : i32
              %swap3A_983 = arith.index_cast %swap3A_982 : i32 to index
              %swap3A_984 = memref.load %arg28[%swap3A_983] : memref<2xi32, #tpu.memory_space<smem>>
              memref.store %convert_element_type3A_981, %arg28[%swap3A_983] : memref<2xi32, #tpu.memory_space<smem>>
            } else {
            }
          }
          %scan3A_500 = arith.constant 16 : i32
        } else {
        }
      }
      %scan3A_131 = arith.constant 32 : i32
      %get3A = arith.constant 0 : i32
      %get3A_132 = arith.index_cast %get3A : i32 to index
      %get3A_133 = memref.load %arg28[%get3A_132] : memref<2xi32, #tpu.memory_space<smem>>
      %ne3A = arith.constant 0 : i32
      %ne3A_134 = arith.cmpi ne, %get3A_133, %ne3A : i32
      %convert_element_type3A_135 = arith.extui %ne3A_134 : i1 to i32
      %cond3A_136 = arith.constant 0 : i32
      %cond3A_137 = arith.cmpi ne, %convert_element_type3A_135, %cond3A_136 : i32
      scf.if %cond3A_137 {
        %scan3A_486 = arith.constant 0 : i32
        %scan3A_487 = arith.constant 0 : i32
        %scan3A_488 = arith.constant 1250 : i32
        %scan3A_489 = arith.addi %scan3A_487, %scan3A_488 : i32
        %scan3A_490 = arith.constant 1 : i32
        scf.for %scan3A_492 = %scan3A_487 to %scan3A_489 step %scan3A_490  : i32 {
          %get3A_493 = arith.constant 0 : i32
          %get3A_494 = arith.index_cast %get3A_493 : i32 to index
          %get3A_495 = memref.load %arg28[%get3A_494] : memref<2xi32, #tpu.memory_space<smem>>
          %ne3A_496 = arith.constant 0 : i32
          %ne3A_497 = arith.cmpi ne, %get3A_495, %ne3A_496 : i32
          %convert_element_type3A_498 = arith.extui %ne3A_497 : i1 to i32
          %cond3A_499 = arith.constant 0 : i32
          %cond3A_500 = arith.cmpi ne, %convert_element_type3A_498, %cond3A_499 : i32
          scf.if %cond3A_500 {
            %scan3A_501 = arith.constant 0 : i32
            %scan3A_502 = arith.constant 0 : i32
            %scan3A_503 = arith.constant 16 : i32
            %scan3A_504 = arith.addi %scan3A_502, %scan3A_503 : i32
            %scan3A_505 = arith.constant 1 : i32
            scf.for %scan3A_507 = %scan3A_502 to %scan3A_504 step %scan3A_505  : i32 {
              %get3A_508 = arith.constant 0 : i32
              %get3A_509 = arith.index_cast %get3A_508 : i32 to index
              %get3A_510 = memref.load %arg28[%get3A_509] : memref<2xi32, #tpu.memory_space<smem>>
              %ne3A_511 = arith.constant 0 : i32
              %ne3A_512 = arith.cmpi ne, %get3A_510, %ne3A_511 : i32
              %convert_element_type3A_513 = arith.extui %ne3A_512 : i1 to i32
              %cond3A_514 = arith.constant 0 : i32
              %cond3A_515 = arith.cmpi ne, %convert_element_type3A_513, %cond3A_514 : i32
              scf.if %cond3A_515 {
                %get3A_516 = arith.constant 1 : i32
                %get3A_517 = arith.index_cast %get3A_516 : i32 to index
                %get3A_518 = memref.load %arg28[%get3A_517] : memref<2xi32, #tpu.memory_space<smem>>
                %get3A_519 = arith.constant 0 : index
                %get3A_520 = tpu.vector_load %arg17[%get3A_519] {strides = array<i32>} : memref<128xf32, #tpu.memory_space<vmem>>, vector<16xf32>,
                %broadcast_in_dim3A_521 = arith.constant 0 : i32
                %broadcast_in_dim3A_522 = vector.broadcast %broadcast_in_dim3A_521 : i32 to vector<16xi32>
                %get3A_523 = arith.constant 16 : index
                %get3A_524 = tpu.vector_load %arg17[%get3A_523] {strides = array<i32>} : memref<128xf32, #tpu.memory_space<vmem>>, vector<16xf32>,
                %gt3A = arith.cmpf ogt, %get3A_524, %get3A_520 : vector<16xf32>
                %select_n3A_525 = arith.select %gt3A, %get3A_524, %get3A_520 : vector<16xi1>, vector<16xf32>
                %jit3A_526 = arith.constant 1 : i32
                %broadcast_in_dim3A_527 = vector.broadcast %jit3A_526 : i32 to vector<16xi32>
                %select_n3A_528 = arith.select %gt3A, %broadcast_in_dim3A_527, %broadcast_in_dim3A_522 : vector<16xi1>, vector<16xi32>
                %get3A_529 = arith.constant 32 : index
                %get3A_530 = tpu.vector_load %arg17[%get3A_529] {strides = array<i32>} : memref<128xf32, #tpu.memory_space<vmem>>, vector<16xf32>,
                %gt3A_531 = arith.cmpf ogt, %get3A_530, %select_n3A_525 : vector<16xf32>
                %select_n3A_532 = arith.select %gt3A_531, %get3A_530, %select_n3A_525 : vector<16xi1>, vector<16xf32>
                %jit3A_533 = arith.constant 2 : i32
                %broadcast_in_dim3A_534 = vector.broadcast %jit3A_533 : i32 to vector<16xi32>
                %select_n3A_535 = arith.select %gt3A_531, %broadcast_in_dim3A_534, %select_n3A_528 : vector<16xi1>, vector<16xi32>
                %get3A_536 = arith.constant 48 : index
                %get3A_537 = tpu.vector_load %arg17[%get3A_536] {strides = array<i32>} : memref<128xf32, #tpu.memory_space<vmem>>, vector<16xf32>,
                %gt3A_538 = arith.cmpf ogt, %get3A_537, %select_n3A_532 : vector<16xf32>
                %select_n3A_539 = arith.select %gt3A_538, %get3A_537, %select_n3A_532 : vector<16xi1>, vector<16xf32>
                %jit3A_540 = arith.constant 3 : i32
                %broadcast_in_dim3A_541 = vector.broadcast %jit3A_540 : i32 to vector<16xi32>
                %select_n3A_542 = arith.select %gt3A_538, %broadcast_in_dim3A_541, %select_n3A_535 : vector<16xi1>, vector<16xi32>
                %get3A_543 = arith.constant 64 : index
                %get3A_544 = tpu.vector_load %arg17[%get3A_543] {strides = array<i32>} : memref<128xf32, #tpu.memory_space<vmem>>, vector<16xf32>,
                %gt3A_545 = arith.cmpf ogt, %get3A_544, %select_n3A_539 : vector<16xf32>
                %select_n3A_546 = arith.select %gt3A_545, %get3A_544, %select_n3A_539 : vector<16xi1>, vector<16xf32>
                %jit3A_547 = arith.constant 4 : i32
                %broadcast_in_dim3A_548 = vector.broadcast %jit3A_547 : i32 to vector<16xi32>
                %select_n3A_549 = arith.select %gt3A_545, %broadcast_in_dim3A_548, %select_n3A_542 : vector<16xi1>, vector<16xi32>
                %get3A_550 = arith.constant 80 : index
                %get3A_551 = tpu.vector_load %arg17[%get3A_550] {strides = array<i32>} : memref<128xf32, #tpu.memory_space<vmem>>, vector<16xf32>,
                %gt3A_552 = arith.cmpf ogt, %get3A_551, %select_n3A_546 : vector<16xf32>
                %select_n3A_553 = arith.select %gt3A_552, %get3A_551, %select_n3A_546 : vector<16xi1>, vector<16xf32>
                %jit3A_554 = arith.constant 5 : i32
                %broadcast_in_dim3A_555 = vector.broadcast %jit3A_554 : i32 to vector<16xi32>
                %select_n3A_556 = arith.select %gt3A_552, %broadcast_in_dim3A_555, %select_n3A_549 : vector<16xi1>, vector<16xi32>
                %get3A_557 = arith.constant 96 : index
                %get3A_558 = tpu.vector_load %arg17[%get3A_557] {strides = array<i32>} : memref<128xf32, #tpu.memory_space<vmem>>, vector<16xf32>,
                %gt3A_559 = arith.cmpf ogt, %get3A_558, %select_n3A_553 : vector<16xf32>
                %select_n3A_560 = arith.select %gt3A_559, %get3A_558, %select_n3A_553 : vector<16xi1>, vector<16xf32>
                %jit3A_561 = arith.constant 6 : i32
                %broadcast_in_dim3A_562 = vector.broadcast %jit3A_561 : i32 to vector<16xi32>
                %select_n3A_563 = arith.select %gt3A_559, %broadcast_in_dim3A_562, %select_n3A_556 : vector<16xi1>, vector<16xi32>
                %get3A_564 = arith.constant 112 : index
                %get3A_565 = tpu.vector_load %arg17[%get3A_564] {strides = array<i32>} : memref<128xf32, #tpu.memory_space<vmem>>, vector<16xf32>,
                %gt3A_566 = arith.cmpf ogt, %get3A_565, %select_n3A_560 : vector<16xf32>
                %select_n3A_567 = arith.select %gt3A_566, %get3A_565, %select_n3A_560 : vector<16xi1>, vector<16xf32>
                %jit3A_568 = arith.constant 7 : i32
                %broadcast_in_dim3A_569 = vector.broadcast %jit3A_568 : i32 to vector<16xi32>
                %select_n3A_570 = arith.select %gt3A_566, %broadcast_in_dim3A_569, %select_n3A_563 : vector<16xi1>, vector<16xi32>
                %reduce_max3A = arith.constant true
                %reduce_max3A_571 = vector.broadcast %reduce_max3A : i1 to vector<16xi1>
                %reduce_max3A_572 = tpu.scan <max>, %select_n3A_567 masked %reduce_max3A_571 : vector<16xf32>, vector<16xi1> -> vector<16xf32>
                %reduce_max3A_573 = vector.extract %reduce_max3A_572[15] : f32 from vector<16xf32>
                %eq3A_574 = vector.broadcast %reduce_max3A_573 : f32 to vector<16xf32>
                %eq3A_575 = arith.cmpf oeq, %select_n3A_567, %eq3A_574 : vector<16xf32>
                %mul3A_576 = arith.constant 16 : i32
                %mul3A_577 = vector.broadcast %mul3A_576 : i32 to vector<16xi32>
                %mul3A_578 = arith.muli %select_n3A_570, %mul3A_577 : vector<16xi32>
                %add3A_579 = arith.addi %mul3A_578, %iota3A : vector<16xi32>
                %select_n3A_580 = arith.select %eq3A_575, %add3A_579, %broadcast_in_dim3A_13 : vector<16xi1>, vector<16xi32>
                %reduce_min3A = arith.constant true
                %reduce_min3A_581 = vector.broadcast %reduce_min3A : i1 to vector<16xi1>
                %reduce_min3A_582 = arith.constant -2147483648 : i32
                %reduce_min3A_583 = vector.broadcast %reduce_min3A_582 : i32 to vector<16xi32>
                %reduce_min3A_584 = arith.xori %select_n3A_580, %reduce_min3A_583 : vector<16xi32>
                %reduce_min3A_585 = tpu.scan <min>, %reduce_min3A_584 masked %reduce_min3A_581 : vector<16xi32>, vector<16xi1> -> vector<16xi32>
                %reduce_min3A_586 = arith.xori %reduce_min3A_585, %reduce_min3A_583 : vector<16xi32>
                %reduce_min3A_587 = vector.extract %reduce_min3A_586[15] : i32 from vector<16xi32>
                %min3A = arith.constant 124 : i32
                %min3A_588 = arith.minsi %reduce_min3A_587, %min3A : i32
                %mul3A_589 = arith.constant 160 : i32
                %mul3A_590 = arith.muli %min3A_588, %mul3A_589 : i32
                %add3A_591 = arith.constant 0 : i32
                %add3A_592 = arith.addi %mul3A_590, %add3A_591 : i32
                %get3A_593 = arith.index_cast %add3A_592 : i32 to index
                %get3A_594 = tpu.vector_load %arg12[%get3A_593] {strides = array<i32>} : memref<20000xf32, #tpu.memory_space<vmem>>, vector<16xf32>,
                %eq3A_595 = vector.broadcast %reduce_max3A_573 : f32 to vector<16xf32>
                %eq3A_596 = arith.cmpf oeq, %get3A_594, %eq3A_595 : vector<16xf32>
                %add3A_597 = arith.constant 0 : i32
                %add3A_598 = arith.addi %mul3A_590, %add3A_597 : i32
                %add3A_599 = vector.broadcast %add3A_598 : i32 to vector<16xi32>
                %add3A_600 = arith.addi %iota3A, %add3A_599 : vector<16xi32>
                %select_n3A_601 = arith.select %eq3A_596, %add3A_600, %broadcast_in_dim3A_13 : vector<16xi1>, vector<16xi32>
                %min3A_602 = arith.minsi %broadcast_in_dim3A_13, %select_n3A_601 : vector<16xi32>
                %add3A_603 = arith.constant 16 : i32
                %add3A_604 = arith.addi %mul3A_590, %add3A_603 : i32
                %get3A_605 = arith.index_cast %add3A_604 : i32 to index
                %get3A_606 = tpu.vector_load %arg12[%get3A_605] {strides = array<i32>} : memref<20000xf32, #tpu.memory_space<vmem>>, vector<16xf32>,
                %eq3A_607 = vector.broadcast %reduce_max3A_573 : f32 to vector<16xf32>
                %eq3A_608 = arith.cmpf oeq, %get3A_606, %eq3A_607 : vector<16xf32>
                %add3A_609 = arith.constant 16 : i32
                %add3A_610 = arith.addi %mul3A_590, %add3A_609 : i32
                %add3A_611 = vector.broadcast %add3A_610 : i32 to vector<16xi32>
                %add3A_612 = arith.addi %iota3A, %add3A_611 : vector<16xi32>
                %select_n3A_613 = arith.select %eq3A_608, %add3A_612, %broadcast_in_dim3A_13 : vector<16xi1>, vector<16xi32>
                %min3A_614 = arith.minsi %min3A_602, %select_n3A_613 : vector<16xi32>
                %add3A_615 = arith.constant 32 : i32
                %add3A_616 = arith.addi %mul3A_590, %add3A_615 : i32
                %get3A_617 = arith.index_cast %add3A_616 : i32 to index
                %get3A_618 = tpu.vector_load %arg12[%get3A_617] {strides = array<i32>} : memref<20000xf32, #tpu.memory_space<vmem>>, vector<16xf32>,
                %eq3A_619 = vector.broadcast %reduce_max3A_573 : f32 to vector<16xf32>
                %eq3A_620 = arith.cmpf oeq, %get3A_618, %eq3A_619 : vector<16xf32>
                %add3A_621 = arith.constant 32 : i32
                %add3A_622 = arith.addi %mul3A_590, %add3A_621 : i32
                %add3A_623 = vector.broadcast %add3A_622 : i32 to vector<16xi32>
                %add3A_624 = arith.addi %iota3A, %add3A_623 : vector<16xi32>
                %select_n3A_625 = arith.select %eq3A_620, %add3A_624, %broadcast_in_dim3A_13 : vector<16xi1>, vector<16xi32>
                %min3A_626 = arith.minsi %min3A_614, %select_n3A_625 : vector<16xi32>
                %add3A_627 = arith.constant 48 : i32
                %add3A_628 = arith.addi %mul3A_590, %add3A_627 : i32
                %get3A_629 = arith.index_cast %add3A_628 : i32 to index
                %get3A_630 = tpu.vector_load %arg12[%get3A_629] {strides = array<i32>} : memref<20000xf32, #tpu.memory_space<vmem>>, vector<16xf32>,
                %eq3A_631 = vector.broadcast %reduce_max3A_573 : f32 to vector<16xf32>
                %eq3A_632 = arith.cmpf oeq, %get3A_630, %eq3A_631 : vector<16xf32>
                %add3A_633 = arith.constant 48 : i32
                %add3A_634 = arith.addi %mul3A_590, %add3A_633 : i32
                %add3A_635 = vector.broadcast %add3A_634 : i32 to vector<16xi32>
                %add3A_636 = arith.addi %iota3A, %add3A_635 : vector<16xi32>
                %select_n3A_637 = arith.select %eq3A_632, %add3A_636, %broadcast_in_dim3A_13 : vector<16xi1>, vector<16xi32>
                %min3A_638 = arith.minsi %min3A_626, %select_n3A_637 : vector<16xi32>
                %add3A_639 = arith.constant 64 : i32
                %add3A_640 = arith.addi %mul3A_590, %add3A_639 : i32
                %get3A_641 = arith.index_cast %add3A_640 : i32 to index
                %get3A_642 = tpu.vector_load %arg12[%get3A_641] {strides = array<i32>} : memref<20000xf32, #tpu.memory_space<vmem>>, vector<16xf32>,
                %eq3A_643 = vector.broadcast %reduce_max3A_573 : f32 to vector<16xf32>
                %eq3A_644 = arith.cmpf oeq, %get3A_642, %eq3A_643 : vector<16xf32>
                %add3A_645 = arith.constant 64 : i32
                %add3A_646 = arith.addi %mul3A_590, %add3A_645 : i32
                %add3A_647 = vector.broadcast %add3A_646 : i32 to vector<16xi32>
                %add3A_648 = arith.addi %iota3A, %add3A_647 : vector<16xi32>
                %select_n3A_649 = arith.select %eq3A_644, %add3A_648, %broadcast_in_dim3A_13 : vector<16xi1>, vector<16xi32>
                %min3A_650 = arith.minsi %min3A_638, %select_n3A_649 : vector<16xi32>
                %add3A_651 = arith.constant 80 : i32
                %add3A_652 = arith.addi %mul3A_590, %add3A_651 : i32
                %get3A_653 = arith.index_cast %add3A_652 : i32 to index
                %get3A_654 = tpu.vector_load %arg12[%get3A_653] {strides = array<i32>} : memref<20000xf32, #tpu.memory_space<vmem>>, vector<16xf32>,
                %eq3A_655 = vector.broadcast %reduce_max3A_573 : f32 to vector<16xf32>
                %eq3A_656 = arith.cmpf oeq, %get3A_654, %eq3A_655 : vector<16xf32>
                %add3A_657 = arith.constant 80 : i32
                %add3A_658 = arith.addi %mul3A_590, %add3A_657 : i32
                %add3A_659 = vector.broadcast %add3A_658 : i32 to vector<16xi32>
                %add3A_660 = arith.addi %iota3A, %add3A_659 : vector<16xi32>
                %select_n3A_661 = arith.select %eq3A_656, %add3A_660, %broadcast_in_dim3A_13 : vector<16xi1>, vector<16xi32>
                %min3A_662 = arith.minsi %min3A_650, %select_n3A_661 : vector<16xi32>
                %add3A_663 = arith.constant 96 : i32
                %add3A_664 = arith.addi %mul3A_590, %add3A_663 : i32
                %get3A_665 = arith.index_cast %add3A_664 : i32 to index
                %get3A_666 = tpu.vector_load %arg12[%get3A_665] {strides = array<i32>} : memref<20000xf32, #tpu.memory_space<vmem>>, vector<16xf32>,
                %eq3A_667 = vector.broadcast %reduce_max3A_573 : f32 to vector<16xf32>
                %eq3A_668 = arith.cmpf oeq, %get3A_666, %eq3A_667 : vector<16xf32>
                %add3A_669 = arith.constant 96 : i32
                %add3A_670 = arith.addi %mul3A_590, %add3A_669 : i32
                %add3A_671 = vector.broadcast %add3A_670 : i32 to vector<16xi32>
                %add3A_672 = arith.addi %iota3A, %add3A_671 : vector<16xi32>
                %select_n3A_673 = arith.select %eq3A_668, %add3A_672, %broadcast_in_dim3A_13 : vector<16xi1>, vector<16xi32>
                %min3A_674 = arith.minsi %min3A_662, %select_n3A_673 : vector<16xi32>
                %add3A_675 = arith.constant 112 : i32
                %add3A_676 = arith.addi %mul3A_590, %add3A_675 : i32
                %get3A_677 = arith.index_cast %add3A_676 : i32 to index
                %get3A_678 = tpu.vector_load %arg12[%get3A_677] {strides = array<i32>} : memref<20000xf32, #tpu.memory_space<vmem>>, vector<16xf32>,
                %eq3A_679 = vector.broadcast %reduce_max3A_573 : f32 to vector<16xf32>
                %eq3A_680 = arith.cmpf oeq, %get3A_678, %eq3A_679 : vector<16xf32>
                %add3A_681 = arith.constant 112 : i32
                %add3A_682 = arith.addi %mul3A_590, %add3A_681 : i32
                %add3A_683 = vector.broadcast %add3A_682 : i32 to vector<16xi32>
                %add3A_684 = arith.addi %iota3A, %add3A_683 : vector<16xi32>
                %select_n3A_685 = arith.select %eq3A_680, %add3A_684, %broadcast_in_dim3A_13 : vector<16xi1>, vector<16xi32>
                %min3A_686 = arith.minsi %min3A_674, %select_n3A_685 : vector<16xi32>
                %add3A_687 = arith.constant 128 : i32
                %add3A_688 = arith.addi %mul3A_590, %add3A_687 : i32
                %get3A_689 = arith.index_cast %add3A_688 : i32 to index
                %get3A_690 = tpu.vector_load %arg12[%get3A_689] {strides = array<i32>} : memref<20000xf32, #tpu.memory_space<vmem>>, vector<16xf32>,
                %eq3A_691 = vector.broadcast %reduce_max3A_573 : f32 to vector<16xf32>
                %eq3A_692 = arith.cmpf oeq, %get3A_690, %eq3A_691 : vector<16xf32>
                %add3A_693 = arith.constant 128 : i32
                %add3A_694 = arith.addi %mul3A_590, %add3A_693 : i32
                %add3A_695 = vector.broadcast %add3A_694 : i32 to vector<16xi32>
                %add3A_696 = arith.addi %iota3A, %add3A_695 : vector<16xi32>
                %select_n3A_697 = arith.select %eq3A_692, %add3A_696, %broadcast_in_dim3A_13 : vector<16xi1>, vector<16xi32>
                %min3A_698 = arith.minsi %min3A_686, %select_n3A_697 : vector<16xi32>
                %add3A_699 = arith.constant 144 : i32
                %add3A_700 = arith.addi %mul3A_590, %add3A_699 : i32
                %get3A_701 = arith.index_cast %add3A_700 : i32 to index
                %get3A_702 = tpu.vector_load %arg12[%get3A_701] {strides = array<i32>} : memref<20000xf32, #tpu.memory_space<vmem>>, vector<16xf32>,
                %eq3A_703 = vector.broadcast %reduce_max3A_573 : f32 to vector<16xf32>
                %eq3A_704 = arith.cmpf oeq, %get3A_702, %eq3A_703 : vector<16xf32>
                %add3A_705 = arith.constant 144 : i32
                %add3A_706 = arith.addi %mul3A_590, %add3A_705 : i32
                %add3A_707 = vector.broadcast %add3A_706 : i32 to vector<16xi32>
                %add3A_708 = arith.addi %iota3A, %add3A_707 : vector<16xi32>
                %select_n3A_709 = arith.select %eq3A_704, %add3A_708, %broadcast_in_dim3A_13 : vector<16xi1>, vector<16xi32>
                %min3A_710 = arith.minsi %min3A_698, %select_n3A_709 : vector<16xi32>
                %reduce_min3A_711 = arith.constant true
                %reduce_min3A_712 = vector.broadcast %reduce_min3A_711 : i1 to vector<16xi1>
                %reduce_min3A_713 = arith.constant -2147483648 : i32
                %reduce_min3A_714 = vector.broadcast %reduce_min3A_713 : i32 to vector<16xi32>
                %reduce_min3A_715 = arith.xori %min3A_710, %reduce_min3A_714 : vector<16xi32>
                %reduce_min3A_716 = tpu.scan <min>, %reduce_min3A_715 masked %reduce_min3A_712 : vector<16xi32>, vector<16xi1> -> vector<16xi32>
                %reduce_min3A_717 = arith.xori %reduce_min3A_716, %reduce_min3A_714 : vector<16xi32>
                %reduce_min3A_718 = vector.extract %reduce_min3A_717[15] : i32 from vector<16xi32>
                %min3A_719 = arith.constant 19999 : i32
                %min3A_720 = arith.minsi %reduce_min3A_718, %min3A_719 : i32
                %ge3A = arith.constant 5.000000e-02 : f32
                %ge3A_721 = arith.cmpf oge, %reduce_max3A_573, %ge3A : f32
                %broadcast_in_dim3A_722 = vector.broadcast %min3A_720 : i32 to vector<16xi32>
                %gather3A = tpu.vector_load_idx %arg13[%broadcast_in_dim3A_722] : memref<20000xf32, #tpu.memory_space<vmem>>[vector<16xi32>], vector<16xf32>,
                %gather3A_723 = tpu.vector_load_idx %arg14[%broadcast_in_dim3A_722] : memref<20000xf32, #tpu.memory_space<vmem>>[vector<16xi32>], vector<16xf32>,
                %gather3A_724 = tpu.vector_load_idx %arg15[%broadcast_in_dim3A_722] : memref<20000xf32, #tpu.memory_space<vmem>>[vector<16xi32>], vector<16xf32>,
                %gather3A_725 = tpu.vector_load_idx %arg16[%broadcast_in_dim3A_722] : memref<20000xf32, #tpu.memory_space<vmem>>[vector<16xi32>], vector<16xf32>,
                %sub3A = arith.subf %gather3A_724, %gather3A : vector<16xf32>
                %sub3A_726 = arith.subf %gather3A_725, %gather3A_723 : vector<16xf32>
                %mul3A_727 = arith.mulf %sub3A, %sub3A_726 : vector<16xf32>
                %broadcast_in_dim3A_728 = arith.constant false
                %broadcast_in_dim3A_729 = vector.broadcast %broadcast_in_dim3A_728 : i1 to vector<16xi1>
                %get3A_730 = arith.constant 0 : index
                %get3A_731 = tpu.vector_load %arg18[%get3A_730] {strides = array<i32>} : memref<112xf32, #tpu.memory_space<vmem>>, vector<16xf32>,
                %get3A_732 = arith.constant 0 : index
                %get3A_733 = tpu.vector_load %arg19[%get3A_732] {strides = array<i32>} : memref<112xf32, #tpu.memory_space<vmem>>, vector<16xf32>,
                %get3A_734 = arith.constant 0 : index
                %get3A_735 = tpu.vector_load %arg20[%get3A_734] {strides = array<i32>} : memref<112xf32, #tpu.memory_space<vmem>>, vector<16xf32>,
                %get3A_736 = arith.constant 0 : index
                %get3A_737 = tpu.vector_load %arg21[%get3A_736] {strides = array<i32>} : memref<112xf32, #tpu.memory_space<vmem>>, vector<16xf32>,
                %get3A_738 = arith.constant 0 : index
                %get3A_739 = tpu.vector_load %arg22[%get3A_738] {strides = array<i32>} : memref<112xf32, #tpu.memory_space<vmem>>, vector<16xf32>,
                %max3A = arith.maximumf %get3A_731, %gather3A : vector<16xf32>
                %max3A_740 = arith.maximumf %get3A_733, %gather3A_723 : vector<16xf32>
                %min3A_741 = arith.minimumf %get3A_735, %gather3A_724 : vector<16xf32>
                %min3A_742 = arith.minimumf %get3A_737, %gather3A_725 : vector<16xf32>
                %sub3A_743 = arith.subf %min3A_741, %max3A : vector<16xf32>
                %max3A_744 = arith.constant 0.000000e+00 : f32
                %max3A_745 = vector.broadcast %max3A_744 : f32 to vector<16xf32>
                %max3A_746 = arith.maximumf %max3A_745, %sub3A_743 : vector<16xf32>
                %sub3A_747 = arith.subf %min3A_742, %max3A_740 : vector<16xf32>
                %max3A_748 = arith.constant 0.000000e+00 : f32
                %max3A_749 = vector.broadcast %max3A_748 : f32 to vector<16xf32>
                %max3A_750 = arith.maximumf %max3A_749, %sub3A_747 : vector<16xf32>
                %mul3A_751 = arith.mulf %max3A_746, %max3A_750 : vector<16xf32>
                %add3A_752 = arith.addf %get3A_739, %mul3A_727 : vector<16xf32>
                %sub3A_753 = arith.subf %add3A_752, %mul3A_751 : vector<16xf32>
                %add3A_754 = arith.constant 9.99999996E-13 : f32
                %add3A_755 = vector.broadcast %add3A_754 : f32 to vector<16xf32>
                %add3A_756 = arith.addf %sub3A_753, %add3A_755 : vector<16xf32>
                %div3A = arith.divf %mul3A_751, %add3A_756 : vector<16xf32>
                %gt3A_757 = arith.constant 0.699999988 : f32
                %gt3A_758 = vector.broadcast %gt3A_757 : f32 to vector<16xf32>
                %gt3A_759 = arith.cmpf ogt, %div3A, %gt3A_758 : vector<16xf32>
                %or3A = arith.ori %broadcast_in_dim3A_729, %gt3A_759 : vector<16xi1>
                %get3A_760 = arith.constant 16 : index
                %get3A_761 = tpu.vector_load %arg18[%get3A_760] {strides = array<i32>} : memref<112xf32, #tpu.memory_space<vmem>>, vector<16xf32>,
                %get3A_762 = arith.constant 16 : index
                %get3A_763 = tpu.vector_load %arg19[%get3A_762] {strides = array<i32>} : memref<112xf32, #tpu.memory_space<vmem>>, vector<16xf32>,
                %get3A_764 = arith.constant 16 : index
                %get3A_765 = tpu.vector_load %arg20[%get3A_764] {strides = array<i32>} : memref<112xf32, #tpu.memory_space<vmem>>, vector<16xf32>,
                %get3A_766 = arith.constant 16 : index
                %get3A_767 = tpu.vector_load %arg21[%get3A_766] {strides = array<i32>} : memref<112xf32, #tpu.memory_space<vmem>>, vector<16xf32>,
                %get3A_768 = arith.constant 16 : index
                %get3A_769 = tpu.vector_load %arg22[%get3A_768] {strides = array<i32>} : memref<112xf32, #tpu.memory_space<vmem>>, vector<16xf32>,
                %max3A_770 = arith.maximumf %get3A_761, %gather3A : vector<16xf32>
                %max3A_771 = arith.maximumf %get3A_763, %gather3A_723 : vector<16xf32>
                %min3A_772 = arith.minimumf %get3A_765, %gather3A_724 : vector<16xf32>
                %min3A_773 = arith.minimumf %get3A_767, %gather3A_725 : vector<16xf32>
                %sub3A_774 = arith.subf %min3A_772, %max3A_770 : vector<16xf32>
                %max3A_775 = arith.constant 0.000000e+00 : f32
                %max3A_776 = vector.broadcast %max3A_775 : f32 to vector<16xf32>
                %max3A_777 = arith.maximumf %max3A_776, %sub3A_774 : vector<16xf32>
                %sub3A_778 = arith.subf %min3A_773, %max3A_771 : vector<16xf32>
                %max3A_779 = arith.constant 0.000000e+00 : f32
                %max3A_780 = vector.broadcast %max3A_779 : f32 to vector<16xf32>
                %max3A_781 = arith.maximumf %max3A_780, %sub3A_778 : vector<16xf32>
                %mul3A_782 = arith.mulf %max3A_777, %max3A_781 : vector<16xf32>
                %add3A_783 = arith.addf %get3A_769, %mul3A_727 : vector<16xf32>
                %sub3A_784 = arith.subf %add3A_783, %mul3A_782 : vector<16xf32>
                %add3A_785 = arith.constant 9.99999996E-13 : f32
                %add3A_786 = vector.broadcast %add3A_785 : f32 to vector<16xf32>
                %add3A_787 = arith.addf %sub3A_784, %add3A_786 : vector<16xf32>
                %div3A_788 = arith.divf %mul3A_782, %add3A_787 : vector<16xf32>
                %gt3A_789 = arith.constant 0.699999988 : f32
                %gt3A_790 = vector.broadcast %gt3A_789 : f32 to vector<16xf32>
                %gt3A_791 = arith.cmpf ogt, %div3A_788, %gt3A_790 : vector<16xf32>
                %or3A_792 = arith.ori %or3A, %gt3A_791 : vector<16xi1>
                %get3A_793 = arith.constant 32 : index
                %get3A_794 = tpu.vector_load %arg18[%get3A_793] {strides = array<i32>} : memref<112xf32, #tpu.memory_space<vmem>>, vector<16xf32>,
                %get3A_795 = arith.constant 32 : index
                %get3A_796 = tpu.vector_load %arg19[%get3A_795] {strides = array<i32>} : memref<112xf32, #tpu.memory_space<vmem>>, vector<16xf32>,
                %get3A_797 = arith.constant 32 : index
                %get3A_798 = tpu.vector_load %arg20[%get3A_797] {strides = array<i32>} : memref<112xf32, #tpu.memory_space<vmem>>, vector<16xf32>,
                %get3A_799 = arith.constant 32 : index
                %get3A_800 = tpu.vector_load %arg21[%get3A_799] {strides = array<i32>} : memref<112xf32, #tpu.memory_space<vmem>>, vector<16xf32>,
                %get3A_801 = arith.constant 32 : index
                %get3A_802 = tpu.vector_load %arg22[%get3A_801] {strides = array<i32>} : memref<112xf32, #tpu.memory_space<vmem>>, vector<16xf32>,
                %max3A_803 = arith.maximumf %get3A_794, %gather3A : vector<16xf32>
                %max3A_804 = arith.maximumf %get3A_796, %gather3A_723 : vector<16xf32>
                %min3A_805 = arith.minimumf %get3A_798, %gather3A_724 : vector<16xf32>
                %min3A_806 = arith.minimumf %get3A_800, %gather3A_725 : vector<16xf32>
                %sub3A_807 = arith.subf %min3A_805, %max3A_803 : vector<16xf32>
                %max3A_808 = arith.constant 0.000000e+00 : f32
                %max3A_809 = vector.broadcast %max3A_808 : f32 to vector<16xf32>
                %max3A_810 = arith.maximumf %max3A_809, %sub3A_807 : vector<16xf32>
                %sub3A_811 = arith.subf %min3A_806, %max3A_804 : vector<16xf32>
                %max3A_812 = arith.constant 0.000000e+00 : f32
                %max3A_813 = vector.broadcast %max3A_812 : f32 to vector<16xf32>
                %max3A_814 = arith.maximumf %max3A_813, %sub3A_811 : vector<16xf32>
                %mul3A_815 = arith.mulf %max3A_810, %max3A_814 : vector<16xf32>
                %add3A_816 = arith.addf %get3A_802, %mul3A_727 : vector<16xf32>
                %sub3A_817 = arith.subf %add3A_816, %mul3A_815 : vector<16xf32>
                %add3A_818 = arith.constant 9.99999996E-13 : f32
                %add3A_819 = vector.broadcast %add3A_818 : f32 to vector<16xf32>
                %add3A_820 = arith.addf %sub3A_817, %add3A_819 : vector<16xf32>
                %div3A_821 = arith.divf %mul3A_815, %add3A_820 : vector<16xf32>
                %gt3A_822 = arith.constant 0.699999988 : f32
                %gt3A_823 = vector.broadcast %gt3A_822 : f32 to vector<16xf32>
                %gt3A_824 = arith.cmpf ogt, %div3A_821, %gt3A_823 : vector<16xf32>
                %or3A_825 = arith.ori %or3A_792, %gt3A_824 : vector<16xi1>
                %get3A_826 = arith.constant 48 : index
                %get3A_827 = tpu.vector_load %arg18[%get3A_826] {strides = array<i32>} : memref<112xf32, #tpu.memory_space<vmem>>, vector<16xf32>,
                %get3A_828 = arith.constant 48 : index
                %get3A_829 = tpu.vector_load %arg19[%get3A_828] {strides = array<i32>} : memref<112xf32, #tpu.memory_space<vmem>>, vector<16xf32>,
                %get3A_830 = arith.constant 48 : index
                %get3A_831 = tpu.vector_load %arg20[%get3A_830] {strides = array<i32>} : memref<112xf32, #tpu.memory_space<vmem>>, vector<16xf32>,
                %get3A_832 = arith.constant 48 : index
                %get3A_833 = tpu.vector_load %arg21[%get3A_832] {strides = array<i32>} : memref<112xf32, #tpu.memory_space<vmem>>, vector<16xf32>,
                %get3A_834 = arith.constant 48 : index
                %get3A_835 = tpu.vector_load %arg22[%get3A_834] {strides = array<i32>} : memref<112xf32, #tpu.memory_space<vmem>>, vector<16xf32>,
                %max3A_836 = arith.maximumf %get3A_827, %gather3A : vector<16xf32>
                %max3A_837 = arith.maximumf %get3A_829, %gather3A_723 : vector<16xf32>
                %min3A_838 = arith.minimumf %get3A_831, %gather3A_724 : vector<16xf32>
                %min3A_839 = arith.minimumf %get3A_833, %gather3A_725 : vector<16xf32>
                %sub3A_840 = arith.subf %min3A_838, %max3A_836 : vector<16xf32>
                %max3A_841 = arith.constant 0.000000e+00 : f32
                %max3A_842 = vector.broadcast %max3A_841 : f32 to vector<16xf32>
                %max3A_843 = arith.maximumf %max3A_842, %sub3A_840 : vector<16xf32>
                %sub3A_844 = arith.subf %min3A_839, %max3A_837 : vector<16xf32>
                %max3A_845 = arith.constant 0.000000e+00 : f32
                %max3A_846 = vector.broadcast %max3A_845 : f32 to vector<16xf32>
                %max3A_847 = arith.maximumf %max3A_846, %sub3A_844 : vector<16xf32>
                %mul3A_848 = arith.mulf %max3A_843, %max3A_847 : vector<16xf32>
                %add3A_849 = arith.addf %get3A_835, %mul3A_727 : vector<16xf32>
                %sub3A_850 = arith.subf %add3A_849, %mul3A_848 : vector<16xf32>
                %add3A_851 = arith.constant 9.99999996E-13 : f32
                %add3A_852 = vector.broadcast %add3A_851 : f32 to vector<16xf32>
                %add3A_853 = arith.addf %sub3A_850, %add3A_852 : vector<16xf32>
                %div3A_854 = arith.divf %mul3A_848, %add3A_853 : vector<16xf32>
                %gt3A_855 = arith.constant 0.699999988 : f32
                %gt3A_856 = vector.broadcast %gt3A_855 : f32 to vector<16xf32>
                %gt3A_857 = arith.cmpf ogt, %div3A_854, %gt3A_856 : vector<16xf32>
                %or3A_858 = arith.ori %or3A_825, %gt3A_857 : vector<16xi1>
                %get3A_859 = arith.constant 64 : index
                %get3A_860 = tpu.vector_load %arg18[%get3A_859] {strides = array<i32>} : memref<112xf32, #tpu.memory_space<vmem>>, vector<16xf32>,
                %get3A_861 = arith.constant 64 : index
                %get3A_862 = tpu.vector_load %arg19[%get3A_861] {strides = array<i32>} : memref<112xf32, #tpu.memory_space<vmem>>, vector<16xf32>,
                %get3A_863 = arith.constant 64 : index
                %get3A_864 = tpu.vector_load %arg20[%get3A_863] {strides = array<i32>} : memref<112xf32, #tpu.memory_space<vmem>>, vector<16xf32>,
                %get3A_865 = arith.constant 64 : index
                %get3A_866 = tpu.vector_load %arg21[%get3A_865] {strides = array<i32>} : memref<112xf32, #tpu.memory_space<vmem>>, vector<16xf32>,
                %get3A_867 = arith.constant 64 : index
                %get3A_868 = tpu.vector_load %arg22[%get3A_867] {strides = array<i32>} : memref<112xf32, #tpu.memory_space<vmem>>, vector<16xf32>,
                %max3A_869 = arith.maximumf %get3A_860, %gather3A : vector<16xf32>
                %max3A_870 = arith.maximumf %get3A_862, %gather3A_723 : vector<16xf32>
                %min3A_871 = arith.minimumf %get3A_864, %gather3A_724 : vector<16xf32>
                %min3A_872 = arith.minimumf %get3A_866, %gather3A_725 : vector<16xf32>
                %sub3A_873 = arith.subf %min3A_871, %max3A_869 : vector<16xf32>
                %max3A_874 = arith.constant 0.000000e+00 : f32
                %max3A_875 = vector.broadcast %max3A_874 : f32 to vector<16xf32>
                %max3A_876 = arith.maximumf %max3A_875, %sub3A_873 : vector<16xf32>
                %sub3A_877 = arith.subf %min3A_872, %max3A_870 : vector<16xf32>
                %max3A_878 = arith.constant 0.000000e+00 : f32
                %max3A_879 = vector.broadcast %max3A_878 : f32 to vector<16xf32>
                %max3A_880 = arith.maximumf %max3A_879, %sub3A_877 : vector<16xf32>
                %mul3A_881 = arith.mulf %max3A_876, %max3A_880 : vector<16xf32>
                %add3A_882 = arith.addf %get3A_868, %mul3A_727 : vector<16xf32>
                %sub3A_883 = arith.subf %add3A_882, %mul3A_881 : vector<16xf32>
                %add3A_884 = arith.constant 9.99999996E-13 : f32
                %add3A_885 = vector.broadcast %add3A_884 : f32 to vector<16xf32>
                %add3A_886 = arith.addf %sub3A_883, %add3A_885 : vector<16xf32>
                %div3A_887 = arith.divf %mul3A_881, %add3A_886 : vector<16xf32>
                %gt3A_888 = arith.constant 0.699999988 : f32
                %gt3A_889 = vector.broadcast %gt3A_888 : f32 to vector<16xf32>
                %gt3A_890 = arith.cmpf ogt, %div3A_887, %gt3A_889 : vector<16xf32>
                %or3A_891 = arith.ori %or3A_858, %gt3A_890 : vector<16xi1>
                %get3A_892 = arith.constant 80 : index
                %get3A_893 = tpu.vector_load %arg18[%get3A_892] {strides = array<i32>} : memref<112xf32, #tpu.memory_space<vmem>>, vector<16xf32>,
                %get3A_894 = arith.constant 80 : index
                %get3A_895 = tpu.vector_load %arg19[%get3A_894] {strides = array<i32>} : memref<112xf32, #tpu.memory_space<vmem>>, vector<16xf32>,
                %get3A_896 = arith.constant 80 : index
                %get3A_897 = tpu.vector_load %arg20[%get3A_896] {strides = array<i32>} : memref<112xf32, #tpu.memory_space<vmem>>, vector<16xf32>,
                %get3A_898 = arith.constant 80 : index
                %get3A_899 = tpu.vector_load %arg21[%get3A_898] {strides = array<i32>} : memref<112xf32, #tpu.memory_space<vmem>>, vector<16xf32>,
                %get3A_900 = arith.constant 80 : index
                %get3A_901 = tpu.vector_load %arg22[%get3A_900] {strides = array<i32>} : memref<112xf32, #tpu.memory_space<vmem>>, vector<16xf32>,
                %max3A_902 = arith.maximumf %get3A_893, %gather3A : vector<16xf32>
                %max3A_903 = arith.maximumf %get3A_895, %gather3A_723 : vector<16xf32>
                %min3A_904 = arith.minimumf %get3A_897, %gather3A_724 : vector<16xf32>
                %min3A_905 = arith.minimumf %get3A_899, %gather3A_725 : vector<16xf32>
                %sub3A_906 = arith.subf %min3A_904, %max3A_902 : vector<16xf32>
                %max3A_907 = arith.constant 0.000000e+00 : f32
                %max3A_908 = vector.broadcast %max3A_907 : f32 to vector<16xf32>
                %max3A_909 = arith.maximumf %max3A_908, %sub3A_906 : vector<16xf32>
                %sub3A_910 = arith.subf %min3A_905, %max3A_903 : vector<16xf32>
                %max3A_911 = arith.constant 0.000000e+00 : f32
                %max3A_912 = vector.broadcast %max3A_911 : f32 to vector<16xf32>
                %max3A_913 = arith.maximumf %max3A_912, %sub3A_910 : vector<16xf32>
                %mul3A_914 = arith.mulf %max3A_909, %max3A_913 : vector<16xf32>
                %add3A_915 = arith.addf %get3A_901, %mul3A_727 : vector<16xf32>
                %sub3A_916 = arith.subf %add3A_915, %mul3A_914 : vector<16xf32>
                %add3A_917 = arith.constant 9.99999996E-13 : f32
                %add3A_918 = vector.broadcast %add3A_917 : f32 to vector<16xf32>
                %add3A_919 = arith.addf %sub3A_916, %add3A_918 : vector<16xf32>
                %div3A_920 = arith.divf %mul3A_914, %add3A_919 : vector<16xf32>
                %gt3A_921 = arith.constant 0.699999988 : f32
                %gt3A_922 = vector.broadcast %gt3A_921 : f32 to vector<16xf32>
                %gt3A_923 = arith.cmpf ogt, %div3A_920, %gt3A_922 : vector<16xf32>
                %or3A_924 = arith.ori %or3A_891, %gt3A_923 : vector<16xi1>
                %get3A_925 = arith.constant 96 : index
                %get3A_926 = tpu.vector_load %arg18[%get3A_925] {strides = array<i32>} : memref<112xf32, #tpu.memory_space<vmem>>, vector<16xf32>,
                %get3A_927 = arith.constant 96 : index
                %get3A_928 = tpu.vector_load %arg19[%get3A_927] {strides = array<i32>} : memref<112xf32, #tpu.memory_space<vmem>>, vector<16xf32>,
                %get3A_929 = arith.constant 96 : index
                %get3A_930 = tpu.vector_load %arg20[%get3A_929] {strides = array<i32>} : memref<112xf32, #tpu.memory_space<vmem>>, vector<16xf32>,
                %get3A_931 = arith.constant 96 : index
                %get3A_932 = tpu.vector_load %arg21[%get3A_931] {strides = array<i32>} : memref<112xf32, #tpu.memory_space<vmem>>, vector<16xf32>,
                %get3A_933 = arith.constant 96 : index
                %get3A_934 = tpu.vector_load %arg22[%get3A_933] {strides = array<i32>} : memref<112xf32, #tpu.memory_space<vmem>>, vector<16xf32>,
                %max3A_935 = arith.maximumf %get3A_926, %gather3A : vector<16xf32>
                %max3A_936 = arith.maximumf %get3A_928, %gather3A_723 : vector<16xf32>
                %min3A_937 = arith.minimumf %get3A_930, %gather3A_724 : vector<16xf32>
                %min3A_938 = arith.minimumf %get3A_932, %gather3A_725 : vector<16xf32>
                %sub3A_939 = arith.subf %min3A_937, %max3A_935 : vector<16xf32>
                %max3A_940 = arith.constant 0.000000e+00 : f32
                %max3A_941 = vector.broadcast %max3A_940 : f32 to vector<16xf32>
                %max3A_942 = arith.maximumf %max3A_941, %sub3A_939 : vector<16xf32>
                %sub3A_943 = arith.subf %min3A_938, %max3A_936 : vector<16xf32>
                %max3A_944 = arith.constant 0.000000e+00 : f32
                %max3A_945 = vector.broadcast %max3A_944 : f32 to vector<16xf32>
                %max3A_946 = arith.maximumf %max3A_945, %sub3A_943 : vector<16xf32>
                %mul3A_947 = arith.mulf %max3A_942, %max3A_946 : vector<16xf32>
                %add3A_948 = arith.addf %get3A_934, %mul3A_727 : vector<16xf32>
                %sub3A_949 = arith.subf %add3A_948, %mul3A_947 : vector<16xf32>
                %add3A_950 = arith.constant 9.99999996E-13 : f32
                %add3A_951 = vector.broadcast %add3A_950 : f32 to vector<16xf32>
                %add3A_952 = arith.addf %sub3A_949, %add3A_951 : vector<16xf32>
                %div3A_953 = arith.divf %mul3A_947, %add3A_952 : vector<16xf32>
                %gt3A_954 = arith.constant 0.699999988 : f32
                %gt3A_955 = vector.broadcast %gt3A_954 : f32 to vector<16xf32>
                %gt3A_956 = arith.cmpf ogt, %div3A_953, %gt3A_955 : vector<16xf32>
                %or3A_957 = arith.ori %or3A_924, %gt3A_956 : vector<16xi1>
                %reduce_or3A = arith.constant 1.000000e+00 : f32
                %reduce_or3A_958 = arith.constant 0.000000e+00 : f32
                %reduce_or3A_959 = vector.broadcast %reduce_or3A : f32 to vector<16xf32>
                %reduce_or3A_960 = vector.broadcast %reduce_or3A_958 : f32 to vector<16xf32>
                %reduce_or3A_961 = arith.select %or3A_957, %reduce_or3A_959, %reduce_or3A_960 : vector<16xi1>, vector<16xf32>
                %reduce_or3A_962 = arith.constant true
                %reduce_or3A_963 = vector.broadcast %reduce_or3A_962 : i1 to vector<16xi1>
                %reduce_or3A_964 = tpu.scan <max>, %reduce_or3A_961 masked %reduce_or3A_963 : vector<16xf32>, vector<16xi1> -> vector<16xf32>
                %reduce_or3A_965 = vector.extract %reduce_or3A_964[15] : f32 from vector<16xf32>
                %reduce_or3A_966 = arith.constant 0.000000e+00 : f32
                %reduce_or3A_967 = arith.cmpf ogt, %reduce_or3A_965, %reduce_or3A_966 : f32
                %not3A = arith.constant true
                %not3A_968 = arith.xori %reduce_or3A_967, %not3A : i1
                %and3A = arith.andi %ge3A_721, %not3A_968 : i1
                %convert_element_type3A_969 = arith.extui %ge3A_721 : i1 to i32
                %cond3A_970 = arith.constant 0 : i32
                %cond3A_971 = arith.cmpi ne, %convert_element_type3A_969, %cond3A_970 : i32
                scf.if %cond3A_971 {
                  tpu.vector_store_idx %arg12[%broadcast_in_dim3A_722], %broadcast_in_dim3A_11 masked %eq3A_4 : memref<20000xf32, #tpu.memory_space<vmem>>[vector<16xi32>], vector<16xf32>, vector<16xi1>
                  %add3A_991 = arith.constant 0 : i32
                  %add3A_992 = arith.addi %mul3A_590, %add3A_991 : i32
                  %get3A_993 = arith.index_cast %add3A_992 : i32 to index
                  %get3A_994 = tpu.vector_load %arg12[%get3A_993] {strides = array<i32>} : memref<20000xf32, #tpu.memory_space<vmem>>, vector<16xf32>,
                  %max3A_995 = arith.maximumf %broadcast_in_dim3A_11, %get3A_994 : vector<16xf32>
                  %add3A_996 = arith.constant 16 : i32
                  %add3A_997 = arith.addi %mul3A_590, %add3A_996 : i32
                  %get3A_998 = arith.index_cast %add3A_997 : i32 to index
                  %get3A_999 = tpu.vector_load %arg12[%get3A_998] {strides = array<i32>} : memref<20000xf32, #tpu.memory_space<vmem>>, vector<16xf32>,
                  %max3A_1000 = arith.maximumf %max3A_995, %get3A_999 : vector<16xf32>
                  %add3A_1001 = arith.constant 32 : i32
                  %add3A_1002 = arith.addi %mul3A_590, %add3A_1001 : i32
                  %get3A_1003 = arith.index_cast %add3A_1002 : i32 to index
                  %get3A_1004 = tpu.vector_load %arg12[%get3A_1003] {strides = array<i32>} : memref<20000xf32, #tpu.memory_space<vmem>>, vector<16xf32>,
                  %max3A_1005 = arith.maximumf %max3A_1000, %get3A_1004 : vector<16xf32>
                  %add3A_1006 = arith.constant 48 : i32
                  %add3A_1007 = arith.addi %mul3A_590, %add3A_1006 : i32
                  %get3A_1008 = arith.index_cast %add3A_1007 : i32 to index
                  %get3A_1009 = tpu.vector_load %arg12[%get3A_1008] {strides = array<i32>} : memref<20000xf32, #tpu.memory_space<vmem>>, vector<16xf32>,
                  %max3A_1010 = arith.maximumf %max3A_1005, %get3A_1009 : vector<16xf32>
                  %add3A_1011 = arith.constant 64 : i32
                  %add3A_1012 = arith.addi %mul3A_590, %add3A_1011 : i32
                  %get3A_1013 = arith.index_cast %add3A_1012 : i32 to index
                  %get3A_1014 = tpu.vector_load %arg12[%get3A_1013] {strides = array<i32>} : memref<20000xf32, #tpu.memory_space<vmem>>, vector<16xf32>,
                  %max3A_1015 = arith.maximumf %max3A_1010, %get3A_1014 : vector<16xf32>
                  %add3A_1016 = arith.constant 80 : i32
                  %add3A_1017 = arith.addi %mul3A_590, %add3A_1016 : i32
                  %get3A_1018 = arith.index_cast %add3A_1017 : i32 to index
                  %get3A_1019 = tpu.vector_load %arg12[%get3A_1018] {strides = array<i32>} : memref<20000xf32, #tpu.memory_space<vmem>>, vector<16xf32>,
                  %max3A_1020 = arith.maximumf %max3A_1015, %get3A_1019 : vector<16xf32>
                  %add3A_1021 = arith.constant 96 : i32
                  %add3A_1022 = arith.addi %mul3A_590, %add3A_1021 : i32
                  %get3A_1023 = arith.index_cast %add3A_1022 : i32 to index
                  %get3A_1024 = tpu.vector_load %arg12[%get3A_1023] {strides = array<i32>} : memref<20000xf32, #tpu.memory_space<vmem>>, vector<16xf32>,
                  %max3A_1025 = arith.maximumf %max3A_1020, %get3A_1024 : vector<16xf32>
                  %add3A_1026 = arith.constant 112 : i32
                  %add3A_1027 = arith.addi %mul3A_590, %add3A_1026 : i32
                  %get3A_1028 = arith.index_cast %add3A_1027 : i32 to index
                  %get3A_1029 = tpu.vector_load %arg12[%get3A_1028] {strides = array<i32>} : memref<20000xf32, #tpu.memory_space<vmem>>, vector<16xf32>,
                  %max3A_1030 = arith.maximumf %max3A_1025, %get3A_1029 : vector<16xf32>
                  %add3A_1031 = arith.constant 128 : i32
                  %add3A_1032 = arith.addi %mul3A_590, %add3A_1031 : i32
                  %get3A_1033 = arith.index_cast %add3A_1032 : i32 to index
                  %get3A_1034 = tpu.vector_load %arg12[%get3A_1033] {strides = array<i32>} : memref<20000xf32, #tpu.memory_space<vmem>>, vector<16xf32>,
                  %max3A_1035 = arith.maximumf %max3A_1030, %get3A_1034 : vector<16xf32>
                  %add3A_1036 = arith.constant 144 : i32
                  %add3A_1037 = arith.addi %mul3A_590, %add3A_1036 : i32
                  %get3A_1038 = arith.index_cast %add3A_1037 : i32 to index
                  %get3A_1039 = tpu.vector_load %arg12[%get3A_1038] {strides = array<i32>} : memref<20000xf32, #tpu.memory_space<vmem>>, vector<16xf32>,
                  %max3A_1040 = arith.maximumf %max3A_1035, %get3A_1039 : vector<16xf32>
                  %reduce_max3A_1041 = arith.constant true
                  %reduce_max3A_1042 = vector.broadcast %reduce_max3A_1041 : i1 to vector<16xi1>
                  %reduce_max3A_1043 = tpu.scan <max>, %max3A_1040 masked %reduce_max3A_1042 : vector<16xf32>, vector<16xi1> -> vector<16xf32>
                  %reduce_max3A_1044 = vector.extract %reduce_max3A_1043[15] : f32 from vector<16xf32>
                  %broadcast_in_dim3A_1045 = vector.broadcast %min3A_588 : i32 to vector<16xi32>
                  %broadcast_in_dim3A_1046 = vector.broadcast %reduce_max3A_1044 : f32 to vector<16xf32>
                  tpu.vector_store_idx %arg17[%broadcast_in_dim3A_1045], %broadcast_in_dim3A_1046 masked %eq3A_4 : memref<128xf32, #tpu.memory_space<vmem>>[vector<16xi32>], vector<16xf32>, vector<16xi1>
                } else {
                }
                %convert_element_type3A_972 = arith.extui %and3A : i1 to i32
                %cond3A_973 = arith.constant 0 : i32
                %cond3A_974 = arith.cmpi ne, %convert_element_type3A_972, %cond3A_973 : i32
                scf.if %cond3A_974 {
                  %mul3A_991 = arith.constant 20000 : i32
                  %mul3A_992 = arith.muli %add3A, %mul3A_991 : i32
                  %add3A_993 = arith.addi %min3A_720, %mul3A_992 : i32
                  %dma_start3A = arith.constant 0 : i32
                  %dma_start3A_994 = tpu.memref_slice %arg25[%get3A_518, %dma_start3A] : memref<112x80xf32, #tpu.memory_space<vmem>> -> memref<1x80xf32, #tpu.memory_space<vmem>>
                  %dma_start3A_995 = tpu.memref_squeeze %dma_start3A_994 : memref<1x80xf32, #tpu.memory_space<vmem>> -> memref<80xf32, #tpu.memory_space<vmem>>
                  %dma_start3A_996 = arith.constant 0 : i32
                  %dma_start3A_997 = tpu.memref_slice %arg7[%add3A_993, %dma_start3A_996] : memref<80000x80xf32, #tpu.memory_space<hbm>> -> memref<1x80xf32, #tpu.memory_space<hbm>>
                  %dma_start3A_998 = tpu.memref_squeeze %dma_start3A_997 : memref<1x80xf32, #tpu.memory_space<hbm>> -> memref<80xf32, #tpu.memory_space<hbm>>
                  %dma_start3A_999 = arith.constant 0 : i32
                  %dma_start3A_1000 = tpu.memref_slice %arg25[%get3A_518, %dma_start3A_999] : memref<112x80xf32, #tpu.memory_space<vmem>> -> memref<1x80xf32, #tpu.memory_space<vmem>>
                  %dma_start3A_1001 = tpu.memref_squeeze %dma_start3A_1000 : memref<1x80xf32, #tpu.memory_space<vmem>> -> memref<80xf32, #tpu.memory_space<vmem>>
                  %dma_start3A_1002 = arith.constant 0 : i32
                  %dma_start3A_1003 = tpu.memref_slice %arg7[%add3A_993, %dma_start3A_1002] : memref<80000x80xf32, #tpu.memory_space<hbm>> -> memref<1x80xf32, #tpu.memory_space<hbm>>
                  %dma_start3A_1004 = tpu.memref_squeeze %dma_start3A_1003 : memref<1x80xf32, #tpu.memory_space<hbm>> -> memref<80xf32, #tpu.memory_space<hbm>>
                  tpu.enqueue_dma source(%dma_start3A_1004 : memref<80xf32, #tpu.memory_space<hbm>>) target(%dma_start3A_1001 : memref<80xf32, #tpu.memory_space<vmem>>) target_semaphore(%arg29 : memref<!tpu.dma_semaphore, #tpu.memory_space<semaphore_mem>>)
                } else {
                }
                %broadcast_in_dim3A_975 = vector.broadcast %and3A : i1 to vector<16xi1>
                %and3A_976 = arith.andi %eq3A_4, %broadcast_in_dim3A_975 : vector<16xi1>
                %broadcast_in_dim3A_977 = vector.broadcast %get3A_518 : i32 to vector<16xi32>
                tpu.vector_store_idx %arg18[%broadcast_in_dim3A_977], %gather3A masked %and3A_976 : memref<112xf32, #tpu.memory_space<vmem>>[vector<16xi32>], vector<16xf32>, vector<16xi1>
                tpu.vector_store_idx %arg19[%broadcast_in_dim3A_977], %gather3A_723 masked %and3A_976 : memref<112xf32, #tpu.memory_space<vmem>>[vector<16xi32>], vector<16xf32>, vector<16xi1>
                tpu.vector_store_idx %arg20[%broadcast_in_dim3A_977], %gather3A_724 masked %and3A_976 : memref<112xf32, #tpu.memory_space<vmem>>[vector<16xi32>], vector<16xf32>, vector<16xi1>
                tpu.vector_store_idx %arg21[%broadcast_in_dim3A_977], %gather3A_725 masked %and3A_976 : memref<112xf32, #tpu.memory_space<vmem>>[vector<16xi32>], vector<16xf32>, vector<16xi1>
                tpu.vector_store_idx %arg22[%broadcast_in_dim3A_977], %mul3A_727 masked %and3A_976 : memref<112xf32, #tpu.memory_space<vmem>>[vector<16xi32>], vector<16xf32>, vector<16xi1>
                %broadcast_in_dim3A_978 = vector.broadcast %reduce_max3A_573 : f32 to vector<16xf32>
                tpu.vector_store_idx %arg23[%broadcast_in_dim3A_977], %broadcast_in_dim3A_978 masked %and3A_976 : memref<112xf32, #tpu.memory_space<vmem>>[vector<16xi32>], vector<16xf32>, vector<16xi1>
                %convert_element_type3A_979 = arith.extui %and3A : i1 to i32
                %add3A_980 = arith.addi %get3A_518, %convert_element_type3A_979 : i32
                %swap3A_981 = arith.constant 1 : i32
                %swap3A_982 = arith.index_cast %swap3A_981 : i32 to index
                %swap3A_983 = memref.load %arg28[%swap3A_982] : memref<2xi32, #tpu.memory_space<smem>>
                memref.store %add3A_980, %arg28[%swap3A_982] : memref<2xi32, #tpu.memory_space<smem>>
                %lt3A_984 = arith.constant 100 : i32
                %lt3A_985 = arith.cmpi slt, %add3A_980, %lt3A_984 : i32
                %and3A_986 = arith.andi %ge3A_721, %lt3A_985 : i1
                %convert_element_type3A_987 = arith.extui %and3A_986 : i1 to i32
                %swap3A_988 = arith.constant 0 : i32
                %swap3A_989 = arith.index_cast %swap3A_988 : i32 to index
                %swap3A_990 = memref.load %arg28[%swap3A_989] : memref<2xi32, #tpu.memory_space<smem>>
                memref.store %convert_element_type3A_987, %arg28[%swap3A_989] : memref<2xi32, #tpu.memory_space<smem>>
              } else {
              }
            }
            %scan3A_506 = arith.constant 16 : i32
          } else {
          }
        }
        %scan3A_491 = arith.constant 1250 : i32
      } else {
      }
      %get3A_138 = arith.constant 1 : i32
      %get3A_139 = arith.index_cast %get3A_138 : i32 to index
      %get3A_140 = memref.load %arg28[%get3A_139] : memref<2xi32, #tpu.memory_space<smem>>
      %scan3A_141 = arith.constant 0 : i32
      %scan3A_142 = arith.constant 0 : i32
      %scan3A_143 = arith.constant 112 : i32
      %scan3A_144 = arith.addi %scan3A_142, %scan3A_143 : i32
      %scan3A_145 = arith.constant 1 : i32
      scf.for %scan3A_486 = %scan3A_142 to %scan3A_144 step %scan3A_145  : i32 {
        %lt3A_487 = arith.cmpi slt, %scan3A_486, %get3A_140 : i32
        %convert_element_type3A_488 = arith.extui %lt3A_487 : i1 to i32
        %cond3A_489 = arith.constant 0 : i32
        %cond3A_490 = arith.cmpi ne, %convert_element_type3A_488, %cond3A_489 : i32
        scf.if %cond3A_490 {
          %dma_wait3A = arith.constant 0 : i32
          %dma_wait3A_491 = tpu.memref_slice %arg25[%scan3A_486, %dma_wait3A] : memref<112x80xf32, #tpu.memory_space<vmem>> -> memref<1x80xf32, #tpu.memory_space<vmem>>
          %dma_wait3A_492 = tpu.memref_squeeze %dma_wait3A_491 : memref<1x80xf32, #tpu.memory_space<vmem>> -> memref<80xf32, #tpu.memory_space<vmem>>
          %dma_wait3A_493 = arith.constant 0 : i32
          %dma_wait3A_494 = tpu.memref_slice %arg7[%scan3A_486, %dma_wait3A_493] : memref<80000x80xf32, #tpu.memory_space<hbm>> -> memref<1x80xf32, #tpu.memory_space<hbm>>
          %dma_wait3A_495 = tpu.memref_squeeze %dma_wait3A_494 : memref<1x80xf32, #tpu.memory_space<hbm>> -> memref<80xf32, #tpu.memory_space<hbm>>
          %dma_wait3A_496 = arith.constant 0 : i32
          %dma_wait3A_497 = tpu.memref_slice %arg25[%scan3A_486, %dma_wait3A_496] : memref<112x80xf32, #tpu.memory_space<vmem>> -> memref<1x80xf32, #tpu.memory_space<vmem>>
          %dma_wait3A_498 = tpu.memref_squeeze %dma_wait3A_497 : memref<1x80xf32, #tpu.memory_space<vmem>> -> memref<80xf32, #tpu.memory_space<vmem>>
          %dma_wait3A_499 = arith.constant 0 : i32
          %dma_wait3A_500 = tpu.memref_slice %arg7[%scan3A_486, %dma_wait3A_499] : memref<80000x80xf32, #tpu.memory_space<hbm>> -> memref<1x80xf32, #tpu.memory_space<hbm>>
          %dma_wait3A_501 = tpu.memref_squeeze %dma_wait3A_500 : memref<1x80xf32, #tpu.memory_space<hbm>> -> memref<80xf32, #tpu.memory_space<hbm>>
          tpu.wait_dma2 semaphore(%arg29 : memref<!tpu.dma_semaphore, #tpu.memory_space<semaphore_mem>>) src(%dma_wait3A_501 : memref<80xf32, #tpu.memory_space<hbm>>) dst(%dma_wait3A_498 : memref<80xf32, #tpu.memory_space<vmem>>)
        } else {
        }
      }
      %scan3A_146 = arith.constant 112 : i32
      %scan3A_147 = arith.constant 0 : i32
      %scan3A_148 = arith.constant 0 : i32
      %scan3A_149 = arith.constant 112 : i32
      %scan3A_150 = arith.addi %scan3A_148, %scan3A_149 : i32
      %scan3A_151 = arith.constant 1 : i32
      scf.for %scan3A_486 = %scan3A_148 to %scan3A_150 step %scan3A_151  : i32 {
        %lt3A_487 = arith.cmpi slt, %scan3A_486, %get3A_140 : i32
        %convert_element_type3A_488 = arith.extui %lt3A_487 : i1 to i32
        %cond3A_489 = arith.constant 0 : i32
        %cond3A_490 = arith.cmpi ne, %convert_element_type3A_488, %cond3A_489 : i32
        scf.if %cond3A_490 {
          %get3A_491 = arith.index_cast %scan3A_486 : i32 to index
          %get3A_492 = arith.constant 0 : index
          %get3A_493 = tpu.vector_load %arg25[%get3A_491, %get3A_492] {strides = array<i32>} : memref<112x80xf32, #tpu.memory_space<vmem>>, vector<16xf32>,
          %max3A = arith.maximumf %broadcast_in_dim3A_11, %get3A_493 : vector<16xf32>
          %get3A_494 = arith.index_cast %scan3A_486 : i32 to index
          %get3A_495 = arith.constant 16 : index
          %get3A_496 = tpu.vector_load %arg25[%get3A_494, %get3A_495] {strides = array<i32>} : memref<112x80xf32, #tpu.memory_space<vmem>>, vector<16xf32>,
          %max3A_497 = arith.maximumf %max3A, %get3A_496 : vector<16xf32>
          %get3A_498 = arith.index_cast %scan3A_486 : i32 to index
          %get3A_499 = arith.constant 32 : index
          %get3A_500 = tpu.vector_load %arg25[%get3A_498, %get3A_499] {strides = array<i32>} : memref<112x80xf32, #tpu.memory_space<vmem>>, vector<16xf32>,
          %max3A_501 = arith.maximumf %max3A_497, %get3A_500 : vector<16xf32>
          %get3A_502 = arith.index_cast %scan3A_486 : i32 to index
          %get3A_503 = arith.constant 48 : index
          %get3A_504 = tpu.vector_load %arg25[%get3A_502, %get3A_503] {strides = array<i32>} : memref<112x80xf32, #tpu.memory_space<vmem>>, vector<16xf32>,
          %max3A_505 = arith.maximumf %max3A_501, %get3A_504 : vector<16xf32>
          %get3A_506 = arith.index_cast %scan3A_486 : i32 to index
          %get3A_507 = arith.constant 64 : index
          %get3A_508 = tpu.vector_load %arg25[%get3A_506, %get3A_507] {strides = array<i32>} : memref<112x80xf32, #tpu.memory_space<vmem>>, vector<16xf32>,
          %max3A_509 = arith.maximumf %max3A_505, %get3A_508 : vector<16xf32>
          %reduce_max3A = arith.constant true
          %reduce_max3A_510 = vector.broadcast %reduce_max3A : i1 to vector<16xi1>
          %reduce_max3A_511 = tpu.scan <max>, %max3A_509 masked %reduce_max3A_510 : vector<16xf32>, vector<16xi1> -> vector<16xf32>
          %reduce_max3A_512 = vector.extract %reduce_max3A_511[15] : f32 from vector<16xf32>
          %get3A_513 = arith.index_cast %scan3A_486 : i32 to index
          %get3A_514 = arith.constant 0 : index
          %get3A_515 = tpu.vector_load %arg25[%get3A_513, %get3A_514] {strides = array<i32>} : memref<112x80xf32, #tpu.memory_space<vmem>>, vector<16xf32>,
          %eq3A_516 = vector.broadcast %reduce_max3A_512 : f32 to vector<16xf32>
          %eq3A_517 = arith.cmpf oeq, %get3A_515, %eq3A_516 : vector<16xf32>
          %add3A_518 = arith.constant 0 : i32
          %add3A_519 = vector.broadcast %add3A_518 : i32 to vector<16xi32>
          %add3A_520 = arith.addi %iota3A, %add3A_519 : vector<16xi32>
          %select_n3A_521 = arith.select %eq3A_517, %add3A_520, %broadcast_in_dim3A_13 : vector<16xi1>, vector<16xi32>
          %min3A = arith.minsi %broadcast_in_dim3A_13, %select_n3A_521 : vector<16xi32>
          %get3A_522 = arith.index_cast %scan3A_486 : i32 to index
          %get3A_523 = arith.constant 16 : index
          %get3A_524 = tpu.vector_load %arg25[%get3A_522, %get3A_523] {strides = array<i32>} : memref<112x80xf32, #tpu.memory_space<vmem>>, vector<16xf32>,
          %eq3A_525 = vector.broadcast %reduce_max3A_512 : f32 to vector<16xf32>
          %eq3A_526 = arith.cmpf oeq, %get3A_524, %eq3A_525 : vector<16xf32>
          %add3A_527 = arith.constant 16 : i32
          %add3A_528 = vector.broadcast %add3A_527 : i32 to vector<16xi32>
          %add3A_529 = arith.addi %iota3A, %add3A_528 : vector<16xi32>
          %select_n3A_530 = arith.select %eq3A_526, %add3A_529, %broadcast_in_dim3A_13 : vector<16xi1>, vector<16xi32>
          %min3A_531 = arith.minsi %min3A, %select_n3A_530 : vector<16xi32>
          %get3A_532 = arith.index_cast %scan3A_486 : i32 to index
          %get3A_533 = arith.constant 32 : index
          %get3A_534 = tpu.vector_load %arg25[%get3A_532, %get3A_533] {strides = array<i32>} : memref<112x80xf32, #tpu.memory_space<vmem>>, vector<16xf32>,
          %eq3A_535 = vector.broadcast %reduce_max3A_512 : f32 to vector<16xf32>
          %eq3A_536 = arith.cmpf oeq, %get3A_534, %eq3A_535 : vector<16xf32>
          %add3A_537 = arith.constant 32 : i32
          %add3A_538 = vector.broadcast %add3A_537 : i32 to vector<16xi32>
          %add3A_539 = arith.addi %iota3A, %add3A_538 : vector<16xi32>
          %select_n3A_540 = arith.select %eq3A_536, %add3A_539, %broadcast_in_dim3A_13 : vector<16xi1>, vector<16xi32>
          %min3A_541 = arith.minsi %min3A_531, %select_n3A_540 : vector<16xi32>
          %get3A_542 = arith.index_cast %scan3A_486 : i32 to index
          %get3A_543 = arith.constant 48 : index
          %get3A_544 = tpu.vector_load %arg25[%get3A_542, %get3A_543] {strides = array<i32>} : memref<112x80xf32, #tpu.memory_space<vmem>>, vector<16xf32>,
          %eq3A_545 = vector.broadcast %reduce_max3A_512 : f32 to vector<16xf32>
          %eq3A_546 = arith.cmpf oeq, %get3A_544, %eq3A_545 : vector<16xf32>
          %add3A_547 = arith.constant 48 : i32
          %add3A_548 = vector.broadcast %add3A_547 : i32 to vector<16xi32>
          %add3A_549 = arith.addi %iota3A, %add3A_548 : vector<16xi32>
          %select_n3A_550 = arith.select %eq3A_546, %add3A_549, %broadcast_in_dim3A_13 : vector<16xi1>, vector<16xi32>
          %min3A_551 = arith.minsi %min3A_541, %select_n3A_550 : vector<16xi32>
          %get3A_552 = arith.index_cast %scan3A_486 : i32 to index
          %get3A_553 = arith.constant 64 : index
          %get3A_554 = tpu.vector_load %arg25[%get3A_552, %get3A_553] {strides = array<i32>} : memref<112x80xf32, #tpu.memory_space<vmem>>, vector<16xf32>,
          %eq3A_555 = vector.broadcast %reduce_max3A_512 : f32 to vector<16xf32>
          %eq3A_556 = arith.cmpf oeq, %get3A_554, %eq3A_555 : vector<16xf32>
          %add3A_557 = arith.constant 64 : i32
          %add3A_558 = vector.broadcast %add3A_557 : i32 to vector<16xi32>
          %add3A_559 = arith.addi %iota3A, %add3A_558 : vector<16xi32>
          %select_n3A_560 = arith.select %eq3A_556, %add3A_559, %broadcast_in_dim3A_13 : vector<16xi1>, vector<16xi32>
          %min3A_561 = arith.minsi %min3A_551, %select_n3A_560 : vector<16xi32>
          %reduce_min3A = arith.constant true
          %reduce_min3A_562 = vector.broadcast %reduce_min3A : i1 to vector<16xi1>
          %reduce_min3A_563 = arith.constant -2147483648 : i32
          %reduce_min3A_564 = vector.broadcast %reduce_min3A_563 : i32 to vector<16xi32>
          %reduce_min3A_565 = arith.xori %min3A_561, %reduce_min3A_564 : vector<16xi32>
          %reduce_min3A_566 = tpu.scan <min>, %reduce_min3A_565 masked %reduce_min3A_562 : vector<16xi32>, vector<16xi1> -> vector<16xi32>
          %reduce_min3A_567 = arith.xori %reduce_min3A_566, %reduce_min3A_564 : vector<16xi32>
          %reduce_min3A_568 = vector.extract %reduce_min3A_567[15] : i32 from vector<16xi32>
          %broadcast_in_dim3A_569 = vector.broadcast %scan3A_486 : i32 to vector<16xi32>
          %broadcast_in_dim3A_570 = vector.broadcast %reduce_min3A_568 : i32 to vector<16xi32>
          tpu.vector_store_idx %arg24[%broadcast_in_dim3A_569], %broadcast_in_dim3A_570 masked %eq3A_4 : memref<112xi32, #tpu.memory_space<vmem>>[vector<16xi32>], vector<16xi32>, vector<16xi1>
        } else {
        }
      }
      %scan3A_152 = arith.constant 112 : i32
      %add3A_153 = arith.constant 0 : i32
      %add3A_154 = vector.broadcast %add3A_153 : i32 to vector<16xi32>
      %add3A_155 = arith.addi %iota3A, %add3A_154 : vector<16xi32>
      %lt3A_156 = vector.broadcast %get3A_140 : i32 to vector<16xi32>
      %lt3A_157 = arith.cmpi slt, %add3A_155, %lt3A_156 : vector<16xi32>
      %get3A_158 = arith.constant 0 : index
      %get3A_159 = tpu.vector_load %arg18[%get3A_158] {strides = array<i32>} : memref<112xf32, #tpu.memory_space<vmem>>, vector<16xf32>,
      %jit3A = arith.constant 0.000000e+00 : f32
      %broadcast_in_dim3A_160 = vector.broadcast %jit3A : f32 to vector<16xf32>
      %select_n3A = arith.select %lt3A_157, %get3A_159, %broadcast_in_dim3A_160 : vector<16xi1>, vector<16xf32>
      %swap3A_161 = arith.constant 0 : index
      %swap3A_162 = tpu.vector_load %arg18[%swap3A_161] {strides = array<i32>} : memref<112xf32, #tpu.memory_space<vmem>>, vector<16xf32>,
      tpu.vector_store %arg18[%swap3A_161], %select_n3A {strides = array<i32>} : memref<112xf32, #tpu.memory_space<vmem>>, vector<16xf32>,
      %get3A_163 = arith.constant 0 : index
      %get3A_164 = tpu.vector_load %arg19[%get3A_163] {strides = array<i32>} : memref<112xf32, #tpu.memory_space<vmem>>, vector<16xf32>,
      %jit3A_165 = arith.constant 0.000000e+00 : f32
      %broadcast_in_dim3A_166 = vector.broadcast %jit3A_165 : f32 to vector<16xf32>
      %select_n3A_167 = arith.select %lt3A_157, %get3A_164, %broadcast_in_dim3A_166 : vector<16xi1>, vector<16xf32>
      %swap3A_168 = arith.constant 0 : index
      %swap3A_169 = tpu.vector_load %arg19[%swap3A_168] {strides = array<i32>} : memref<112xf32, #tpu.memory_space<vmem>>, vector<16xf32>,
      tpu.vector_store %arg19[%swap3A_168], %select_n3A_167 {strides = array<i32>} : memref<112xf32, #tpu.memory_space<vmem>>, vector<16xf32>,
      %get3A_170 = arith.constant 0 : index
      %get3A_171 = tpu.vector_load %arg20[%get3A_170] {strides = array<i32>} : memref<112xf32, #tpu.memory_space<vmem>>, vector<16xf32>,
      %jit3A_172 = arith.constant 0.000000e+00 : f32
      %broadcast_in_dim3A_173 = vector.broadcast %jit3A_172 : f32 to vector<16xf32>
      %select_n3A_174 = arith.select %lt3A_157, %get3A_171, %broadcast_in_dim3A_173 : vector<16xi1>, vector<16xf32>
      %swap3A_175 = arith.constant 0 : index
      %swap3A_176 = tpu.vector_load %arg20[%swap3A_175] {strides = array<i32>} : memref<112xf32, #tpu.memory_space<vmem>>, vector<16xf32>,
      tpu.vector_store %arg20[%swap3A_175], %select_n3A_174 {strides = array<i32>} : memref<112xf32, #tpu.memory_space<vmem>>, vector<16xf32>,
      %get3A_177 = arith.constant 0 : index
      %get3A_178 = tpu.vector_load %arg21[%get3A_177] {strides = array<i32>} : memref<112xf32, #tpu.memory_space<vmem>>, vector<16xf32>,
      %jit3A_179 = arith.constant 0.000000e+00 : f32
      %broadcast_in_dim3A_180 = vector.broadcast %jit3A_179 : f32 to vector<16xf32>
      %select_n3A_181 = arith.select %lt3A_157, %get3A_178, %broadcast_in_dim3A_180 : vector<16xi1>, vector<16xf32>
      %swap3A_182 = arith.constant 0 : index
      %swap3A_183 = tpu.vector_load %arg21[%swap3A_182] {strides = array<i32>} : memref<112xf32, #tpu.memory_space<vmem>>, vector<16xf32>,
      tpu.vector_store %arg21[%swap3A_182], %select_n3A_181 {strides = array<i32>} : memref<112xf32, #tpu.memory_space<vmem>>, vector<16xf32>,
      %get3A_184 = arith.constant 0 : index
      %get3A_185 = tpu.vector_load %arg23[%get3A_184] {strides = array<i32>} : memref<112xf32, #tpu.memory_space<vmem>>, vector<16xf32>,
      %jit3A_186 = arith.constant 0.000000e+00 : f32
      %broadcast_in_dim3A_187 = vector.broadcast %jit3A_186 : f32 to vector<16xf32>
      %select_n3A_188 = arith.select %lt3A_157, %get3A_185, %broadcast_in_dim3A_187 : vector<16xi1>, vector<16xf32>
      %swap3A_189 = arith.constant 0 : index
      %swap3A_190 = tpu.vector_load %arg23[%swap3A_189] {strides = array<i32>} : memref<112xf32, #tpu.memory_space<vmem>>, vector<16xf32>,
      tpu.vector_store %arg23[%swap3A_189], %select_n3A_188 {strides = array<i32>} : memref<112xf32, #tpu.memory_space<vmem>>, vector<16xf32>,
      %get3A_191 = arith.constant 0 : index
      %get3A_192 = tpu.vector_load %arg24[%get3A_191] {strides = array<i32>} : memref<112xi32, #tpu.memory_space<vmem>>, vector<16xi32>,
      %jit3A_193 = arith.constant 0 : i32
      %broadcast_in_dim3A_194 = vector.broadcast %jit3A_193 : i32 to vector<16xi32>
      %select_n3A_195 = arith.select %lt3A_157, %get3A_192, %broadcast_in_dim3A_194 : vector<16xi1>, vector<16xi32>
      %swap3A_196 = arith.constant 0 : index
      %swap3A_197 = tpu.vector_load %arg24[%swap3A_196] {strides = array<i32>} : memref<112xi32, #tpu.memory_space<vmem>>, vector<16xi32>,
      tpu.vector_store %arg24[%swap3A_196], %select_n3A_195 {strides = array<i32>} : memref<112xi32, #tpu.memory_space<vmem>>, vector<16xi32>,
      %add3A_198 = arith.constant 16 : i32
      %add3A_199 = vector.broadcast %add3A_198 : i32 to vector<16xi32>
      %add3A_200 = arith.addi %iota3A, %add3A_199 : vector<16xi32>
      %lt3A_201 = vector.broadcast %get3A_140 : i32 to vector<16xi32>
      %lt3A_202 = arith.cmpi slt, %add3A_200, %lt3A_201 : vector<16xi32>
      %get3A_203 = arith.constant 16 : index
      %get3A_204 = tpu.vector_load %arg18[%get3A_203] {strides = array<i32>} : memref<112xf32, #tpu.memory_space<vmem>>, vector<16xf32>,
      %jit3A_205 = arith.constant 0.000000e+00 : f32
      %broadcast_in_dim3A_206 = vector.broadcast %jit3A_205 : f32 to vector<16xf32>
      %select_n3A_207 = arith.select %lt3A_202, %get3A_204, %broadcast_in_dim3A_206 : vector<16xi1>, vector<16xf32>
      %swap3A_208 = arith.constant 16 : index
      %swap3A_209 = tpu.vector_load %arg18[%swap3A_208] {strides = array<i32>} : memref<112xf32, #tpu.memory_space<vmem>>, vector<16xf32>,
      tpu.vector_store %arg18[%swap3A_208], %select_n3A_207 {strides = array<i32>} : memref<112xf32, #tpu.memory_space<vmem>>, vector<16xf32>,
      %get3A_210 = arith.constant 16 : index
      %get3A_211 = tpu.vector_load %arg19[%get3A_210] {strides = array<i32>} : memref<112xf32, #tpu.memory_space<vmem>>, vector<16xf32>,
      %jit3A_212 = arith.constant 0.000000e+00 : f32
      %broadcast_in_dim3A_213 = vector.broadcast %jit3A_212 : f32 to vector<16xf32>
      %select_n3A_214 = arith.select %lt3A_202, %get3A_211, %broadcast_in_dim3A_213 : vector<16xi1>, vector<16xf32>
      %swap3A_215 = arith.constant 16 : index
      %swap3A_216 = tpu.vector_load %arg19[%swap3A_215] {strides = array<i32>} : memref<112xf32, #tpu.memory_space<vmem>>, vector<16xf32>,
      tpu.vector_store %arg19[%swap3A_215], %select_n3A_214 {strides = array<i32>} : memref<112xf32, #tpu.memory_space<vmem>>, vector<16xf32>,
      %get3A_217 = arith.constant 16 : index
      %get3A_218 = tpu.vector_load %arg20[%get3A_217] {strides = array<i32>} : memref<112xf32, #tpu.memory_space<vmem>>, vector<16xf32>,
      %jit3A_219 = arith.constant 0.000000e+00 : f32
      %broadcast_in_dim3A_220 = vector.broadcast %jit3A_219 : f32 to vector<16xf32>
      %select_n3A_221 = arith.select %lt3A_202, %get3A_218, %broadcast_in_dim3A_220 : vector<16xi1>, vector<16xf32>
      %swap3A_222 = arith.constant 16 : index
      %swap3A_223 = tpu.vector_load %arg20[%swap3A_222] {strides = array<i32>} : memref<112xf32, #tpu.memory_space<vmem>>, vector<16xf32>,
      tpu.vector_store %arg20[%swap3A_222], %select_n3A_221 {strides = array<i32>} : memref<112xf32, #tpu.memory_space<vmem>>, vector<16xf32>,
      %get3A_224 = arith.constant 16 : index
      %get3A_225 = tpu.vector_load %arg21[%get3A_224] {strides = array<i32>} : memref<112xf32, #tpu.memory_space<vmem>>, vector<16xf32>,
      %jit3A_226 = arith.constant 0.000000e+00 : f32
      %broadcast_in_dim3A_227 = vector.broadcast %jit3A_226 : f32 to vector<16xf32>
      %select_n3A_228 = arith.select %lt3A_202, %get3A_225, %broadcast_in_dim3A_227 : vector<16xi1>, vector<16xf32>
      %swap3A_229 = arith.constant 16 : index
      %swap3A_230 = tpu.vector_load %arg21[%swap3A_229] {strides = array<i32>} : memref<112xf32, #tpu.memory_space<vmem>>, vector<16xf32>,
      tpu.vector_store %arg21[%swap3A_229], %select_n3A_228 {strides = array<i32>} : memref<112xf32, #tpu.memory_space<vmem>>, vector<16xf32>,
      %get3A_231 = arith.constant 16 : index
      %get3A_232 = tpu.vector_load %arg23[%get3A_231] {strides = array<i32>} : memref<112xf32, #tpu.memory_space<vmem>>, vector<16xf32>,
      %jit3A_233 = arith.constant 0.000000e+00 : f32
      %broadcast_in_dim3A_234 = vector.broadcast %jit3A_233 : f32 to vector<16xf32>
      %select_n3A_235 = arith.select %lt3A_202, %get3A_232, %broadcast_in_dim3A_234 : vector<16xi1>, vector<16xf32>
      %swap3A_236 = arith.constant 16 : index
      %swap3A_237 = tpu.vector_load %arg23[%swap3A_236] {strides = array<i32>} : memref<112xf32, #tpu.memory_space<vmem>>, vector<16xf32>,
      tpu.vector_store %arg23[%swap3A_236], %select_n3A_235 {strides = array<i32>} : memref<112xf32, #tpu.memory_space<vmem>>, vector<16xf32>,
      %get3A_238 = arith.constant 16 : index
      %get3A_239 = tpu.vector_load %arg24[%get3A_238] {strides = array<i32>} : memref<112xi32, #tpu.memory_space<vmem>>, vector<16xi32>,
      %jit3A_240 = arith.constant 0 : i32
      %broadcast_in_dim3A_241 = vector.broadcast %jit3A_240 : i32 to vector<16xi32>
      %select_n3A_242 = arith.select %lt3A_202, %get3A_239, %broadcast_in_dim3A_241 : vector<16xi1>, vector<16xi32>
      %swap3A_243 = arith.constant 16 : index
      %swap3A_244 = tpu.vector_load %arg24[%swap3A_243] {strides = array<i32>} : memref<112xi32, #tpu.memory_space<vmem>>, vector<16xi32>,
      tpu.vector_store %arg24[%swap3A_243], %select_n3A_242 {strides = array<i32>} : memref<112xi32, #tpu.memory_space<vmem>>, vector<16xi32>,
      %add3A_245 = arith.constant 32 : i32
      %add3A_246 = vector.broadcast %add3A_245 : i32 to vector<16xi32>
      %add3A_247 = arith.addi %iota3A, %add3A_246 : vector<16xi32>
      %lt3A_248 = vector.broadcast %get3A_140 : i32 to vector<16xi32>
      %lt3A_249 = arith.cmpi slt, %add3A_247, %lt3A_248 : vector<16xi32>
      %get3A_250 = arith.constant 32 : index
      %get3A_251 = tpu.vector_load %arg18[%get3A_250] {strides = array<i32>} : memref<112xf32, #tpu.memory_space<vmem>>, vector<16xf32>,
      %jit3A_252 = arith.constant 0.000000e+00 : f32
      %broadcast_in_dim3A_253 = vector.broadcast %jit3A_252 : f32 to vector<16xf32>
      %select_n3A_254 = arith.select %lt3A_249, %get3A_251, %broadcast_in_dim3A_253 : vector<16xi1>, vector<16xf32>
      %swap3A_255 = arith.constant 32 : index
      %swap3A_256 = tpu.vector_load %arg18[%swap3A_255] {strides = array<i32>} : memref<112xf32, #tpu.memory_space<vmem>>, vector<16xf32>,
      tpu.vector_store %arg18[%swap3A_255], %select_n3A_254 {strides = array<i32>} : memref<112xf32, #tpu.memory_space<vmem>>, vector<16xf32>,
      %get3A_257 = arith.constant 32 : index
      %get3A_258 = tpu.vector_load %arg19[%get3A_257] {strides = array<i32>} : memref<112xf32, #tpu.memory_space<vmem>>, vector<16xf32>,
      %jit3A_259 = arith.constant 0.000000e+00 : f32
      %broadcast_in_dim3A_260 = vector.broadcast %jit3A_259 : f32 to vector<16xf32>
      %select_n3A_261 = arith.select %lt3A_249, %get3A_258, %broadcast_in_dim3A_260 : vector<16xi1>, vector<16xf32>
      %swap3A_262 = arith.constant 32 : index
      %swap3A_263 = tpu.vector_load %arg19[%swap3A_262] {strides = array<i32>} : memref<112xf32, #tpu.memory_space<vmem>>, vector<16xf32>,
      tpu.vector_store %arg19[%swap3A_262], %select_n3A_261 {strides = array<i32>} : memref<112xf32, #tpu.memory_space<vmem>>, vector<16xf32>,
      %get3A_264 = arith.constant 32 : index
      %get3A_265 = tpu.vector_load %arg20[%get3A_264] {strides = array<i32>} : memref<112xf32, #tpu.memory_space<vmem>>, vector<16xf32>,
      %jit3A_266 = arith.constant 0.000000e+00 : f32
      %broadcast_in_dim3A_267 = vector.broadcast %jit3A_266 : f32 to vector<16xf32>
      %select_n3A_268 = arith.select %lt3A_249, %get3A_265, %broadcast_in_dim3A_267 : vector<16xi1>, vector<16xf32>
      %swap3A_269 = arith.constant 32 : index
      %swap3A_270 = tpu.vector_load %arg20[%swap3A_269] {strides = array<i32>} : memref<112xf32, #tpu.memory_space<vmem>>, vector<16xf32>,
      tpu.vector_store %arg20[%swap3A_269], %select_n3A_268 {strides = array<i32>} : memref<112xf32, #tpu.memory_space<vmem>>, vector<16xf32>,
      %get3A_271 = arith.constant 32 : index
      %get3A_272 = tpu.vector_load %arg21[%get3A_271] {strides = array<i32>} : memref<112xf32, #tpu.memory_space<vmem>>, vector<16xf32>,
      %jit3A_273 = arith.constant 0.000000e+00 : f32
      %broadcast_in_dim3A_274 = vector.broadcast %jit3A_273 : f32 to vector<16xf32>
      %select_n3A_275 = arith.select %lt3A_249, %get3A_272, %broadcast_in_dim3A_274 : vector<16xi1>, vector<16xf32>
      %swap3A_276 = arith.constant 32 : index
      %swap3A_277 = tpu.vector_load %arg21[%swap3A_276] {strides = array<i32>} : memref<112xf32, #tpu.memory_space<vmem>>, vector<16xf32>,
      tpu.vector_store %arg21[%swap3A_276], %select_n3A_275 {strides = array<i32>} : memref<112xf32, #tpu.memory_space<vmem>>, vector<16xf32>,
      %get3A_278 = arith.constant 32 : index
      %get3A_279 = tpu.vector_load %arg23[%get3A_278] {strides = array<i32>} : memref<112xf32, #tpu.memory_space<vmem>>, vector<16xf32>,
      %jit3A_280 = arith.constant 0.000000e+00 : f32
      %broadcast_in_dim3A_281 = vector.broadcast %jit3A_280 : f32 to vector<16xf32>
      %select_n3A_282 = arith.select %lt3A_249, %get3A_279, %broadcast_in_dim3A_281 : vector<16xi1>, vector<16xf32>
      %swap3A_283 = arith.constant 32 : index
      %swap3A_284 = tpu.vector_load %arg23[%swap3A_283] {strides = array<i32>} : memref<112xf32, #tpu.memory_space<vmem>>, vector<16xf32>,
      tpu.vector_store %arg23[%swap3A_283], %select_n3A_282 {strides = array<i32>} : memref<112xf32, #tpu.memory_space<vmem>>, vector<16xf32>,
      %get3A_285 = arith.constant 32 : index
      %get3A_286 = tpu.vector_load %arg24[%get3A_285] {strides = array<i32>} : memref<112xi32, #tpu.memory_space<vmem>>, vector<16xi32>,
      %jit3A_287 = arith.constant 0 : i32
      %broadcast_in_dim3A_288 = vector.broadcast %jit3A_287 : i32 to vector<16xi32>
      %select_n3A_289 = arith.select %lt3A_249, %get3A_286, %broadcast_in_dim3A_288 : vector<16xi1>, vector<16xi32>
      %swap3A_290 = arith.constant 32 : index
      %swap3A_291 = tpu.vector_load %arg24[%swap3A_290] {strides = array<i32>} : memref<112xi32, #tpu.memory_space<vmem>>, vector<16xi32>,
      tpu.vector_store %arg24[%swap3A_290], %select_n3A_289 {strides = array<i32>} : memref<112xi32, #tpu.memory_space<vmem>>, vector<16xi32>,
      %add3A_292 = arith.constant 48 : i32
      %add3A_293 = vector.broadcast %add3A_292 : i32 to vector<16xi32>
      %add3A_294 = arith.addi %iota3A, %add3A_293 : vector<16xi32>
      %lt3A_295 = vector.broadcast %get3A_140 : i32 to vector<16xi32>
      %lt3A_296 = arith.cmpi slt, %add3A_294, %lt3A_295 : vector<16xi32>
      %get3A_297 = arith.constant 48 : index
      %get3A_298 = tpu.vector_load %arg18[%get3A_297] {strides = array<i32>} : memref<112xf32, #tpu.memory_space<vmem>>, vector<16xf32>,
      %jit3A_299 = arith.constant 0.000000e+00 : f32
      %broadcast_in_dim3A_300 = vector.broadcast %jit3A_299 : f32 to vector<16xf32>
      %select_n3A_301 = arith.select %lt3A_296, %get3A_298, %broadcast_in_dim3A_300 : vector<16xi1>, vector<16xf32>
      %swap3A_302 = arith.constant 48 : index
      %swap3A_303 = tpu.vector_load %arg18[%swap3A_302] {strides = array<i32>} : memref<112xf32, #tpu.memory_space<vmem>>, vector<16xf32>,
      tpu.vector_store %arg18[%swap3A_302], %select_n3A_301 {strides = array<i32>} : memref<112xf32, #tpu.memory_space<vmem>>, vector<16xf32>,
      %get3A_304 = arith.constant 48 : index
      %get3A_305 = tpu.vector_load %arg19[%get3A_304] {strides = array<i32>} : memref<112xf32, #tpu.memory_space<vmem>>, vector<16xf32>,
      %jit3A_306 = arith.constant 0.000000e+00 : f32
      %broadcast_in_dim3A_307 = vector.broadcast %jit3A_306 : f32 to vector<16xf32>
      %select_n3A_308 = arith.select %lt3A_296, %get3A_305, %broadcast_in_dim3A_307 : vector<16xi1>, vector<16xf32>
      %swap3A_309 = arith.constant 48 : index
      %swap3A_310 = tpu.vector_load %arg19[%swap3A_309] {strides = array<i32>} : memref<112xf32, #tpu.memory_space<vmem>>, vector<16xf32>,
      tpu.vector_store %arg19[%swap3A_309], %select_n3A_308 {strides = array<i32>} : memref<112xf32, #tpu.memory_space<vmem>>, vector<16xf32>,
      %get3A_311 = arith.constant 48 : index
      %get3A_312 = tpu.vector_load %arg20[%get3A_311] {strides = array<i32>} : memref<112xf32, #tpu.memory_space<vmem>>, vector<16xf32>,
      %jit3A_313 = arith.constant 0.000000e+00 : f32
      %broadcast_in_dim3A_314 = vector.broadcast %jit3A_313 : f32 to vector<16xf32>
      %select_n3A_315 = arith.select %lt3A_296, %get3A_312, %broadcast_in_dim3A_314 : vector<16xi1>, vector<16xf32>
      %swap3A_316 = arith.constant 48 : index
      %swap3A_317 = tpu.vector_load %arg20[%swap3A_316] {strides = array<i32>} : memref<112xf32, #tpu.memory_space<vmem>>, vector<16xf32>,
      tpu.vector_store %arg20[%swap3A_316], %select_n3A_315 {strides = array<i32>} : memref<112xf32, #tpu.memory_space<vmem>>, vector<16xf32>,
      %get3A_318 = arith.constant 48 : index
      %get3A_319 = tpu.vector_load %arg21[%get3A_318] {strides = array<i32>} : memref<112xf32, #tpu.memory_space<vmem>>, vector<16xf32>,
      %jit3A_320 = arith.constant 0.000000e+00 : f32
      %broadcast_in_dim3A_321 = vector.broadcast %jit3A_320 : f32 to vector<16xf32>
      %select_n3A_322 = arith.select %lt3A_296, %get3A_319, %broadcast_in_dim3A_321 : vector<16xi1>, vector<16xf32>
      %swap3A_323 = arith.constant 48 : index
      %swap3A_324 = tpu.vector_load %arg21[%swap3A_323] {strides = array<i32>} : memref<112xf32, #tpu.memory_space<vmem>>, vector<16xf32>,
      tpu.vector_store %arg21[%swap3A_323], %select_n3A_322 {strides = array<i32>} : memref<112xf32, #tpu.memory_space<vmem>>, vector<16xf32>,
      %get3A_325 = arith.constant 48 : index
      %get3A_326 = tpu.vector_load %arg23[%get3A_325] {strides = array<i32>} : memref<112xf32, #tpu.memory_space<vmem>>, vector<16xf32>,
      %jit3A_327 = arith.constant 0.000000e+00 : f32
      %broadcast_in_dim3A_328 = vector.broadcast %jit3A_327 : f32 to vector<16xf32>
      %select_n3A_329 = arith.select %lt3A_296, %get3A_326, %broadcast_in_dim3A_328 : vector<16xi1>, vector<16xf32>
      %swap3A_330 = arith.constant 48 : index
      %swap3A_331 = tpu.vector_load %arg23[%swap3A_330] {strides = array<i32>} : memref<112xf32, #tpu.memory_space<vmem>>, vector<16xf32>,
      tpu.vector_store %arg23[%swap3A_330], %select_n3A_329 {strides = array<i32>} : memref<112xf32, #tpu.memory_space<vmem>>, vector<16xf32>,
      %get3A_332 = arith.constant 48 : index
      %get3A_333 = tpu.vector_load %arg24[%get3A_332] {strides = array<i32>} : memref<112xi32, #tpu.memory_space<vmem>>, vector<16xi32>,
      %jit3A_334 = arith.constant 0 : i32
      %broadcast_in_dim3A_335 = vector.broadcast %jit3A_334 : i32 to vector<16xi32>
      %select_n3A_336 = arith.select %lt3A_296, %get3A_333, %broadcast_in_dim3A_335 : vector<16xi1>, vector<16xi32>
      %swap3A_337 = arith.constant 48 : index
      %swap3A_338 = tpu.vector_load %arg24[%swap3A_337] {strides = array<i32>} : memref<112xi32, #tpu.memory_space<vmem>>, vector<16xi32>,
      tpu.vector_store %arg24[%swap3A_337], %select_n3A_336 {strides = array<i32>} : memref<112xi32, #tpu.memory_space<vmem>>, vector<16xi32>,
      %add3A_339 = arith.constant 64 : i32
      %add3A_340 = vector.broadcast %add3A_339 : i32 to vector<16xi32>
      %add3A_341 = arith.addi %iota3A, %add3A_340 : vector<16xi32>
      %lt3A_342 = vector.broadcast %get3A_140 : i32 to vector<16xi32>
      %lt3A_343 = arith.cmpi slt, %add3A_341, %lt3A_342 : vector<16xi32>
      %get3A_344 = arith.constant 64 : index
      %get3A_345 = tpu.vector_load %arg18[%get3A_344] {strides = array<i32>} : memref<112xf32, #tpu.memory_space<vmem>>, vector<16xf32>,
      %jit3A_346 = arith.constant 0.000000e+00 : f32
      %broadcast_in_dim3A_347 = vector.broadcast %jit3A_346 : f32 to vector<16xf32>
      %select_n3A_348 = arith.select %lt3A_343, %get3A_345, %broadcast_in_dim3A_347 : vector<16xi1>, vector<16xf32>
      %swap3A_349 = arith.constant 64 : index
      %swap3A_350 = tpu.vector_load %arg18[%swap3A_349] {strides = array<i32>} : memref<112xf32, #tpu.memory_space<vmem>>, vector<16xf32>,
      tpu.vector_store %arg18[%swap3A_349], %select_n3A_348 {strides = array<i32>} : memref<112xf32, #tpu.memory_space<vmem>>, vector<16xf32>,
      %get3A_351 = arith.constant 64 : index
      %get3A_352 = tpu.vector_load %arg19[%get3A_351] {strides = array<i32>} : memref<112xf32, #tpu.memory_space<vmem>>, vector<16xf32>,
      %jit3A_353 = arith.constant 0.000000e+00 : f32
      %broadcast_in_dim3A_354 = vector.broadcast %jit3A_353 : f32 to vector<16xf32>
      %select_n3A_355 = arith.select %lt3A_343, %get3A_352, %broadcast_in_dim3A_354 : vector<16xi1>, vector<16xf32>
      %swap3A_356 = arith.constant 64 : index
      %swap3A_357 = tpu.vector_load %arg19[%swap3A_356] {strides = array<i32>} : memref<112xf32, #tpu.memory_space<vmem>>, vector<16xf32>,
      tpu.vector_store %arg19[%swap3A_356], %select_n3A_355 {strides = array<i32>} : memref<112xf32, #tpu.memory_space<vmem>>, vector<16xf32>,
      %get3A_358 = arith.constant 64 : index
      %get3A_359 = tpu.vector_load %arg20[%get3A_358] {strides = array<i32>} : memref<112xf32, #tpu.memory_space<vmem>>, vector<16xf32>,
      %jit3A_360 = arith.constant 0.000000e+00 : f32
      %broadcast_in_dim3A_361 = vector.broadcast %jit3A_360 : f32 to vector<16xf32>
      %select_n3A_362 = arith.select %lt3A_343, %get3A_359, %broadcast_in_dim3A_361 : vector<16xi1>, vector<16xf32>
      %swap3A_363 = arith.constant 64 : index
      %swap3A_364 = tpu.vector_load %arg20[%swap3A_363] {strides = array<i32>} : memref<112xf32, #tpu.memory_space<vmem>>, vector<16xf32>,
      tpu.vector_store %arg20[%swap3A_363], %select_n3A_362 {strides = array<i32>} : memref<112xf32, #tpu.memory_space<vmem>>, vector<16xf32>,
      %get3A_365 = arith.constant 64 : index
      %get3A_366 = tpu.vector_load %arg21[%get3A_365] {strides = array<i32>} : memref<112xf32, #tpu.memory_space<vmem>>, vector<16xf32>,
      %jit3A_367 = arith.constant 0.000000e+00 : f32
      %broadcast_in_dim3A_368 = vector.broadcast %jit3A_367 : f32 to vector<16xf32>
      %select_n3A_369 = arith.select %lt3A_343, %get3A_366, %broadcast_in_dim3A_368 : vector<16xi1>, vector<16xf32>
      %swap3A_370 = arith.constant 64 : index
      %swap3A_371 = tpu.vector_load %arg21[%swap3A_370] {strides = array<i32>} : memref<112xf32, #tpu.memory_space<vmem>>, vector<16xf32>,
      tpu.vector_store %arg21[%swap3A_370], %select_n3A_369 {strides = array<i32>} : memref<112xf32, #tpu.memory_space<vmem>>, vector<16xf32>,
      %get3A_372 = arith.constant 64 : index
      %get3A_373 = tpu.vector_load %arg23[%get3A_372] {strides = array<i32>} : memref<112xf32, #tpu.memory_space<vmem>>, vector<16xf32>,
      %jit3A_374 = arith.constant 0.000000e+00 : f32
      %broadcast_in_dim3A_375 = vector.broadcast %jit3A_374 : f32 to vector<16xf32>
      %select_n3A_376 = arith.select %lt3A_343, %get3A_373, %broadcast_in_dim3A_375 : vector<16xi1>, vector<16xf32>
      %swap3A_377 = arith.constant 64 : index
      %swap3A_378 = tpu.vector_load %arg23[%swap3A_377] {strides = array<i32>} : memref<112xf32, #tpu.memory_space<vmem>>, vector<16xf32>,
      tpu.vector_store %arg23[%swap3A_377], %select_n3A_376 {strides = array<i32>} : memref<112xf32, #tpu.memory_space<vmem>>, vector<16xf32>,
      %get3A_379 = arith.constant 64 : index
      %get3A_380 = tpu.vector_load %arg24[%get3A_379] {strides = array<i32>} : memref<112xi32, #tpu.memory_space<vmem>>, vector<16xi32>,
      %jit3A_381 = arith.constant 0 : i32
      %broadcast_in_dim3A_382 = vector.broadcast %jit3A_381 : i32 to vector<16xi32>
      %select_n3A_383 = arith.select %lt3A_343, %get3A_380, %broadcast_in_dim3A_382 : vector<16xi1>, vector<16xi32>
      %swap3A_384 = arith.constant 64 : index
      %swap3A_385 = tpu.vector_load %arg24[%swap3A_384] {strides = array<i32>} : memref<112xi32, #tpu.memory_space<vmem>>, vector<16xi32>,
      tpu.vector_store %arg24[%swap3A_384], %select_n3A_383 {strides = array<i32>} : memref<112xi32, #tpu.memory_space<vmem>>, vector<16xi32>,
      %add3A_386 = arith.constant 80 : i32
      %add3A_387 = vector.broadcast %add3A_386 : i32 to vector<16xi32>
      %add3A_388 = arith.addi %iota3A, %add3A_387 : vector<16xi32>
      %lt3A_389 = vector.broadcast %get3A_140 : i32 to vector<16xi32>
      %lt3A_390 = arith.cmpi slt, %add3A_388, %lt3A_389 : vector<16xi32>
      %get3A_391 = arith.constant 80 : index
      %get3A_392 = tpu.vector_load %arg18[%get3A_391] {strides = array<i32>} : memref<112xf32, #tpu.memory_space<vmem>>, vector<16xf32>,
      %jit3A_393 = arith.constant 0.000000e+00 : f32
      %broadcast_in_dim3A_394 = vector.broadcast %jit3A_393 : f32 to vector<16xf32>
      %select_n3A_395 = arith.select %lt3A_390, %get3A_392, %broadcast_in_dim3A_394 : vector<16xi1>, vector<16xf32>
      %swap3A_396 = arith.constant 80 : index
      %swap3A_397 = tpu.vector_load %arg18[%swap3A_396] {strides = array<i32>} : memref<112xf32, #tpu.memory_space<vmem>>, vector<16xf32>,
      tpu.vector_store %arg18[%swap3A_396], %select_n3A_395 {strides = array<i32>} : memref<112xf32, #tpu.memory_space<vmem>>, vector<16xf32>,
      %get3A_398 = arith.constant 80 : index
      %get3A_399 = tpu.vector_load %arg19[%get3A_398] {strides = array<i32>} : memref<112xf32, #tpu.memory_space<vmem>>, vector<16xf32>,
      %jit3A_400 = arith.constant 0.000000e+00 : f32
      %broadcast_in_dim3A_401 = vector.broadcast %jit3A_400 : f32 to vector<16xf32>
      %select_n3A_402 = arith.select %lt3A_390, %get3A_399, %broadcast_in_dim3A_401 : vector<16xi1>, vector<16xf32>
      %swap3A_403 = arith.constant 80 : index
      %swap3A_404 = tpu.vector_load %arg19[%swap3A_403] {strides = array<i32>} : memref<112xf32, #tpu.memory_space<vmem>>, vector<16xf32>,
      tpu.vector_store %arg19[%swap3A_403], %select_n3A_402 {strides = array<i32>} : memref<112xf32, #tpu.memory_space<vmem>>, vector<16xf32>,
      %get3A_405 = arith.constant 80 : index
      %get3A_406 = tpu.vector_load %arg20[%get3A_405] {strides = array<i32>} : memref<112xf32, #tpu.memory_space<vmem>>, vector<16xf32>,
      %jit3A_407 = arith.constant 0.000000e+00 : f32
      %broadcast_in_dim3A_408 = vector.broadcast %jit3A_407 : f32 to vector<16xf32>
      %select_n3A_409 = arith.select %lt3A_390, %get3A_406, %broadcast_in_dim3A_408 : vector<16xi1>, vector<16xf32>
      %swap3A_410 = arith.constant 80 : index
      %swap3A_411 = tpu.vector_load %arg20[%swap3A_410] {strides = array<i32>} : memref<112xf32, #tpu.memory_space<vmem>>, vector<16xf32>,
      tpu.vector_store %arg20[%swap3A_410], %select_n3A_409 {strides = array<i32>} : memref<112xf32, #tpu.memory_space<vmem>>, vector<16xf32>,
      %get3A_412 = arith.constant 80 : index
      %get3A_413 = tpu.vector_load %arg21[%get3A_412] {strides = array<i32>} : memref<112xf32, #tpu.memory_space<vmem>>, vector<16xf32>,
      %jit3A_414 = arith.constant 0.000000e+00 : f32
      %broadcast_in_dim3A_415 = vector.broadcast %jit3A_414 : f32 to vector<16xf32>
      %select_n3A_416 = arith.select %lt3A_390, %get3A_413, %broadcast_in_dim3A_415 : vector<16xi1>, vector<16xf32>
      %swap3A_417 = arith.constant 80 : index
      %swap3A_418 = tpu.vector_load %arg21[%swap3A_417] {strides = array<i32>} : memref<112xf32, #tpu.memory_space<vmem>>, vector<16xf32>,
      tpu.vector_store %arg21[%swap3A_417], %select_n3A_416 {strides = array<i32>} : memref<112xf32, #tpu.memory_space<vmem>>, vector<16xf32>,
      %get3A_419 = arith.constant 80 : index
      %get3A_420 = tpu.vector_load %arg23[%get3A_419] {strides = array<i32>} : memref<112xf32, #tpu.memory_space<vmem>>, vector<16xf32>,
      %jit3A_421 = arith.constant 0.000000e+00 : f32
      %broadcast_in_dim3A_422 = vector.broadcast %jit3A_421 : f32 to vector<16xf32>
      %select_n3A_423 = arith.select %lt3A_390, %get3A_420, %broadcast_in_dim3A_422 : vector<16xi1>, vector<16xf32>
      %swap3A_424 = arith.constant 80 : index
      %swap3A_425 = tpu.vector_load %arg23[%swap3A_424] {strides = array<i32>} : memref<112xf32, #tpu.memory_space<vmem>>, vector<16xf32>,
      tpu.vector_store %arg23[%swap3A_424], %select_n3A_423 {strides = array<i32>} : memref<112xf32, #tpu.memory_space<vmem>>, vector<16xf32>,
      %get3A_426 = arith.constant 80 : index
      %get3A_427 = tpu.vector_load %arg24[%get3A_426] {strides = array<i32>} : memref<112xi32, #tpu.memory_space<vmem>>, vector<16xi32>,
      %jit3A_428 = arith.constant 0 : i32
      %broadcast_in_dim3A_429 = vector.broadcast %jit3A_428 : i32 to vector<16xi32>
      %select_n3A_430 = arith.select %lt3A_390, %get3A_427, %broadcast_in_dim3A_429 : vector<16xi1>, vector<16xi32>
      %swap3A_431 = arith.constant 80 : index
      %swap3A_432 = tpu.vector_load %arg24[%swap3A_431] {strides = array<i32>} : memref<112xi32, #tpu.memory_space<vmem>>, vector<16xi32>,
      tpu.vector_store %arg24[%swap3A_431], %select_n3A_430 {strides = array<i32>} : memref<112xi32, #tpu.memory_space<vmem>>, vector<16xi32>,
      %add3A_433 = arith.constant 96 : i32
      %add3A_434 = vector.broadcast %add3A_433 : i32 to vector<16xi32>
      %add3A_435 = arith.addi %iota3A, %add3A_434 : vector<16xi32>
      %lt3A_436 = vector.broadcast %get3A_140 : i32 to vector<16xi32>
      %lt3A_437 = arith.cmpi slt, %add3A_435, %lt3A_436 : vector<16xi32>
      %get3A_438 = arith.constant 96 : index
      %get3A_439 = tpu.vector_load %arg18[%get3A_438] {strides = array<i32>} : memref<112xf32, #tpu.memory_space<vmem>>, vector<16xf32>,
      %jit3A_440 = arith.constant 0.000000e+00 : f32
      %broadcast_in_dim3A_441 = vector.broadcast %jit3A_440 : f32 to vector<16xf32>
      %select_n3A_442 = arith.select %lt3A_437, %get3A_439, %broadcast_in_dim3A_441 : vector<16xi1>, vector<16xf32>
      %swap3A_443 = arith.constant 96 : index
      %swap3A_444 = tpu.vector_load %arg18[%swap3A_443] {strides = array<i32>} : memref<112xf32, #tpu.memory_space<vmem>>, vector<16xf32>,
      tpu.vector_store %arg18[%swap3A_443], %select_n3A_442 {strides = array<i32>} : memref<112xf32, #tpu.memory_space<vmem>>, vector<16xf32>,
      %get3A_445 = arith.constant 96 : index
      %get3A_446 = tpu.vector_load %arg19[%get3A_445] {strides = array<i32>} : memref<112xf32, #tpu.memory_space<vmem>>, vector<16xf32>,
      %jit3A_447 = arith.constant 0.000000e+00 : f32
      %broadcast_in_dim3A_448 = vector.broadcast %jit3A_447 : f32 to vector<16xf32>
      %select_n3A_449 = arith.select %lt3A_437, %get3A_446, %broadcast_in_dim3A_448 : vector<16xi1>, vector<16xf32>
      %swap3A_450 = arith.constant 96 : index
      %swap3A_451 = tpu.vector_load %arg19[%swap3A_450] {strides = array<i32>} : memref<112xf32, #tpu.memory_space<vmem>>, vector<16xf32>,
      tpu.vector_store %arg19[%swap3A_450], %select_n3A_449 {strides = array<i32>} : memref<112xf32, #tpu.memory_space<vmem>>, vector<16xf32>,
      %get3A_452 = arith.constant 96 : index
      %get3A_453 = tpu.vector_load %arg20[%get3A_452] {strides = array<i32>} : memref<112xf32, #tpu.memory_space<vmem>>, vector<16xf32>,
      %jit3A_454 = arith.constant 0.000000e+00 : f32
      %broadcast_in_dim3A_455 = vector.broadcast %jit3A_454 : f32 to vector<16xf32>
      %select_n3A_456 = arith.select %lt3A_437, %get3A_453, %broadcast_in_dim3A_455 : vector<16xi1>, vector<16xf32>
      %swap3A_457 = arith.constant 96 : index
      %swap3A_458 = tpu.vector_load %arg20[%swap3A_457] {strides = array<i32>} : memref<112xf32, #tpu.memory_space<vmem>>, vector<16xf32>,
      tpu.vector_store %arg20[%swap3A_457], %select_n3A_456 {strides = array<i32>} : memref<112xf32, #tpu.memory_space<vmem>>, vector<16xf32>,
      %get3A_459 = arith.constant 96 : index
      %get3A_460 = tpu.vector_load %arg21[%get3A_459] {strides = array<i32>} : memref<112xf32, #tpu.memory_space<vmem>>, vector<16xf32>,
      %jit3A_461 = arith.constant 0.000000e+00 : f32
      %broadcast_in_dim3A_462 = vector.broadcast %jit3A_461 : f32 to vector<16xf32>
      %select_n3A_463 = arith.select %lt3A_437, %get3A_460, %broadcast_in_dim3A_462 : vector<16xi1>, vector<16xf32>
      %swap3A_464 = arith.constant 96 : index
      %swap3A_465 = tpu.vector_load %arg21[%swap3A_464] {strides = array<i32>} : memref<112xf32, #tpu.memory_space<vmem>>, vector<16xf32>,
      tpu.vector_store %arg21[%swap3A_464], %select_n3A_463 {strides = array<i32>} : memref<112xf32, #tpu.memory_space<vmem>>, vector<16xf32>,
      %get3A_466 = arith.constant 96 : index
      %get3A_467 = tpu.vector_load %arg23[%get3A_466] {strides = array<i32>} : memref<112xf32, #tpu.memory_space<vmem>>, vector<16xf32>,
      %jit3A_468 = arith.constant 0.000000e+00 : f32
      %broadcast_in_dim3A_469 = vector.broadcast %jit3A_468 : f32 to vector<16xf32>
      %select_n3A_470 = arith.select %lt3A_437, %get3A_467, %broadcast_in_dim3A_469 : vector<16xi1>, vector<16xf32>
      %swap3A_471 = arith.constant 96 : index
      %swap3A_472 = tpu.vector_load %arg23[%swap3A_471] {strides = array<i32>} : memref<112xf32, #tpu.memory_space<vmem>>, vector<16xf32>,
      tpu.vector_store %arg23[%swap3A_471], %select_n3A_470 {strides = array<i32>} : memref<112xf32, #tpu.memory_space<vmem>>, vector<16xf32>,
      %get3A_473 = arith.constant 96 : index
      %get3A_474 = tpu.vector_load %arg24[%get3A_473] {strides = array<i32>} : memref<112xi32, #tpu.memory_space<vmem>>, vector<16xi32>,
      %jit3A_475 = arith.constant 0 : i32
      %broadcast_in_dim3A_476 = vector.broadcast %jit3A_475 : i32 to vector<16xi32>
      %select_n3A_477 = arith.select %lt3A_437, %get3A_474, %broadcast_in_dim3A_476 : vector<16xi1>, vector<16xi32>
      %swap3A_478 = arith.constant 96 : index
      %swap3A_479 = tpu.vector_load %arg24[%swap3A_478] {strides = array<i32>} : memref<112xi32, #tpu.memory_space<vmem>>, vector<16xi32>,
      tpu.vector_store %arg24[%swap3A_478], %select_n3A_477 {strides = array<i32>} : memref<112xi32, #tpu.memory_space<vmem>>, vector<16xi32>,
      %broadcast_in_dim3A_480 = vector.broadcast %get3A_140 : i32 to vector<16xi32>
      %swap3A_481 = arith.constant 0 : index
      %swap3A_482 = tpu.vector_load %arg26[%swap3A_481] {strides = array<i32>} : memref<16xi32, #tpu.memory_space<vmem>>, vector<16xi32>,
      tpu.vector_store %arg26[%swap3A_481], %broadcast_in_dim3A_480 {strides = array<i32>} : memref<16xi32, #tpu.memory_space<vmem>>, vector<16xi32>,
      %run_scoped3A = arith.constant 0 : i32
      "tpu.region"() ({
        %run_scoped3A_486 = tpu.sem_alloc : memref<!tpu.dma_semaphore, #tpu.memory_space<semaphore_mem>>
        %dma_start3A = arith.constant 0 : i32
        %dma_start3A_487 = tpu.memref_slice %arg8[%add3A, %run_scoped3A, %dma_start3A] : memref<4x4x112xf32, #tpu.memory_space<hbm>> -> memref<1x1x112xf32, #tpu.memory_space<hbm>>
        %dma_start3A_488 = tpu.memref_squeeze %dma_start3A_487 : memref<1x1x112xf32, #tpu.memory_space<hbm>> -> memref<112xf32, #tpu.memory_space<hbm>>
        %dma_start3A_489 = arith.constant 0 : i32
        %dma_start3A_490 = tpu.memref_slice %arg8[%add3A, %run_scoped3A, %dma_start3A_489] : memref<4x4x112xf32, #tpu.memory_space<hbm>> -> memref<1x1x112xf32, #tpu.memory_space<hbm>>
        %dma_start3A_491 = tpu.memref_squeeze %dma_start3A_490 : memref<1x1x112xf32, #tpu.memory_space<hbm>> -> memref<112xf32, #tpu.memory_space<hbm>>
        tpu.enqueue_dma source(%arg18 : memref<112xf32, #tpu.memory_space<vmem>>) target(%dma_start3A_491 : memref<112xf32, #tpu.memory_space<hbm>>) target_semaphore(%run_scoped3A_486 : memref<!tpu.dma_semaphore, #tpu.memory_space<semaphore_mem>>)
        %dma_wait3A = arith.constant 0 : i32
        %dma_wait3A_492 = tpu.memref_slice %arg8[%add3A, %run_scoped3A, %dma_wait3A] : memref<4x4x112xf32, #tpu.memory_space<hbm>> -> memref<1x1x112xf32, #tpu.memory_space<hbm>>
        %dma_wait3A_493 = tpu.memref_squeeze %dma_wait3A_492 : memref<1x1x112xf32, #tpu.memory_space<hbm>> -> memref<112xf32, #tpu.memory_space<hbm>>
        %dma_wait3A_494 = arith.constant 0 : i32
        %dma_wait3A_495 = tpu.memref_slice %arg8[%add3A, %run_scoped3A, %dma_wait3A_494] : memref<4x4x112xf32, #tpu.memory_space<hbm>> -> memref<1x1x112xf32, #tpu.memory_space<hbm>>
        %dma_wait3A_496 = tpu.memref_squeeze %dma_wait3A_495 : memref<1x1x112xf32, #tpu.memory_space<hbm>> -> memref<112xf32, #tpu.memory_space<hbm>>
        tpu.wait_dma2 semaphore(%run_scoped3A_486 : memref<!tpu.dma_semaphore, #tpu.memory_space<semaphore_mem>>) src(%arg18 : memref<112xf32, #tpu.memory_space<vmem>>) dst(%dma_wait3A_496 : memref<112xf32, #tpu.memory_space<hbm>>)
        tpu.yield
      }) : () -> ()
      %run_scoped3A_483 = arith.constant 1 : i32
      "tpu.region"() ({
        %run_scoped3A_486 = tpu.sem_alloc : memref<!tpu.dma_semaphore, #tpu.memory_space<semaphore_mem>>
        %dma_start3A = arith.constant 0 : i32
        %dma_start3A_487 = tpu.memref_slice %arg8[%add3A, %run_scoped3A_483, %dma_start3A] : memref<4x4x112xf32, #tpu.memory_space<hbm>> -> memref<1x1x112xf32, #tpu.memory_space<hbm>>
        %dma_start3A_488 = tpu.memref_squeeze %dma_start3A_487 : memref<1x1x112xf32, #tpu.memory_space<hbm>> -> memref<112xf32, #tpu.memory_space<hbm>>
        %dma_start3A_489 = arith.constant 0 : i32
        %dma_start3A_490 = tpu.memref_slice %arg8[%add3A, %run_scoped3A_483, %dma_start3A_489] : memref<4x4x112xf32, #tpu.memory_space<hbm>> -> memref<1x1x112xf32, #tpu.memory_space<hbm>>
        %dma_start3A_491 = tpu.memref_squeeze %dma_start3A_490 : memref<1x1x112xf32, #tpu.memory_space<hbm>> -> memref<112xf32, #tpu.memory_space<hbm>>
        tpu.enqueue_dma source(%arg19 : memref<112xf32, #tpu.memory_space<vmem>>) target(%dma_start3A_491 : memref<112xf32, #tpu.memory_space<hbm>>) target_semaphore(%run_scoped3A_486 : memref<!tpu.dma_semaphore, #tpu.memory_space<semaphore_mem>>)
        %dma_wait3A = arith.constant 0 : i32
        %dma_wait3A_492 = tpu.memref_slice %arg8[%add3A, %run_scoped3A_483, %dma_wait3A] : memref<4x4x112xf32, #tpu.memory_space<hbm>> -> memref<1x1x112xf32, #tpu.memory_space<hbm>>
        %dma_wait3A_493 = tpu.memref_squeeze %dma_wait3A_492 : memref<1x1x112xf32, #tpu.memory_space<hbm>> -> memref<112xf32, #tpu.memory_space<hbm>>
        %dma_wait3A_494 = arith.constant 0 : i32
        %dma_wait3A_495 = tpu.memref_slice %arg8[%add3A, %run_scoped3A_483, %dma_wait3A_494] : memref<4x4x112xf32, #tpu.memory_space<hbm>> -> memref<1x1x112xf32, #tpu.memory_space<hbm>>
        %dma_wait3A_496 = tpu.memref_squeeze %dma_wait3A_495 : memref<1x1x112xf32, #tpu.memory_space<hbm>> -> memref<112xf32, #tpu.memory_space<hbm>>
        tpu.wait_dma2 semaphore(%run_scoped3A_486 : memref<!tpu.dma_semaphore, #tpu.memory_space<semaphore_mem>>) src(%arg19 : memref<112xf32, #tpu.memory_space<vmem>>) dst(%dma_wait3A_496 : memref<112xf32, #tpu.memory_space<hbm>>)
        tpu.yield
      }) : () -> ()
      %run_scoped3A_484 = arith.constant 2 : i32
      "tpu.region"() ({
        %run_scoped3A_486 = tpu.sem_alloc : memref<!tpu.dma_semaphore, #tpu.memory_space<semaphore_mem>>
        %dma_start3A = arith.constant 0 : i32
        %dma_start3A_487 = tpu.memref_slice %arg8[%add3A, %run_scoped3A_484, %dma_start3A] : memref<4x4x112xf32, #tpu.memory_space<hbm>> -> memref<1x1x112xf32, #tpu.memory_space<hbm>>
        %dma_start3A_488 = tpu.memref_squeeze %dma_start3A_487 : memref<1x1x112xf32, #tpu.memory_space<hbm>> -> memref<112xf32, #tpu.memory_space<hbm>>
        %dma_start3A_489 = arith.constant 0 : i32
        %dma_start3A_490 = tpu.memref_slice %arg8[%add3A, %run_scoped3A_484, %dma_start3A_489] : memref<4x4x112xf32, #tpu.memory_space<hbm>> -> memref<1x1x112xf32, #tpu.memory_space<hbm>>
        %dma_start3A_491 = tpu.memref_squeeze %dma_start3A_490 : memref<1x1x112xf32, #tpu.memory_space<hbm>> -> memref<112xf32, #tpu.memory_space<hbm>>
        tpu.enqueue_dma source(%arg20 : memref<112xf32, #tpu.memory_space<vmem>>) target(%dma_start3A_491 : memref<112xf32, #tpu.memory_space<hbm>>) target_semaphore(%run_scoped3A_486 : memref<!tpu.dma_semaphore, #tpu.memory_space<semaphore_mem>>)
        %dma_wait3A = arith.constant 0 : i32
        %dma_wait3A_492 = tpu.memref_slice %arg8[%add3A, %run_scoped3A_484, %dma_wait3A] : memref<4x4x112xf32, #tpu.memory_space<hbm>> -> memref<1x1x112xf32, #tpu.memory_space<hbm>>
        %dma_wait3A_493 = tpu.memref_squeeze %dma_wait3A_492 : memref<1x1x112xf32, #tpu.memory_space<hbm>> -> memref<112xf32, #tpu.memory_space<hbm>>
        %dma_wait3A_494 = arith.constant 0 : i32
        %dma_wait3A_495 = tpu.memref_slice %arg8[%add3A, %run_scoped3A_484, %dma_wait3A_494] : memref<4x4x112xf32, #tpu.memory_space<hbm>> -> memref<1x1x112xf32, #tpu.memory_space<hbm>>
        %dma_wait3A_496 = tpu.memref_squeeze %dma_wait3A_495 : memref<1x1x112xf32, #tpu.memory_space<hbm>> -> memref<112xf32, #tpu.memory_space<hbm>>
        tpu.wait_dma2 semaphore(%run_scoped3A_486 : memref<!tpu.dma_semaphore, #tpu.memory_space<semaphore_mem>>) src(%arg20 : memref<112xf32, #tpu.memory_space<vmem>>) dst(%dma_wait3A_496 : memref<112xf32, #tpu.memory_space<hbm>>)
        tpu.yield
      }) : () -> ()
      %run_scoped3A_485 = arith.constant 3 : i32
      "tpu.region"() ({
        %run_scoped3A_486 = tpu.sem_alloc : memref<!tpu.dma_semaphore, #tpu.memory_space<semaphore_mem>>
        %dma_start3A = arith.constant 0 : i32
        %dma_start3A_487 = tpu.memref_slice %arg8[%add3A, %run_scoped3A_485, %dma_start3A] : memref<4x4x112xf32, #tpu.memory_space<hbm>> -> memref<1x1x112xf32, #tpu.memory_space<hbm>>
        %dma_start3A_488 = tpu.memref_squeeze %dma_start3A_487 : memref<1x1x112xf32, #tpu.memory_space<hbm>> -> memref<112xf32, #tpu.memory_space<hbm>>
        %dma_start3A_489 = arith.constant 0 : i32
        %dma_start3A_490 = tpu.memref_slice %arg8[%add3A, %run_scoped3A_485, %dma_start3A_489] : memref<4x4x112xf32, #tpu.memory_space<hbm>> -> memref<1x1x112xf32, #tpu.memory_space<hbm>>
        %dma_start3A_491 = tpu.memref_squeeze %dma_start3A_490 : memref<1x1x112xf32, #tpu.memory_space<hbm>> -> memref<112xf32, #tpu.memory_space<hbm>>
        tpu.enqueue_dma source(%arg21 : memref<112xf32, #tpu.memory_space<vmem>>) target(%dma_start3A_491 : memref<112xf32, #tpu.memory_space<hbm>>) target_semaphore(%run_scoped3A_486 : memref<!tpu.dma_semaphore, #tpu.memory_space<semaphore_mem>>)
        %dma_wait3A = arith.constant 0 : i32
        %dma_wait3A_492 = tpu.memref_slice %arg8[%add3A, %run_scoped3A_485, %dma_wait3A] : memref<4x4x112xf32, #tpu.memory_space<hbm>> -> memref<1x1x112xf32, #tpu.memory_space<hbm>>
        %dma_wait3A_493 = tpu.memref_squeeze %dma_wait3A_492 : memref<1x1x112xf32, #tpu.memory_space<hbm>> -> memref<112xf32, #tpu.memory_space<hbm>>
        %dma_wait3A_494 = arith.constant 0 : i32
        %dma_wait3A_495 = tpu.memref_slice %arg8[%add3A, %run_scoped3A_485, %dma_wait3A_494] : memref<4x4x112xf32, #tpu.memory_space<hbm>> -> memref<1x1x112xf32, #tpu.memory_space<hbm>>
        %dma_wait3A_496 = tpu.memref_squeeze %dma_wait3A_495 : memref<1x1x112xf32, #tpu.memory_space<hbm>> -> memref<112xf32, #tpu.memory_space<hbm>>
        tpu.wait_dma2 semaphore(%run_scoped3A_486 : memref<!tpu.dma_semaphore, #tpu.memory_space<semaphore_mem>>) src(%arg21 : memref<112xf32, #tpu.memory_space<vmem>>) dst(%dma_wait3A_496 : memref<112xf32, #tpu.memory_space<hbm>>)
        tpu.yield
      }) : () -> ()
      "tpu.region"() ({
        %run_scoped3A_486 = tpu.sem_alloc : memref<!tpu.dma_semaphore, #tpu.memory_space<semaphore_mem>>
        %dma_start3A = arith.constant 0 : i32
        %dma_start3A_487 = tpu.memref_slice %arg9[%add3A, %dma_start3A] : memref<4x112xf32, #tpu.memory_space<hbm>> -> memref<1x112xf32, #tpu.memory_space<hbm>>
        %dma_start3A_488 = tpu.memref_squeeze %dma_start3A_487 : memref<1x112xf32, #tpu.memory_space<hbm>> -> memref<112xf32, #tpu.memory_space<hbm>>
        %dma_start3A_489 = arith.constant 0 : i32
        %dma_start3A_490 = tpu.memref_slice %arg9[%add3A, %dma_start3A_489] : memref<4x112xf32, #tpu.memory_space<hbm>> -> memref<1x112xf32, #tpu.memory_space<hbm>>
        %dma_start3A_491 = tpu.memref_squeeze %dma_start3A_490 : memref<1x112xf32, #tpu.memory_space<hbm>> -> memref<112xf32, #tpu.memory_space<hbm>>
        tpu.enqueue_dma source(%arg23 : memref<112xf32, #tpu.memory_space<vmem>>) target(%dma_start3A_491 : memref<112xf32, #tpu.memory_space<hbm>>) target_semaphore(%run_scoped3A_486 : memref<!tpu.dma_semaphore, #tpu.memory_space<semaphore_mem>>)
        %dma_wait3A = arith.constant 0 : i32
        %dma_wait3A_492 = tpu.memref_slice %arg9[%add3A, %dma_wait3A] : memref<4x112xf32, #tpu.memory_space<hbm>> -> memref<1x112xf32, #tpu.memory_space<hbm>>
        %dma_wait3A_493 = tpu.memref_squeeze %dma_wait3A_492 : memref<1x112xf32, #tpu.memory_space<hbm>> -> memref<112xf32, #tpu.memory_space<hbm>>
        %dma_wait3A_494 = arith.constant 0 : i32
        %dma_wait3A_495 = tpu.memref_slice %arg9[%add3A, %dma_wait3A_494] : memref<4x112xf32, #tpu.memory_space<hbm>> -> memref<1x112xf32, #tpu.memory_space<hbm>>
        %dma_wait3A_496 = tpu.memref_squeeze %dma_wait3A_495 : memref<1x112xf32, #tpu.memory_space<hbm>> -> memref<112xf32, #tpu.memory_space<hbm>>
        tpu.wait_dma2 semaphore(%run_scoped3A_486 : memref<!tpu.dma_semaphore, #tpu.memory_space<semaphore_mem>>) src(%arg23 : memref<112xf32, #tpu.memory_space<vmem>>) dst(%dma_wait3A_496 : memref<112xf32, #tpu.memory_space<hbm>>)
        tpu.yield
      }) : () -> ()
      "tpu.region"() ({
        %run_scoped3A_486 = tpu.sem_alloc : memref<!tpu.dma_semaphore, #tpu.memory_space<semaphore_mem>>
        %dma_start3A = arith.constant 0 : i32
        %dma_start3A_487 = tpu.memref_slice %arg10[%add3A, %dma_start3A] : memref<4x112xi32, #tpu.memory_space<hbm>> -> memref<1x112xi32, #tpu.memory_space<hbm>>
        %dma_start3A_488 = tpu.memref_squeeze %dma_start3A_487 : memref<1x112xi32, #tpu.memory_space<hbm>> -> memref<112xi32, #tpu.memory_space<hbm>>
        %dma_start3A_489 = arith.constant 0 : i32
        %dma_start3A_490 = tpu.memref_slice %arg10[%add3A, %dma_start3A_489] : memref<4x112xi32, #tpu.memory_space<hbm>> -> memref<1x112xi32, #tpu.memory_space<hbm>>
        %dma_start3A_491 = tpu.memref_squeeze %dma_start3A_490 : memref<1x112xi32, #tpu.memory_space<hbm>> -> memref<112xi32, #tpu.memory_space<hbm>>
        tpu.enqueue_dma source(%arg24 : memref<112xi32, #tpu.memory_space<vmem>>) target(%dma_start3A_491 : memref<112xi32, #tpu.memory_space<hbm>>) target_semaphore(%run_scoped3A_486 : memref<!tpu.dma_semaphore, #tpu.memory_space<semaphore_mem>>)
        %dma_wait3A = arith.constant 0 : i32
        %dma_wait3A_492 = tpu.memref_slice %arg10[%add3A, %dma_wait3A] : memref<4x112xi32, #tpu.memory_space<hbm>> -> memref<1x112xi32, #tpu.memory_space<hbm>>
        %dma_wait3A_493 = tpu.memref_squeeze %dma_wait3A_492 : memref<1x112xi32, #tpu.memory_space<hbm>> -> memref<112xi32, #tpu.memory_space<hbm>>
        %dma_wait3A_494 = arith.constant 0 : i32
        %dma_wait3A_495 = tpu.memref_slice %arg10[%add3A, %dma_wait3A_494] : memref<4x112xi32, #tpu.memory_space<hbm>> -> memref<1x112xi32, #tpu.memory_space<hbm>>
        %dma_wait3A_496 = tpu.memref_squeeze %dma_wait3A_495 : memref<1x112xi32, #tpu.memory_space<hbm>> -> memref<112xi32, #tpu.memory_space<hbm>>
        tpu.wait_dma2 semaphore(%run_scoped3A_486 : memref<!tpu.dma_semaphore, #tpu.memory_space<semaphore_mem>>) src(%arg24 : memref<112xi32, #tpu.memory_space<vmem>>) dst(%dma_wait3A_496 : memref<112xi32, #tpu.memory_space<hbm>>)
        tpu.yield
      }) : () -> ()
      "tpu.region"() ({
        %run_scoped3A_486 = tpu.sem_alloc : memref<!tpu.dma_semaphore, #tpu.memory_space<semaphore_mem>>
        %dma_start3A = arith.constant 0 : i32
        %dma_start3A_487 = tpu.memref_slice %arg11[%add3A, %dma_start3A] : memref<4x16xi32, #tpu.memory_space<hbm>> -> memref<1x16xi32, #tpu.memory_space<hbm>>
        %dma_start3A_488 = tpu.memref_squeeze %dma_start3A_487 : memref<1x16xi32, #tpu.memory_space<hbm>> -> memref<16xi32, #tpu.memory_space<hbm>>
        %dma_start3A_489 = arith.constant 0 : i32
        %dma_start3A_490 = tpu.memref_slice %arg11[%add3A, %dma_start3A_489] : memref<4x16xi32, #tpu.memory_space<hbm>> -> memref<1x16xi32, #tpu.memory_space<hbm>>
        %dma_start3A_491 = tpu.memref_squeeze %dma_start3A_490 : memref<1x16xi32, #tpu.memory_space<hbm>> -> memref<16xi32, #tpu.memory_space<hbm>>
        tpu.enqueue_dma source(%arg26 : memref<16xi32, #tpu.memory_space<vmem>>) target(%dma_start3A_491 : memref<16xi32, #tpu.memory_space<hbm>>) target_semaphore(%run_scoped3A_486 : memref<!tpu.dma_semaphore, #tpu.memory_space<semaphore_mem>>)
        %dma_wait3A = arith.constant 0 : i32
        %dma_wait3A_492 = tpu.memref_slice %arg11[%add3A, %dma_wait3A] : memref<4x16xi32, #tpu.memory_space<hbm>> -> memref<1x16xi32, #tpu.memory_space<hbm>>
        %dma_wait3A_493 = tpu.memref_squeeze %dma_wait3A_492 : memref<1x16xi32, #tpu.memory_space<hbm>> -> memref<16xi32, #tpu.memory_space<hbm>>
        %dma_wait3A_494 = arith.constant 0 : i32
        %dma_wait3A_495 = tpu.memref_slice %arg11[%add3A, %dma_wait3A_494] : memref<4x16xi32, #tpu.memory_space<hbm>> -> memref<1x16xi32, #tpu.memory_space<hbm>>
        %dma_wait3A_496 = tpu.memref_squeeze %dma_wait3A_495 : memref<1x16xi32, #tpu.memory_space<hbm>> -> memref<16xi32, #tpu.memory_space<hbm>>
        tpu.wait_dma2 semaphore(%run_scoped3A_486 : memref<!tpu.dma_semaphore, #tpu.memory_space<semaphore_mem>>) src(%arg26 : memref<16xi32, #tpu.memory_space<vmem>>) dst(%dma_wait3A_496 : memref<16xi32, #tpu.memory_space<hbm>>)
        tpu.yield
      }) : () -> ()
    } else {
    }
    return
  }
}

module attributes {stable_mosaic.version = 14 : i64} {
  func.func @_prep_body(%arg0: i32, %arg1: i32, %arg2: memref<1x4000x80xf32, #tpu.memory_space<vmem>>, %arg3: memref<1x1x1x4000xf32, #tpu.memory_space<vmem>>, %arg4: memref<1x1x1x4000xf32, #tpu.memory_space<vmem>>, %arg5: memref<1x1x1x4000xf32, #tpu.memory_space<vmem>>, %arg6: memref<1x1x1x4000xf32, #tpu.memory_space<vmem>>, %arg7: memref<1x1x1x4000xf32, #tpu.memory_space<vmem>>, %arg8: memref<1x1x1x4000xf32, #tpu.memory_space<vmem>>, %arg9: memref<1x1x1x4000xf32, #tpu.memory_space<vmem>>, %arg10: memref<1x1x1x4000xf32, #tpu.memory_space<vmem>>, %arg11: memref<1x1x1x4000xf32, #tpu.memory_space<vmem>>, %arg12: memref<1x1x1x4000xf32, #tpu.memory_space<vmem>>) attributes {dimension_semantics = [#tpu.dimension_semantics<arbitrary>, #tpu.dimension_semantics<arbitrary>], iteration_bounds = array<i64: 4, 5>, scalar_prefetch = 0 : i64, scratch_operands = 0 : i64, tpu.core_type = #tpu.core_type<tc>, window_params = [{transform_indices = @transform_0, window_bounds = array<i64: 1, 4000, 80>}, {transform_indices = @transform_1, window_bounds = array<i64: 1, 1, 1, 4000>}, {transform_indices = @transform_2, window_bounds = array<i64: 1, 1, 1, 4000>}, {transform_indices = @transform_3, window_bounds = array<i64: 1, 1, 1, 4000>}, {transform_indices = @transform_4, window_bounds = array<i64: 1, 1, 1, 4000>}, {transform_indices = @transform_5, window_bounds = array<i64: 1, 1, 1, 4000>}, {transform_indices = @transform_6, window_bounds = array<i64: 1, 1, 1, 4000>}, {transform_indices = @transform_7, window_bounds = array<i64: 1, 1, 1, 4000>}, {transform_indices = @transform_8, window_bounds = array<i64: 1, 1, 1, 4000>}, {transform_indices = @transform_9, window_bounds = array<i64: 1, 1, 1, 4000>}, {transform_indices = @transform_10, window_bounds = array<i64: 1, 1, 1, 4000>}]} {
    %get3A = arith.constant 0 : index
    %get3A_0 = arith.constant 0 : index
    %get3A_1 = arith.constant 0 : index
    %get3A_2 = vector.load %arg2[%get3A, %get3A_0, %get3A_1] : memref<1x4000x80xf32, #tpu.memory_space<vmem>>, vector<1x4000x80xf32>
    %get3A_3 = vector.shape_cast %get3A_2 : vector<1x4000x80xf32> to vector<4000x80xf32>
    %reduce_max3A = arith.constant dense<0xFF800000> : vector<4000xf32>
    %reduce_max3A_4 = vector.multi_reduction <maximumf>, %get3A_3, %reduce_max3A [1] : vector<4000x80xf32> to vector<4000xf32>
    %get3A_5 = arith.constant 0 : index
    %get3A_6 = arith.constant 0 : index
    %get3A_7 = arith.constant 0 : index
    %get3A_8 = arith.constant 0 : index
    %get3A_9 = vector.load %arg3[%get3A_5, %get3A_6, %get3A_7, %get3A_8] : memref<1x1x1x4000xf32, #tpu.memory_space<vmem>>, vector<1x1x1x4000xf32>
    %get3A_10 = vector.shape_cast %get3A_9 : vector<1x1x1x4000xf32> to vector<4000xf32>
    %ge3A = arith.constant 5.000000e-01 : f32
    %ge3A_11 = vector.broadcast %ge3A : f32 to vector<4000xf32>
    %ge3A_12 = arith.cmpf oge, %get3A_10, %ge3A_11 : vector<4000xf32>
    %jit3A = arith.constant 0xFF800000 : f32
    %broadcast_in_dim3A = vector.broadcast %jit3A : f32 to vector<4000xf32>
    %select_n3A = arith.select %ge3A_12, %reduce_max3A_4, %broadcast_in_dim3A : vector<4000xi1>, vector<4000xf32>
    %get3A_13 = arith.constant 0 : index
    %get3A_14 = arith.constant 0 : index
    %get3A_15 = arith.constant 0 : index
    %get3A_16 = arith.constant 0 : index
    %get3A_17 = vector.load %arg4[%get3A_13, %get3A_14, %get3A_15, %get3A_16] : memref<1x1x1x4000xf32, #tpu.memory_space<vmem>>, vector<1x1x1x4000xf32>
    %get3A_18 = vector.shape_cast %get3A_17 : vector<1x1x1x4000xf32> to vector<4000xf32>
    %get3A_19 = arith.constant 0 : index
    %get3A_20 = arith.constant 0 : index
    %get3A_21 = arith.constant 0 : index
    %get3A_22 = arith.constant 0 : index
    %get3A_23 = vector.load %arg5[%get3A_19, %get3A_20, %get3A_21, %get3A_22] : memref<1x1x1x4000xf32, #tpu.memory_space<vmem>>, vector<1x1x1x4000xf32>
    %get3A_24 = vector.shape_cast %get3A_23 : vector<1x1x1x4000xf32> to vector<4000xf32>
    %get3A_25 = arith.constant 0 : index
    %get3A_26 = arith.constant 0 : index
    %get3A_27 = arith.constant 0 : index
    %get3A_28 = arith.constant 0 : index
    %get3A_29 = vector.load %arg6[%get3A_25, %get3A_26, %get3A_27, %get3A_28] : memref<1x1x1x4000xf32, #tpu.memory_space<vmem>>, vector<1x1x1x4000xf32>
    %get3A_30 = vector.shape_cast %get3A_29 : vector<1x1x1x4000xf32> to vector<4000xf32>
    %div3A = arith.constant 2.000000e+00 : f32
    %div3A_31 = vector.broadcast %div3A : f32 to vector<4000xf32>
    %div3A_32 = arith.divf %get3A_30, %div3A_31 : vector<4000xf32>
    %get3A_33 = arith.constant 0 : index
    %get3A_34 = arith.constant 0 : index
    %get3A_35 = arith.constant 0 : index
    %get3A_36 = arith.constant 0 : index
    %get3A_37 = vector.load %arg7[%get3A_33, %get3A_34, %get3A_35, %get3A_36] : memref<1x1x1x4000xf32, #tpu.memory_space<vmem>>, vector<1x1x1x4000xf32>
    %get3A_38 = vector.shape_cast %get3A_37 : vector<1x1x1x4000xf32> to vector<4000xf32>
    %div3A_39 = arith.constant 2.000000e+00 : f32
    %div3A_40 = vector.broadcast %div3A_39 : f32 to vector<4000xf32>
    %div3A_41 = arith.divf %get3A_38, %div3A_40 : vector<4000xf32>
    %add3A = arith.addf %div3A_32, %get3A_18 : vector<4000xf32>
    %add3A_42 = arith.addf %div3A_41, %get3A_24 : vector<4000xf32>
    %div3A_43 = arith.constant 2.000000e+00 : f32
    %div3A_44 = vector.broadcast %div3A_43 : f32 to vector<4000xf32>
    %div3A_45 = arith.divf %add3A, %div3A_44 : vector<4000xf32>
    %sub3A = arith.subf %get3A_18, %div3A_45 : vector<4000xf32>
    %div3A_46 = arith.constant 2.000000e+00 : f32
    %div3A_47 = vector.broadcast %div3A_46 : f32 to vector<4000xf32>
    %div3A_48 = arith.divf %add3A_42, %div3A_47 : vector<4000xf32>
    %sub3A_49 = arith.subf %get3A_24, %div3A_48 : vector<4000xf32>
    %swap3A = arith.constant 0 : index
    %swap3A_50 = arith.constant 0 : index
    %swap3A_51 = arith.constant 0 : index
    %swap3A_52 = arith.constant 0 : index
    %swap3A_53 = vector.load %arg8[%swap3A, %swap3A_50, %swap3A_51, %swap3A_52] : memref<1x1x1x4000xf32, #tpu.memory_space<vmem>>, vector<1x1x1x4000xf32>
    %swap3A_54 = vector.shape_cast %swap3A_53 : vector<1x1x1x4000xf32> to vector<4000xf32>
    %swap3A_55 = vector.shape_cast %select_n3A : vector<4000xf32> to vector<1x1x1x4000xf32>
    tpu.vector_store %arg8[%swap3A, %swap3A_50, %swap3A_51, %swap3A_52], %swap3A_55 {strides = array<i32>} : memref<1x1x1x4000xf32, #tpu.memory_space<vmem>>, vector<1x1x1x4000xf32>,
    %jit3A_56 = arith.constant 0.000000e+00 : f32
    %jit3A_57 = arith.constant 1.000000e+00 : f32
    %max3A = vector.broadcast %jit3A_56 : f32 to vector<4000xf32>
    %max3A_58 = arith.maximumf %max3A, %sub3A : vector<4000xf32>
    %min3A = vector.broadcast %jit3A_57 : f32 to vector<4000xf32>
    %min3A_59 = arith.minimumf %min3A, %max3A_58 : vector<4000xf32>
    %swap3A_60 = arith.constant 0 : index
    %swap3A_61 = arith.constant 0 : index
    %swap3A_62 = arith.constant 0 : index
    %swap3A_63 = arith.constant 0 : index
    %swap3A_64 = vector.load %arg9[%swap3A_60, %swap3A_61, %swap3A_62, %swap3A_63] : memref<1x1x1x4000xf32, #tpu.memory_space<vmem>>, vector<1x1x1x4000xf32>
    %swap3A_65 = vector.shape_cast %swap3A_64 : vector<1x1x1x4000xf32> to vector<4000xf32>
    %swap3A_66 = vector.shape_cast %min3A_59 : vector<4000xf32> to vector<1x1x1x4000xf32>
    tpu.vector_store %arg9[%swap3A_60, %swap3A_61, %swap3A_62, %swap3A_63], %swap3A_66 {strides = array<i32>} : memref<1x1x1x4000xf32, #tpu.memory_space<vmem>>, vector<1x1x1x4000xf32>,
    %jit3A_67 = arith.constant 0.000000e+00 : f32
    %jit3A_68 = arith.constant 1.000000e+00 : f32
    %max3A_69 = vector.broadcast %jit3A_67 : f32 to vector<4000xf32>
    %max3A_70 = arith.maximumf %max3A_69, %sub3A_49 : vector<4000xf32>
    %min3A_71 = vector.broadcast %jit3A_68 : f32 to vector<4000xf32>
    %min3A_72 = arith.minimumf %min3A_71, %max3A_70 : vector<4000xf32>
    %swap3A_73 = arith.constant 0 : index
    %swap3A_74 = arith.constant 0 : index
    %swap3A_75 = arith.constant 0 : index
    %swap3A_76 = arith.constant 0 : index
    %swap3A_77 = vector.load %arg10[%swap3A_73, %swap3A_74, %swap3A_75, %swap3A_76] : memref<1x1x1x4000xf32, #tpu.memory_space<vmem>>, vector<1x1x1x4000xf32>
    %swap3A_78 = vector.shape_cast %swap3A_77 : vector<1x1x1x4000xf32> to vector<4000xf32>
    %swap3A_79 = vector.shape_cast %min3A_72 : vector<4000xf32> to vector<1x1x1x4000xf32>
    tpu.vector_store %arg10[%swap3A_73, %swap3A_74, %swap3A_75, %swap3A_76], %swap3A_79 {strides = array<i32>} : memref<1x1x1x4000xf32, #tpu.memory_space<vmem>>, vector<1x1x1x4000xf32>,
    %jit3A_80 = arith.constant 0.000000e+00 : f32
    %jit3A_81 = arith.constant 1.000000e+00 : f32
    %max3A_82 = vector.broadcast %jit3A_80 : f32 to vector<4000xf32>
    %max3A_83 = arith.maximumf %max3A_82, %add3A : vector<4000xf32>
    %min3A_84 = vector.broadcast %jit3A_81 : f32 to vector<4000xf32>
    %min3A_85 = arith.minimumf %min3A_84, %max3A_83 : vector<4000xf32>
    %swap3A_86 = arith.constant 0 : index
    %swap3A_87 = arith.constant 0 : index
    %swap3A_88 = arith.constant 0 : index
    %swap3A_89 = arith.constant 0 : index
    %swap3A_90 = vector.load %arg11[%swap3A_86, %swap3A_87, %swap3A_88, %swap3A_89] : memref<1x1x1x4000xf32, #tpu.memory_space<vmem>>, vector<1x1x1x4000xf32>
    %swap3A_91 = vector.shape_cast %swap3A_90 : vector<1x1x1x4000xf32> to vector<4000xf32>
    %swap3A_92 = vector.shape_cast %min3A_85 : vector<4000xf32> to vector<1x1x1x4000xf32>
    tpu.vector_store %arg11[%swap3A_86, %swap3A_87, %swap3A_88, %swap3A_89], %swap3A_92 {strides = array<i32>} : memref<1x1x1x4000xf32, #tpu.memory_space<vmem>>, vector<1x1x1x4000xf32>,
    %jit3A_93 = arith.constant 0.000000e+00 : f32
    %jit3A_94 = arith.constant 1.000000e+00 : f32
    %max3A_95 = vector.broadcast %jit3A_93 : f32 to vector<4000xf32>
    %max3A_96 = arith.maximumf %max3A_95, %add3A_42 : vector<4000xf32>
    %min3A_97 = vector.broadcast %jit3A_94 : f32 to vector<4000xf32>
    %min3A_98 = arith.minimumf %min3A_97, %max3A_96 : vector<4000xf32>
    %swap3A_99 = arith.constant 0 : index
    %swap3A_100 = arith.constant 0 : index
    %swap3A_101 = arith.constant 0 : index
    %swap3A_102 = arith.constant 0 : index
    %swap3A_103 = vector.load %arg12[%swap3A_99, %swap3A_100, %swap3A_101, %swap3A_102] : memref<1x1x1x4000xf32, #tpu.memory_space<vmem>>, vector<1x1x1x4000xf32>
    %swap3A_104 = vector.shape_cast %swap3A_103 : vector<1x1x1x4000xf32> to vector<4000xf32>
    %swap3A_105 = vector.shape_cast %min3A_98 : vector<4000xf32> to vector<1x1x1x4000xf32>
    tpu.vector_store %arg12[%swap3A_99, %swap3A_100, %swap3A_101, %swap3A_102], %swap3A_105 {strides = array<i32>} : memref<1x1x1x4000xf32, #tpu.memory_space<vmem>>, vector<1x1x1x4000xf32>,
    return
  }
  func.func @transform_0(%arg0: i32, %arg1: i32) -> (i32, i32, i32) {
    %c0_i32 = arith.constant 0 : i32
    %c0_i32_0 = arith.constant 0 : i32
    return %arg0, %arg1, %c0_i32 : i32, i32, i32
  }
  func.func @transform_1(%arg0: i32, %arg1: i32) -> (i32, i32, i32, i32) {
    %c0_i32 = arith.constant 0 : i32
    %c0_i32_0 = arith.constant 0 : i32
    %c0_i32_1 = arith.constant 0 : i32
    return %arg0, %arg1, %c0_i32, %c0_i32_0 : i32, i32, i32, i32
  }
  func.func @transform_2(%arg0: i32, %arg1: i32) -> (i32, i32, i32, i32) {
    %c0_i32 = arith.constant 0 : i32
    %c0_i32_0 = arith.constant 0 : i32
    %c0_i32_1 = arith.constant 0 : i32
    return %arg0, %arg1, %c0_i32, %c0_i32_0 : i32, i32, i32, i32
  }
  func.func @transform_3(%arg0: i32, %arg1: i32) -> (i32, i32, i32, i32) {
    %c0_i32 = arith.constant 0 : i32
    %c0_i32_0 = arith.constant 0 : i32
    %c0_i32_1 = arith.constant 0 : i32
    return %arg0, %arg1, %c0_i32, %c0_i32_0 : i32, i32, i32, i32
  }
  func.func @transform_4(%arg0: i32, %arg1: i32) -> (i32, i32, i32, i32) {
    %c0_i32 = arith.constant 0 : i32
    %c0_i32_0 = arith.constant 0 : i32
    %c0_i32_1 = arith.constant 0 : i32
    return %arg0, %arg1, %c0_i32, %c0_i32_0 : i32, i32, i32, i32
  }
  func.func @transform_5(%arg0: i32, %arg1: i32) -> (i32, i32, i32, i32) {
    %c0_i32 = arith.constant 0 : i32
    %c0_i32_0 = arith.constant 0 : i32
    %c0_i32_1 = arith.constant 0 : i32
    return %arg0, %arg1, %c0_i32, %c0_i32_0 : i32, i32, i32, i32
  }
  func.func @transform_6(%arg0: i32, %arg1: i32) -> (i32, i32, i32, i32) {
    %c0_i32 = arith.constant 0 : i32
    %c0_i32_0 = arith.constant 0 : i32
    %c0_i32_1 = arith.constant 0 : i32
    return %arg0, %arg1, %c0_i32, %c0_i32_0 : i32, i32, i32, i32
  }
  func.func @transform_7(%arg0: i32, %arg1: i32) -> (i32, i32, i32, i32) {
    %c0_i32 = arith.constant 0 : i32
    %c0_i32_0 = arith.constant 0 : i32
    %c0_i32_1 = arith.constant 0 : i32
    return %arg0, %arg1, %c0_i32, %c0_i32_0 : i32, i32, i32, i32
  }
  func.func @transform_8(%arg0: i32, %arg1: i32) -> (i32, i32, i32, i32) {
    %c0_i32 = arith.constant 0 : i32
    %c0_i32_0 = arith.constant 0 : i32
    %c0_i32_1 = arith.constant 0 : i32
    return %arg0, %arg1, %c0_i32, %c0_i32_0 : i32, i32, i32, i32
  }
  func.func @transform_9(%arg0: i32, %arg1: i32) -> (i32, i32, i32, i32) {
    %c0_i32 = arith.constant 0 : i32
    %c0_i32_0 = arith.constant 0 : i32
    %c0_i32_1 = arith.constant 0 : i32
    return %arg0, %arg1, %c0_i32, %c0_i32_0 : i32, i32, i32, i32
  }
  func.func @transform_10(%arg0: i32, %arg1: i32) -> (i32, i32, i32, i32) {
    %c0_i32 = arith.constant 0 : i32
    %c0_i32_0 = arith.constant 0 : i32
    %c0_i32_1 = arith.constant 0 : i32
    return %arg0, %arg1, %c0_i32, %c0_i32_0 : i32, i32, i32, i32
  }
}

</mosaic_0001>

<sc_bundles>
// kernel: kernel.4.cloned.1.call-start
scs
__scs_entry_jumppad:
0x0: {  	(pc) =	sbr.rel $0x88, $3  }
0x1: {  	(tag) =	ssettag $0x0;
	lr =	simm.s32 $0x1  }
0x2: {  	[smem:$0x3F9E] =	sst lr;
	_ =	strace $0xD0000000  }
0x3: {  	_ = 	snop  }
0x4: {  	_ = 	snop  }
0x5: {  	_ = 	snop  }
0x6: {  	_ = 	snop  }
0x7: {  	_ = 	snop  }
__scs_overlays_trampoline_lowered:
0x8: {  	[smem:$0x3FAD] =	sst s0  }
0x9: {  	[smem:$0x3FAE] =	sst s1  }
0xa: {  	[smem:$0x3FAF] =	sst s2  }
0xb: {  	[smem:$0x3FB0] =	sst s3  }
0xc: {  	[smem:$0x3FB1] =	sst s4  }
0xd: {  	[smem:$0x3FB2] =	sst s5  }
0xe: {  	[smem:$0x3FB3] =	sst s6  }
0xf: {  	[smem:$0x3FB4] =	sst s7  }
0x10: {  	[smem:$0x3FB5] =	sst s8  }
0x11: {  	[smem:$0x3FB6] =	sst s9;
	s0 =	simm.s32 @!p0 $0x0  }
0x12: {  	s1 =	sld [smem:$0x3F9C];
	s0 =	simm.s32 @p0 $0x1  }
0x13: {  	[smem:$0x3FB7] =	sst s0;
	s0 =	simm.s32 @!p1 $0x0  }
0x14: {  	s2 =	sld [smem:$0x3F9B];
	s0 =	simm.s32 @p1 $0x1  }
0x15: {  	[smem:$0x3FB8] =	sst s0;
	s0 =	simm.s32 @!p2 $0x0  }
0x16: {  	s3 =	sld [smem:$0x3FDB];
	s0 =	simm.s32 @p2 $0x1  }
0x17: {  	s4 =	simm.s32 $0x1BF5;
	[smem:$0x3FBA] =	sst s0  }
0x18: {  	s0 =	sld [smem:$0x3F9D];
	_ =	swait.ge [sflag:s4], $0x0  }
0x19: {  	s7 =	sld [smem:$0x3F9E]  }
0x1a: {  	s8 =	sadd.s32 $0xFFFFE003, lr  }
0x1b: {  	s9 =	sadd.s32 $0xFFFFFEF7, lr;
	s5 =	simm.s32 $0xFFFFFFFF;
	p2 =	slt.u32 s8, $0xFFFFF086  }
0x1c: {  	p1 =	slt.u32 s9, $0xF7A;
	s5 =	simm.s32 @!p2 $0x0  }
0x1d: {  	s5 =	simm.s32 @p1 $0x1;
	p0 =	seq.s32 s7, s2  }
0x1e: {  	s7 =	smul.u32 @!p0 $0xF7A, s2;
	p2 =	seq.s32 @!p0 s5, $0x0  }
0x1f: {  	s9 =	smul.u32 $0xF7A, s1;
	s8 =	simm.s32 @!p0 $0x1BF5;
	p2 =	por !p2, p0  }
0x20: {  	[sflag:s8] =	ssyncset.s32 @!p0 $0xFFFFF086;
	s6 =	sadd.s32 @!p0 s3, s7;
	s7 =	simm.s32 @!p0 $0x108  }
0x21: {  	s3 =	sadd.s32 s3, s9;
	s6 =	sadd.s32 @!p0 $0x88, s6;
	s7 =	simm.s32 @p2 $0x1082  }
0x22: {  	[simem:s7], [sflag:s8] =	dma.local @!p0 [hbm:s6], $0xF7A  }
0x23: {  	s9 =	sor.u32 $0xD0000000, s2;
	s6 =	simm.s32 $0x108;
	_ =	swait.ge @!p0 [sflag:s8], $0x0  }
0x24: {  	s3 =	sadd.s32 $0x88, s3;
	s6 =	simm.s32 @!p1 $0x1082;
	[sflag:s4] =	ssyncset.s32 $0xFFFFF086  }
0x25: {  	[simem:s6], [sflag:s4] =	dma.local [hbm:s3], $0xF7A  }
0x26: {  	[smem:$0x3F9E] =	sst s1;
	(tag) =	ssettag s2;
	_ =	strace s9  }
0x27: {  	s1 =	sld [smem:$0x3FAE]  }
0x28: {  	s2 =	sld [smem:$0x3FAF]  }
0x29: {  	s4 =	sld [smem:$0x3FB1]  }
0x2a: {  	p0 =	seq.s32 s5, $0x0;
	s5 =	sld [smem:$0x3FB2]  }
0x2b: {  	s6 =	sld [smem:$0x3FB3]  }
0x2c: {  	s7 =	sld [smem:$0x3FB4]  }
0x2d: {  	s3 =	simm.s32 $0x108;
	s8 =	sld [smem:$0x3FB5]  }
0x2e: {  	s3 =	simm.s32 @!p0 $0x1082;
	s9 =	sld [smem:$0x3FB6]  }
0x2f: {  	lr =	sadd.s32 s0, s3;
	s0 =	sld [smem:$0x3FAD]  }
0x30: {  	s3 =	sld [smem:$0x3FB0]  }
0x31: {  	[smem:$0x3FB9] =	sst s10  }
0x32: {  	s10 =	sld [smem:$0x3FB7];
	_ =	sdelay $0x3  }
0x33: {  	p0 =	seq.s32 s10, $0x1;
	s10 =	sld [smem:$0x3FB9];
	_ =	sdelay $0x3  }
0x34: {  	[smem:$0x3FB9] =	sst s10  }
0x35: {  	s10 =	sld [smem:$0x3FB8];
	_ =	sdelay $0x3  }
0x36: {  	p1 =	seq.s32 s10, $0x1;
	s10 =	sld [smem:$0x3FB9];
	_ =	sdelay $0x3  }
0x37: {  	[smem:$0x3FB9] =	sst s10  }
0x38: {  	s10 =	sld [smem:$0x3FBA]  }
0x39: {  	_ = 	snop;
	(pc) =	sbr.ind lr, $3  }
0x3a: {  	_ = 	snop  }
0x3b: {  	_ = 	snop  }
0x3c: {  	p2 =	seq.s32 s10, $0x1;
	s10 =	sld [smem:$0x3FB9]  }
0x3d: {  	_ =	shalt  }
0x3e: {  	_ =	shalt  }
0x3f: {  	_ =	shalt  }
0x40: {  	_ =	shalt  }
0x41: {  	_ =	shalt  }
0x42: {  	_ =	shalt  }
0x43: {  	_ =	shalt  }
0x44: {  	_ =	shalt  }
0x45: {  	_ =	shalt  }
0x46: {  	_ =	shalt  }
0x47: {  	_ =	shalt  }
0x48: {  	_ =	shalt  }
0x49: {  	_ =	shalt  }
0x4a: {  	_ =	shalt  }
0x4b: {  	_ =	shalt  }
0x4c: {  	_ =	shalt  }
0x4d: {  	_ =	shalt  }
0x4e: {  	_ =	shalt  }
0x4f: {  	_ =	shalt  }
0x50: {  	_ =	shalt  }
0x51: {  	_ =	shalt  }
0x52: {  	_ =	shalt  }
0x53: {  	_ =	shalt  }
0x54: {  	_ =	shalt  }
0x55: {  	_ =	shalt  }
0x56: {  	_ =	shalt  }
0x57: {  	_ =	shalt  }
0x58: {  	_ =	shalt  }
0x59: {  	_ =	shalt  }
0x5a: {  	_ =	shalt  }
0x5b: {  	_ =	shalt  }
0x5c: {  	_ =	shalt  }
0x5d: {  	_ =	shalt  }
0x5e: {  	_ =	shalt  }
0x5f: {  	_ =	shalt  }
0x60: {  	_ =	shalt  }
0x61: {  	_ =	shalt  }
0x62: {  	_ =	shalt  }
0x63: {  	_ =	shalt  }
0x64: {  	_ =	shalt  }
0x65: {  	_ =	shalt  }
0x66: {  	_ =	shalt  }
0x67: {  	_ =	shalt  }
0x68: {  	_ =	shalt  }
0x69: {  	_ =	shalt  }
0x6a: {  	_ =	shalt  }
0x6b: {  	_ =	shalt  }
0x6c: {  	_ =	shalt  }
0x6d: {  	_ =	shalt  }
0x6e: {  	_ =	shalt  }
0x6f: {  	_ =	shalt  }
0x70: {  	_ =	shalt  }
0x71: {  	_ =	shalt  }
0x72: {  	_ =	shalt  }
0x73: {  	_ =	shalt  }
0x74: {  	_ =	shalt  }
0x75: {  	_ =	shalt  }
0x76: {  	_ =	shalt  }
0x77: {  	_ =	shalt  }
0x78: {  	_ =	shalt  }
0x79: {  	_ =	shalt  }
0x7a: {  	_ =	shalt  }
0x7b: {  	_ =	shalt  }
0x7c: {  	_ =	shalt  }
0x7d: {  	_ =	shalt  }
0x7e: {  	_ =	shalt  }
0x7f: {  	_ =	shalt  }
0x80: {  	_ =	shalt  }
0x81: {  	_ =	shalt  }
0x82: {  	_ =	shalt  }
0x83: {  	_ =	shalt  }
0x84: {  	_ =	shalt  }
0x85: {  	_ =	shalt  }
0x86: {  	_ =	shalt  }
0x87: {  	_ =	shalt  }
.Lfunc_end0:
.L_simem_size_0:
called_computation_lowered:
.L_overlay_start_0:
0x88: {  	s2 =	sld [smem:$0x3FD9]  }
0x89: {  	s3 =	sld [smem:$0x3FFE];
	_ =	sdelay $0x1  }
0x8a: {  	s1 =	srdreg.scid  }
0x8b: {  	s0 =	sand.u32 $0x1, s1  }
0x8c: {  	s14 =	sshll.u32 s0, $0xA;
	s2 =	sadd.s32 s3, s2  }
0x8d: {  	s2 =	sadd.s32 s2, s14  }
0x8e: {  	[smem:$0x3FC5] =	sst s2  }
0x8f: {  	_ = 	snop  }
0x90: {  	s2 =	sld [smem:$0x3FD0];
	_ =	sdelay $0x2  }
0x91: {  	s15 =	simm.s32 $0xA;
	s4 =	simm.s32 $0x10  }
0x92: {  	[smem:s4], [sflag:s15] =	dma.local [hbm:s2], $0x1  }
0x93: {  	_ =	swait.eq [sflag:s15], $0x1  }
0x94: {  	s16 =	sld [smem:$0x10];
	[sflag:s15] =	ssyncset.done $0x0  }
0x95: {  	s17 =	sld [smem:$0x11];
	[sflag:s15] =	ssyncadd.s32 $0xFFFFFFFF  }
0x96: {  	s18 =	sld [smem:$0x12];
	(tm) =	ssettm $0x1  }
0x97: {  	s5 =	sld [smem:$0x3FFB];
	_ =	sdelay $0x3  }
0x98: {  	_ =	strace s5  }
0x99: {  	s5 =	sld [smem:$0x3FFC];
	_ =	sdelay $0x3  }
0x9a: {  	_ =	strace s5  }
0x9b: {  	s5 =	sld [smem:$0x3FFD];
	_ =	sdelay $0x3  }
0x9c: {  	_ =	strace s5  }
0x9d: {  	_ =	strace $0x8FFFFFFF  }
0x9e: {  	s19 =	sld [smem:$0x3FDB];
	_ =	sdelay $0x1  }
0x9f: {  	s6 =	simm.s32 $_scs_section_size  }
0xa0: {  	s7 =	simm.s32 $_size__tile_overlayer_lowered;
	s8 =	simm.s32 $_tile_overlayer_lowered  }
0xa1: {  	s22 =	simm.s32 $0x1BFF;
	s21 =	sshll.u32 s8, $0x1;
	s5 =	sadd.s32 s6, s19  }
0xa2: {  	s9 =	simm.s32 $0x0;
	s20 =	sshll.u32 s7, $0x1;
	s7 =	sadd.s32 s21, s5  }
0xa3: {  	[timem:s9], [sflag:s22] =	dma.local [hbm:s7], s20  }
0xa4: {  	_ =	swait.ge [sflag:s22], s20  }
0xa5: {  	s6 =	ssub.s32 $0x0, s20;
	[sflag:s22] =	ssyncset.done $0x0  }
0xa6: {  	[sflag:s22] =	ssyncadd.s32 s6;
	_ =	sdelay $0x1  }
0xa7: {  	s23 =	simm.s32 $0x1B8B  }
0xa8: {  	_ =	swait.ge [sflag:s23], $0x1  }
0xa9: {  	[sflag:s23] =	ssyncset.done $0x0  }
0xaa: {  	s25 =	simm.s32 $0x1B8E;
	s24 =	sld [smem:$0x3FFE];
	[sflag:s23] =	ssyncadd.s32 $0xFFFFFFFF  }
0xab: {  	s26 =	simm.s32 $execute0_lowered;
	[smem:$0x3FD2] =	sst s25  }
0xac: {  	s7 =	sshll.u32 s26, $0x1;
	_ =	strace $0x80000046;
	[dreg:$0x1] =	wrdreg $0xFFFFFFFF  }
0xad: {  	s28 =	simm.s32 $_size_execute0_lowered;
	s5 =	sadd.s32 s5, s7;
	[dreg:$0x0] =	wrdreg $0x0  }
0xae: {  	s7 =	sshll.u32 s28, $0x1;
	[dreg:$0x2] =	wrdreg s5  }
0xaf: {  	[dreg:$0x3] =	wrdreg s7  }
0xb0: {  	[dreg:$0x4] =	wrdreg $0xC0  }
0xb1: {  	_ =	task [dreg:s9], $0x5FFFF  }
0xb2: {  	[dreg:$0x1] =	wrdreg $0xFFFFFFFF  }
0xb3: {  	[dreg:$0x0] =	wrdreg $0x60  }
0xb4: {  	[dreg:$0x2] =	wrdreg s24  }
0xb5: {  	[dreg:$0x3] =	wrdreg s16  }
0xb6: {  	[dreg:$0x4] =	wrdreg s17  }
0xb7: {  	[dreg:$0x5] =	wrdreg s18  }
0xb8: {  	[dreg:$0x6] =	wrdreg $0x9  }
0xb9: {  	_ =	task.clear_ibuf [dreg:s9], $0x7FFFF;
	_ =	strace $0x90000046  }
0xba: {  	s29 =	simm.s32 $0x9;
	_ =	strace $0x80000048  }
0xbb: {  	_ =	swait.ge [sflag:s29], $0x1  }
0xbc: {  	[sflag:s29] =	ssyncadd.s32 $0xFFFFFFFF  }
0xbd: {  	_ =	strace $0x90000048  }
0xbe: {  	_ =	sfence  }
0xbf: {  	s30 =	sld [smem:$0x0];
	_ =	sdelay $0x2  }
0xc0: {  	s31 =	sshll.u32 s1, $0xD;
	s1 =	sshrl.u32 s1, $0x2  }
0xc1: {  	s3 =	sand.u32 $0x4000, s31;
	s1 =	sadd.s32 s1, s30  }
0xc2: {  	s0 =	sor.u32 s3, s0;
	s1 =	sshll.u32 s1, $0x11  }
0xc3: {  	s0 =	sor.u32 s1, s0  }
0xc4: {  	s0 =	sadd.s32 $0x8F2B, s0  }
0xc5: {  	[sflag:s0] =	ssyncadd.remote.s32 $0x1  }
0xc6: {  	_ =	sfence.sel $0xFFFF  }
0xc7: {  	[dreg:$0x0] =	wrdreg $0xFFFFFFFF;
	(pc) =	sbr.abs _section_cstart, $3  }
0xc8: {  	[dreg:$0x1] =	wrdreg $0xFFFFFFFF  }
0xc9: {  	_ =	task.clear_ibuf [dreg:s9], $0x2FFFF;
	_ =	strace $0x9FFFFFFF  }
0xca: {  	(tm) =	ssettm $0x7FFFFFFF  }
0xcb: {  	_ =	shalt  }
tec
execute0_lowered:
.L_overlay_start_1:
0x0: {  	(tag) =	ssettag $0x1  }
0x1: {  	s5 =	stileid.u32  }
0x2: {  	p0 =	sgt.u32 s5, $0x1  }
.Ltmp0:
0x3: {  	s1 =	rddreg [dreg:$0x0];
	(pc) =	sbr.rel @p0 .LBB2_23-.Ltmp0, $4  }
0x4: {  	s4 =	rddreg [dreg:$0x1]  }
0x5: {  	s0 =	rddreg [dreg:$0x2];
	s3 =	simm.s32 $0x0  }
0x6: {  	[smem:$0x7FF] =	sst s3  }
0x7: {  	s2 =	rddreg [dreg:$0x3];
	_ =	strace $0x80000047  }
0x8: {  	s5 =	srdreg.scid;
	s6 =	stileid.u32  }
0x9: {  	s5 =	sand.u32 $0x1, s5;
	s6 =	sshll.u32 s6, $0x1  }
0xa: {  	s11 =	sadd.s32 $0x138800, s1;
	s29 =	simm.s32 $0x80;
	s6 =	sor.u32 s5, s6  }
0xb: {  	s30 =	simm.s32 $0x2;
	s31 =	simm.s32 $0x18B80;
	s8 =	sshll.u32 s6, $0x4  }
0xc: {  	s22 =	ssub.s32 $0x2, s5;
	s16 =	sshll.u32 s6, $0x6;
	s0 =	sadd.s32 s0, s8  }
0xd: {  	s24 =	sshrl.u32 s22, $0x1;
	s23 =	sadd.s32 s2, s8;
	[dreg:$0xc] =	wrdreg s0  }
0xe: {  	s10 =	sadd.s32 s8, s1;
	s26 =	sadd.s32 s11, s8;
	[dreg:$0xd] =	wrdreg s23  }
0xf: {  	s2 =	simm.s32 $0x0;
	s7 =	sadd.s32 $0x13B000, s10;
	[dreg:$0xf] =	wrdreg s26  }
0x10: {  	s9 =	sadd.s32 $0x13D800, s10;
	s17 =	sadd.s32 $0x140000, s10;
	[dreg:$0x5] =	wrdreg s7  }
0x11: {  	s18 =	sadd.s32 $0x142800, s10;
	s25 =	sadd.s32 $0x145000, s10;
	[dreg:$0x6] =	wrdreg s9  }
0x12: {  	s0 =	ssub.s32 s22, s24;
	s22 =	simm.s32 $0x18900;
	[dreg:$0x7] =	wrdreg s17  }
0x13: {  	v0 =	vimm.f32 $2.000000000e+00;
	v1 =	vimm.f32 $0.0e+00;
	v2 =	vlaneseq.u32;
	s23 =	simm.s32 $0x18980;
	s24 =	simm.s32 $0x18A00;
	[dreg:$0x8] =	wrdreg s18  }
0x14: {  	v3 =	vimm.s32 $0x0;
	v4 =	vimm.f32 $-Inf;
	vm0 =	vmxor vm0, vm0;
	s7 =	sadd.s32 s4, s16;
	s9 =	smul.u32 $0x4E20, s6;
	[dreg:$0xe] =	wrdreg s25  }
0x15: {  	v5 =	vor.u32 $0x20, v2;
	v6 =	vor.u32 $0x30, v2;
	v7 =	vor.u32 $0x40, v2;
	s16 =	simm.s32 $0x200;
	s17 =	simm.s32 $0x4E80;
	s19 =	sadd.s32 $0x10, s7  }
0x16: {  	v8 =	vor.u32 $0x50, v2;
	v11 =	vor.u32 $0x80000010, v2;
	v12 =	vor.u32 $0x80000020, v2;
	s18 =	simm.s32 $0x9D00;
	s20 =	sadd.s32 $0x20, s7;
	[dreg:$0x9] =	wrdreg s19  }
0x17: {  	v9 =	vor.u32 $0x10, v2;
	v13 =	vor.u32 $0x80000030, v2;
	v14 =	vor.u32 $0x80000040, v2;
	s25 =	simm.s32 $0x18A80;
	s21 =	sadd.s32 $0x30, s7;
	[dreg:$0xa] =	wrdreg s20  }
0x18: {  	v10 =	vor.u32 $0x80000000, v2;
	v16 =	vor.u32 $0x80000050, v2;
	v17 =	vor.u32 $0x80000060, v2;
	s28 =	smax.u32 s0, $0x1;
	s0 =	simm.s32 $0x18B00;
	[dreg:$0xb] =	wrdreg s21  }
0x19: {  	vm1 =	vmmov $0x1;
	v15 =	vor.u32 $0x60, v2;
	v18 =	vor.u32 $0x80000070, v2;
	s19 =	simm.s32 $0xEB80;
	s20 =	simm.s32 $0x13A00;
	s21 =	simm.s32 $0x18880  }
.LBB2_2:
0x1a: {  	s4 =	simm.s32 $0x0;
	s5 =	rddreg [dreg:$0xf]  }
0x1b: {  	[tilespmem:s4], [sflag:$0x2] =	stream.strided.gather [hbm4b:s5+s29], $0x4E80, s16, s29, $0x38;
	[tilespmem:$0x1C500] =	vst v63  }
0x1c: {  	_ =	swait.ge [sflag:s30], $0x4E80  }
0x1d: {  	[sflag:s30] =	ssyncset.done $0x0  }
0x1e: {  	s12 =	rddreg [dreg:$0x5];
	[sflag:s30] =	ssyncadd.s32 $0xFFFFB180  }
0x1f: {  	[tilespmem:s17], [sflag:$0x2] =	stream.strided.gather [hbm4b:s12+s29], $0x4E80, s16, s29, $0x38;
	[tilespmem:$0x1C500] =	vst v63  }
0x20: {  	_ =	swait.ge [sflag:s30], $0x4E80  }
0x21: {  	[sflag:s30] =	ssyncset.done $0x0  }
0x22: {  	s13 =	rddreg [dreg:$0x6];
	[sflag:s30] =	ssyncadd.s32 $0xFFFFB180  }
0x23: {  	[tilespmem:s18], [sflag:$0x2] =	stream.strided.gather [hbm4b:s13+s29], $0x4E80, s16, s29, $0x38;
	[tilespmem:$0x1C500] =	vst v63  }
0x24: {  	_ =	swait.ge [sflag:s30], $0x4E80  }
0x25: {  	[sflag:s30] =	ssyncset.done $0x0  }
0x26: {  	s14 =	rddreg [dreg:$0x7];
	[sflag:s30] =	ssyncadd.s32 $0xFFFFB180  }
0x27: {  	[tilespmem:s19], [sflag:$0x2] =	stream.strided.gather [hbm4b:s14+s29], $0x4E80, s16, s29, $0x38;
	[tilespmem:$0x1C500] =	vst v63  }
0x28: {  	_ =	swait.ge [sflag:s30], $0x4E80  }
0x29: {  	[sflag:s30] =	ssyncset.done $0x0  }
0x2a: {  	s15 =	rddreg [dreg:$0x8];
	[sflag:s30] =	ssyncadd.s32 $0xFFFFB180  }
0x2b: {  	[tilespmem:s20], [sflag:$0x2] =	stream.strided.gather [hbm4b:s15+s29], $0x4E80, s16, s29, $0x38;
	[tilespmem:$0x1C500] =	vst v63  }
0x2c: {  	_ =	swait.ge [sflag:s30], $0x4E80  }
0x2d: {  	[sflag:s30] =	ssyncset.done $0x0  }
0x2e: {  	[sflag:s30] =	ssyncadd.s32 $0xFFFFB180  }
0x2f: {  	[tilespmem:$0x18900] =	vst v0  }
0x30: {  	[tilespmem:$0x18980] =	vst v0  }
0x31: {  	[tilespmem:$0x18A00] =	vst v0  }
0x32: {  	[tilespmem:$0x18A80] =	vst v0  }
0x33: {  	[tilespmem:$0x18B00] =	vst v1  }
0x34: {  	[tilespmem:$0x18B80] =	vst v1  }
0x35: {  	[tilespmem:$0x18C00] =	vst v3  }
0x36: {  	[tilespmem:$0x18910] =	vst v0  }
0x37: {  	[tilespmem:$0x18990] =	vst v0  }
0x38: {  	[tilespmem:$0x18A10] =	vst v0  }
0x39: {  	[tilespmem:$0x18A90] =	vst v0  }
0x3a: {  	[tilespmem:$0x18B10] =	vst v1  }
0x3b: {  	[tilespmem:$0x18B90] =	vst v1  }
0x3c: {  	[tilespmem:$0x18C10] =	vst v3  }
0x3d: {  	[tilespmem:$0x18920] =	vst v0  }
0x3e: {  	[tilespmem:$0x189A0] =	vst v0  }
0x3f: {  	[tilespmem:$0x18A20] =	vst v0  }
0x40: {  	[tilespmem:$0x18AA0] =	vst v0  }
0x41: {  	[tilespmem:$0x18B20] =	vst v1  }
0x42: {  	[tilespmem:$0x18BA0] =	vst v1  }
0x43: {  	[tilespmem:$0x18C20] =	vst v3  }
0x44: {  	[tilespmem:$0x18930] =	vst v0  }
0x45: {  	[tilespmem:$0x189B0] =	vst v0  }
0x46: {  	[tilespmem:$0x18A30] =	vst v0  }
0x47: {  	[tilespmem:$0x18AB0] =	vst v0  }
0x48: {  	[tilespmem:$0x18B30] =	vst v1  }
0x49: {  	[tilespmem:$0x18BB0] =	vst v1  }
0x4a: {  	[tilespmem:$0x18C30] =	vst v3  }
0x4b: {  	[tilespmem:$0x18940] =	vst v0  }
0x4c: {  	[tilespmem:$0x189C0] =	vst v0  }
0x4d: {  	[tilespmem:$0x18A40] =	vst v0  }
0x4e: {  	[tilespmem:$0x18AC0] =	vst v0  }
0x4f: {  	[tilespmem:$0x18B40] =	vst v1  }
0x50: {  	[tilespmem:$0x18BC0] =	vst v1  }
0x51: {  	[tilespmem:$0x18C40] =	vst v3  }
0x52: {  	[tilespmem:$0x18950] =	vst v0  }
0x53: {  	[tilespmem:$0x189D0] =	vst v0  }
0x54: {  	[tilespmem:$0x18A50] =	vst v0  }
0x55: {  	[tilespmem:$0x18AD0] =	vst v0  }
0x56: {  	[tilespmem:$0x18B50] =	vst v1  }
0x57: {  	[tilespmem:$0x18BD0] =	vst v1  }
0x58: {  	[tilespmem:$0x18C50] =	vst v3  }
0x59: {  	[tilespmem:$0x18960] =	vst v0  }
0x5a: {  	[tilespmem:$0x189E0] =	vst v0  }
0x5b: {  	[tilespmem:$0x18A60] =	vst v0  }
0x5c: {  	[tilespmem:$0x18AE0] =	vst v0  }
0x5d: {  	[tilespmem:$0x18B60] =	vst v1  }
0x5e: {  	[tilespmem:$0x18BE0] =	vst v1  }
0x5f: {  	[tilespmem:$0x18C60] =	vst v3  }
0x60: {  	s26 =	simm.s32 $0x50;
	[tilespmem:$0x188F0] =	vst v4  }
0x61: {  	v19 =	vld [tilespmem:s26+$0xFFFFFFC0]  }
0x62: {  	v20 =	vld [tilespmem:s26+$0xFFFFFFB0]  }
0x63: {  	v21 =	vld [tilespmem:s26+$0xFFFFFFD0]  }
0x64: {  	v22 =	vld [tilespmem:s26+$0xFFFFFFE0]  }
0x65: {  	v23 =	vld [tilespmem:s26+$0xFFFFFFF0]  }
0x66: {  	v24 =	vld [tilespmem:s26+$0x0]  }
0x67: {  	v19 =	vmax.f32 v20, v19;
	v20 =	vld [tilespmem:s26+$0x10]  }
0x68: {  	s6 =	sand.u32 $0x7FE0, s4;
	v19 =	vmax.f32 v19, v21;
	v21 =	vld [tilespmem:s26+$0x20]  }
0x69: {  	v19 =	vmax.f32 v19, v22;
	v22 =	vld [tilespmem:s6+$0x80]  }
0x6a: {  	v19 =	vmax.f32 v19, v23;
	v23 =	vld [tilespmem:s26+$0x40]  }
0x6b: {  	v19 =	vmax.f32 v19, v24  }
0x6c: {  	v19 =	vmax.f32 v19, v20  }
0x6d: {  	v19 =	vmax.f32 v19, v21  }
0x6e: {  	v19 =	vmax.f32 v19, v22  }
0x6f: {  	v19 =	vmax.f32 v19, v23  }
0x70: {  	(xrf0) =	vmax.scan.msk.f32 $0xffff, v19;
	_ =	sdelay $0x3  }
0x71: {  	v19 =	vmov s4;
	_ =	sdelay $0x1  }
0x72: {  	v20, _, _ =	vpop (xrf0)  }
0x73: {  	v20 =	vbroadcast v20, $0xF;
	_ =	sdelay $0x1  }
0x74: {  	s6 =	simm.s32 $0xF0;
	[tilespmem:v19+s21+$0x0] =	vst.idx.msk $0x1, v20  }
0x75: {  	v19 =	vld [tilespmem:s6+$0xFFFFFFC0]  }
0x76: {  	s8 =	simm.s32 $0x2;
	s5 =	simm.s32 $0x1;
	v20 =	vld [tilespmem:s6+$0xFFFFFFB0]  }
.LBB2_3:
0x77: {  	p0 =	sne.s32 s8, $0x7C;
	v21 =	vld [tilespmem:s6+$0xFFFFFFD0]  }
0x78: {  	v22 =	vld [tilespmem:s6+$0xFFFFFFE0]  }
0x79: {  	v23 =	vld [tilespmem:s6+$0xFFFFFFF0]  }
0x7a: {  	v24 =	vld [tilespmem:s6+$0x0]  }
0x7b: {  	s4 =	sadd.s32 $0xA0, s4;
	v19 =	vmax.f32 v20, v19;
	v20 =	vld [tilespmem:s6+$0x10]  }
0x7c: {  	s10 =	sand.u32 $0x7FE0, s4;
	v19 =	vmax.f32 v19, v21;
	v21 =	vld [tilespmem:s6+$0x20]  }
0x7d: {  	v19 =	vmax.f32 v19, v22;
	v22 =	vld [tilespmem:s10+$0x80]  }
0x7e: {  	v19 =	vmax.f32 v19, v23;
	v23 =	vld [tilespmem:s6+$0x40]  }
0x7f: {  	v19 =	vmax.f32 v19, v24  }
0x80: {  	v19 =	vmax.f32 v19, v20  }
0x81: {  	v19 =	vmax.f32 v19, v21  }
0x82: {  	v19 =	vmax.f32 v19, v22  }
0x83: {  	v19 =	vmax.f32 v19, v23  }
0x84: {  	(xrf0) =	vmax.scan.msk.f32 $0xffff, v19;
	_ =	sdelay $0x3  }
0x85: {  	v19 =	vmov s5;
	s5 =	smov.u32 s8;
	_ =	sdelay $0x1  }
0x86: {  	v20, _, _ =	vpop (xrf0)  }
.Ltmp1:
0x87: {  	v20 =	vbroadcast v20, $0xF;
	(pc) =	sbr.rel @p0 .LBB2_3-.Ltmp1, $4  }
0x88: {  	_ = 	snop  }
0x89: {  	s6 =	sadd.s32 $0xA0, s6;
	[tilespmem:v19+s21+$0x0] =	vst.idx.msk $0x1, v20  }
0x8a: {  	v19 =	vld [tilespmem:s6+$0xFFFFFFC0]  }
0x8b: {  	s8 =	sadd.s32 $0x1, s8;
	v20 =	vld [tilespmem:s6+$0xFFFFFFB0]  }
0x8c: {  	v21 =	vld [tilespmem:s6+$0xFFFFFFD0]  }
0x8d: {  	v22 =	vld [tilespmem:s6+$0xFFFFFFE0]  }
0x8e: {  	v23 =	vld [tilespmem:s6+$0xFFFFFFF0]  }
0x8f: {  	v24 =	vld [tilespmem:s6+$0x0]  }
0x90: {  	s4 =	sadd.s32 $0xA0, s4;
	v19 =	vmax.f32 v20, v19;
	v20 =	vld [tilespmem:s6+$0x10]  }
0x91: {  	v61 =	vld [tilespmem:s6+$0x20];
	s4 =	sand.u32 $0x7FE0, s4;
	v19 =	vmax.f32 v19, v21  }
0x92: {  	v62 =	vld [tilespmem:s4+$0x80];
	v19 =	vmax.f32 v19, v22  }
0x93: {  	v63 =	vld [tilespmem:s6+$0x40];
	v19 =	vmax.f32 v19, v23  }
0x94: {  	v19 =	vmax.f32 v19, v24  }
0x95: {  	v19 =	vmax.f32 v19, v20  }
0x96: {  	v19 =	vmax.f32 v19, v61  }
0x97: {  	v19 =	vmax.f32 v19, v62  }
0x98: {  	v19 =	vmax.f32 v19, v63  }
0x99: {  	(xrf0) =	vmax.scan.msk.f32 $0xffff, v19;
	_ =	sdelay $0x3  }
0x9a: {  	v19 =	vmov s5  }
.Ltmp2:
0x9b: {  	_ = 	snop;
	(pc) =	sbr.rel .LBB2_5-.Ltmp2, $4  }
0x9c: {  	v20, _, _ =	vpop (xrf0)  }
0x9d: {  	s8 =	simm.s32 $0x1;
	v20 =	vbroadcast v20, $0xF  }
0x9e: {  	[smem:$0x0] =	sst s8;
	s4 =	simm.s32 $0x0  }
0x9f: {  	s12 =	simm.s32 $0x1;
	[smem:$0x1] =	sst s4;
	s5 =	simm.s32 $0x0;
	[tilespmem:v19+s21+$0x0] =	vst.idx.msk $0x1, v20  }
.LBB2_10:
0xa0: {  	s5 =	sadd.s32 $0x1, s5  }
0xa1: {  	p0 =	sne.s32 s5, $0x20  }
.Ltmp3:
0xa2: {  	_ = 	snop;
	(pc) =	sbr.rel @!p0 .LBB2_11-.Ltmp3, $1  }
0xa3: {  	_ =	sdelay $0x3  }
.LBB2_5:
0xa4: {  	p0 =	seq.s32 s12, $0x0  }
.Ltmp4:
0xa5: {  	_ = 	snop;
	(pc) =	sbr.rel @!p0 .LBB2_6-.Ltmp4, $4  }
.Ltmp5:
0xa6: {  	_ = 	snop;
	(pc) =	sbr.rel @p0 .LBB2_10-.Ltmp5, $4  }
0xa7: {  	_ = 	snop  }
0xa8: {  	s6 =	simm.s32 $0x10  }
0xa9: {  	s10 =	simm.s32 $0x1;
	s11 =	simm.s32 $0x1;
	s12 =	simm.s32 $0x0  }
0xaa: {  	_ = 	snop  }
.LBB2_8:
0xab: {  	v19 =	vld [tilespmem:$0x18880]  }
0xac: {  	v20 =	vld [tilespmem:$0x18890];
	_ =	sdelay $0x1  }
0xad: {  	v21 =	vld [tilespmem:$0x188A0];
	_ =	sdelay $0x1  }
0xae: {  	v22 =	vld [tilespmem:$0x188B0]  }
0xaf: {  	vm2 =	vgt.f32 v20, v19  }
0xb0: {  	v19 =	vsel vm2, v20, v19;
	v20 =	vld [tilespmem:$0x188C0]  }
0xb1: {  	vm3 =	vgt.f32 v21, v19  }
0xb2: {  	v28 =	vld [tilespmem:$0x188D0];
	v19 =	vsel vm3, v21, v19  }
0xb3: {  	vm4 =	vgt.f32 v22, v19  }
0xb4: {  	v29 =	vld [tilespmem:$0x188E0];
	v19 =	vsel vm4, v22, v19  }
0xb5: {  	vm5 =	vgt.f32 v20, v19  }
0xb6: {  	v19 =	vsel vm5, v20, v19;
	v20 =	vld [tilespmem:$0x188F0]  }
0xb7: {  	vm6 =	vgt.f32 v28, v19  }
0xb8: {  	v19 =	vsel vm6, v28, v19  }
0xb9: {  	vm7 =	vgt.f32 v29, v19  }
0xba: {  	v19 =	vsel vm7, v29, v19  }
0xbb: {  	vm8 =	vgt.f32 v20, v19  }
0xbc: {  	v20 =	vsel vm8, v20, v19  }
0xbd: {  	(xrf0) =	vmax.scan.msk.f32 $0xffff, v20;
	_ =	sdelay $0x2  }
0xbe: {  	v19 =	vsel vm2, v11, v10  }
0xbf: {  	v19 =	vsel vm3, v12, v19  }
0xc0: {  	v19 =	vsel vm4, v13, v19  }
0xc1: {  	v31 =	vsel vm5, v14, v19;
	v30, _, _ =	vpop (xrf0)  }
0xc2: {  	v22 =	vsel vm6, v16, v31;
	v19 =	vbroadcast v30, $0xF  }
0xc3: {  	v22 =	vsel vm7, v17, v22  }
0xc4: {  	vm2 =	veq.f32 v20, v19;
	v20 =	vsel vm8, v18, v22  }
0xc5: {  	v20 =	vnsel vm2, $0xC0000000, v20  }
0xc6: {  	(xrf0) =	vmin.scan.msk.u32 $0xffff, v20;
	_ =	sdelay $0x5  }
0xc7: {  	(v2sf) =	vpush v30, $0xF;
	v20, _, _ =	vpop (xrf0)  }
0xc8: {  	(v2sf) =	vpush v20, $0xF;
	_ =	sdelay $0xd  }
0xc9: {  	s11 =	spop (v2sf)  }
0xca: {  	s8 =	spop (v2sf)  }
0xcb: {  	s8 =	sxor.u32 $0x80000000, s8  }
0xcc: {  	p0 =	slt.s32 s8, $0x7C  }
0xcd: {  	s8 =	simm.s32 @!p0 $0x7C  }
0xce: {  	s10 =	smul.u32 $0xA0, s8;
	_ =	sdelay $0x1  }
0xcf: {  	v20 =	vld [tilespmem:s10+$0x0];
	_ =	sdelay $0x1  }
0xd0: {  	v32 =	vld [tilespmem:s10+$0x10]  }
0xd1: {  	v33 =	vor.u32 s10, v2;
	v23 =	vld [tilespmem:s10+$0x20]  }
0xd2: {  	vm2 =	vlt.s32 v33, $0x40000000  }
0xd3: {  	s12 =	sor.u32 $0x10, s10;
	v34 =	vld [tilespmem:s10+$0x30];
	vm3 =	veq.f32 v20, v19;
	v20 =	vnsel vm2, $0x40000000, v33  }
0xd4: {  	s13 =	sadd.s32 $0x20, s10;
	v24 =	vor.u32 s12, v2;
	v20 =	vnsel vm3, $0x40000000, v20  }
0xd5: {  	v35 =	vld [tilespmem:s10+$0x40];
	v36 =	vor.u32 s13, v2;
	vm3 =	vlt.s32 v20, v24  }
0xd6: {  	vm2 =	veq.f32 v32, v19;
	v24 =	vsel vm3, v20, v24;
	vm3 =	veq.f32 v23, v19  }
0xd7: {  	s14 =	sadd.s32 $0x30, s10;
	v37 =	vld [tilespmem:s10+$0x50];
	v20 =	vsel vm2, v24, v20;
	v23 =	vnsel vm3, $0x40000000, v36  }
0xd8: {  	v38 =	vor.u32 s14, v2;
	vm3 =	veq.f32 v34, v19;
	vm2 =	vlt.s32 v20, v23  }
0xd9: {  	s15 =	sadd.s32 $0x40, s10;
	v39 =	vld [tilespmem:s10+$0x60];
	v22 =	vnsel vm3, $0x40000000, v38;
	v20 =	vsel vm2, v20, v23  }
0xda: {  	v40 =	vor.u32 s15, v2;
	s14 =	sadd.s32 $0x80, s10;
	vm3 =	veq.f32 v35, v19;
	vm2 =	vlt.s32 v20, v22  }
0xdb: {  	v41 =	vld [tilespmem:s10+$0x70];
	s26 =	sand.u32 $0x60, s10;
	s13 =	sadd.s32 $0x50, s10;
	s15 =	sand.u32 $0xFFFFFF80, s14;
	v21 =	vnsel vm3, $0x40000000, v40;
	v20 =	vsel vm2, v20, v22  }
0xdc: {  	v25 =	vor.u32 s13, v2;
	s13 =	sor.u32 s26, s15;
	vm3 =	veq.f32 v37, v19;
	vm2 =	vlt.s32 v20, v21  }
0xdd: {  	s26 =	sadd.s32 $0x60, s10;
	v43 =	vld [tilespmem:s13+$0x0];
	v42 =	vnsel vm3, $0x40000000, v25;
	v20 =	vsel vm2, v20, v21  }
0xde: {  	v44 =	vor.u32 s26, v2;
	vm3 =	veq.f32 v39, v19;
	vm2 =	vlt.s32 v20, v42  }
0xdf: {  	v46 =	vld [tilespmem:s10+$0x90];
	s26 =	sadd.s32 $0x70, s10;
	v45 =	vnsel vm3, $0x40000000, v44;
	v20 =	vsel vm2, v20, v42  }
0xe0: {  	v47 =	vor.u32 s26, v2;
	vm3 =	veq.f32 v41, v19;
	vm2 =	vlt.s32 v20, v45  }
0xe1: {  	v48 =	vnsel vm3, $0x40000000, v47;
	v20 =	vsel vm2, v20, v45  }
0xe2: {  	v49 =	vor.u32 s14, v2;
	vm3 =	veq.f32 v43, v19;
	vm2 =	vlt.s32 v20, v48  }
0xe3: {  	s26 =	sadd.s32 $0x90, s10;
	v50 =	vnsel vm3, $0x40000000, v49;
	v20 =	vsel vm2, v20, v48  }
0xe4: {  	v51 =	vor.u32 s26, v2;
	vm3 =	veq.f32 v46, v19;
	vm2 =	vlt.s32 v20, v50  }
0xe5: {  	v52 =	vnsel vm3, $0x40000000, v51;
	v20 =	vsel vm2, v20, v50  }
0xe6: {  	vm2 =	vlt.s32 v20, v52  }
0xe7: {  	v20 =	vsel vm2, v20, v52  }
0xe8: {  	v20 =	vxor.u32 $0x80000000, v20  }
0xe9: {  	(xrf0) =	vmin.scan.msk.u32 $0xffff, v20;
	_ =	sdelay $0x5  }
0xea: {  	v20, _, _ =	vpop (xrf0)  }
0xeb: {  	(v2sf) =	vpush v20, $0xF;
	_ =	sdelay $0xb  }
0xec: {  	v53 =	vld [tilespmem:$0x18900]  }
0xed: {  	v26 =	vld [tilespmem:$0x18980]  }
0xee: {  	v27 =	vld [tilespmem:$0x18A00]  }
0xef: {  	v54 =	vld [tilespmem:$0x18A20];
	s15 =	spop (v2sf)  }
0xf0: {  	v55 =	vld [tilespmem:$0x18AA0];
	s14 =	sxor.u32 $0x80000000, s15  }
0xf1: {  	v28 =	vld [tilespmem:$0x18A80];
	p0 =	slt.s32 s14, $0x4E1F  }
0xf2: {  	v31 =	vld [tilespmem:$0x18990];
	s14 =	simm.s32 @!p0 $0x4E1F  }
0xf3: {  	v30 =	vld [tilespmem:$0x18910];
	v25 =	vmov s14  }
0xf4: {  	v32 =	vld [tilespmem:$0x18A10]  }
0xf5: {  	v33 =	vld [tilespmem:$0x18A90]  }
0xf6: {  	v38 =	vld [tilespmem:$0x189A0]  }
0xf7: {  	v37 =	vld [tilespmem:$0x18920]  }
0xf8: {  	v23 =	vld.idx.msk [tilespmem:v25+s17+$0x0], $0xffff  }
0xf9: {  	v22 =	vld.idx.msk [tilespmem:v25+s18+$0x0], $0xffff  }
0xfa: {  	v21 =	vld.idx.msk [tilespmem:v25+s19+$0x0], $0xffff  }
0xfb: {  	v20 =	vld.idx.msk [tilespmem:v25+s20+$0x0], $0xffff  }
0xfc: {  	v40 =	vld [tilespmem:$0x18A30]  }
0xfd: {  	v39 =	vld [tilespmem:$0x189B0]  }
0xfe: {  	v41 =	vld [tilespmem:$0x18AB0]  }
0xff: {  	v42 =	vld [tilespmem:$0x18940];
	v35 =	vsub.f32 v21, v23  }
0x100: {  	v61 =	vld [tilespmem:$0x18A40];
	v36 =	vsub.f32 v20, v22;
	v24 =	vmax.f32 v53, v23;
	v26 =	vmax.f32 v26, v22  }
0x101: {  	v59 =	vld [tilespmem:$0x189C0];
	v27 =	vmin.f32 v27, v21;
	v28 =	vmin.f32 v28, v20;
	v30 =	vmax.f32 v30, v23  }
0x102: {  	v62 =	vld [tilespmem:$0x18AC0];
	v32 =	vmin.f32 v32, v21;
	v31 =	vmax.f32 v31, v22;
	v33 =	vmin.f32 v33, v20  }
0x103: {  	v56 =	vld [tilespmem:$0x18B20];
	v60 =	vmax.f32 v37, v23;
	v38 =	vmax.f32 v38, v22;
	v49 =	vmin.f32 v40, v21  }
0x104: {  	v58 =	vld [tilespmem:$0x18930];
	v39 =	vmax.f32 v39, v22;
	v41 =	vmin.f32 v41, v20;
	v52 =	vmax.f32 v42, v23  }
0x105: {  	v63 =	vld [tilespmem:$0x18950];
	v37 =	vmin.f32 v61, v21;
	v27 =	vsub.f32 v27, v24;
	v26 =	vsub.f32 v28, v26  }
0x106: {  	v29 =	vld [tilespmem:$0x18B00];
	v30 =	vsub.f32 v32, v30;
	v31 =	vsub.f32 v33, v31;
	v28 =	vmin.f32 v54, v21  }
0x107: {  	v34 =	vld [tilespmem:$0x18B10];
	v39 =	vsub.f32 v41, v39;
	v32 =	vmax.f32 v59, v22;
	v33 =	vmin.f32 v62, v20  }
0x108: {  	v51 =	vld [tilespmem:$0x18960];
	v37 =	vsub.f32 v37, v52;
	v24 =	vmul.f32 v36, v35;
	v35 =	vmin.f32 v55, v20  }
0x109: {  	v48 =	vld [tilespmem:$0x18A50];
	v28 =	vsub.f32 v28, v60;
	v32 =	vsub.f32 v33, v32;
	v27 =	vmax.f32 v27, $0.0e+00  }
0x10a: {  	v50 =	vld [tilespmem:$0x18AD0];
	v26 =	vmax.f32 v26, $0.0e+00;
	v30 =	vmax.f32 v30, $0.0e+00;
	v31 =	vmax.f32 v31, $0.0e+00  }
0x10b: {  	v53 =	vld [tilespmem:$0x189E0];
	v35 =	vsub.f32 v35, v38;
	v39 =	vmax.f32 v39, $0.0e+00;
	v38 =	vmax.f32 v63, v23  }
0x10c: {  	v54 =	vld [tilespmem:$0x18A60];
	v37 =	vmax.f32 v37, $0.0e+00;
	v26 =	vmul.f32 v26, v27;
	v57 =	vadd.f32 v29, v24  }
0x10d: {  	v55 =	vld [tilespmem:$0x18AE0];
	v46 =	vadd.f32 v34, v24;
	v28 =	vmax.f32 v28, $0.0e+00;
	v29 =	vmax.f32 v58, v23  }
0x10e: {  	v60 =	vld [tilespmem:$0x18B50];
	v36 =	vadd.f32 v56, v24;
	v34 =	vmax.f32 v51, v23;
	v32 =	vmax.f32 v32, $0.0e+00  }
0x10f: {  	v47 =	vmax.f32 v35, $0.0e+00;
	v29 =	vsub.f32 v49, v29;
	v35 =	vmin.f32 v48, v21  }
0x110: {  	v45 =	vld [tilespmem:$0x189D0];
	v61 =	vmax.f32 v53, v22;
	v32 =	vmul.f32 v32, v37;
	v27 =	vsub.f32 v57, v26  }
0x111: {  	v56 =	vld [tilespmem:$0x18B30];
	v28 =	vmul.f32 v47, v28;
	v35 =	vsub.f32 v35, v38;
	v59 =	vmin.f32 v54, v21  }
0x112: {  	v58 =	vld [tilespmem:$0x18B40];
	v57 =	vmin.f32 v50, v20;
	v29 =	vmax.f32 v29, $0.0e+00;
	v34 =	vsub.f32 v59, v34  }
0x113: {  	v33 =	vmin.f32 v55, v20;
	v44 =	vadd.f32 v60, v24;
	v27 =	vadd.f32 $9.999999960e-13, v27  }
0x114: {  	v29 =	vmul.f32 v39, v29;
	v36 =	vsub.f32 v36, v28;
	v33 =	vsub.f32 v33, v61  }
0x115: {  	v62 =	vld [tilespmem:$0x18B60];
	(erf) = vrcp.f32 v27;
	v27 =	vmul.f32 v31, v30;
	v30 =	vmax.f32 v45, v22  }
0x116: {  	v35 =	vmax.f32 v35, $0.0e+00;
	v63 =	vadd.f32 v56, v24;
	v30 =	vsub.f32 v57, v30  }
0x117: {  	v43 =	vadd.f32 v58, v24;
	v34 =	vmax.f32 v34, $0.0e+00;
	v31 =	vsub.f32 v46, v27  }
0x118: {  	v36 =	vadd.f32 $9.999999960e-13, v36;
	v33 =	vmax.f32 v33, $0.0e+00;
	v30 =	vmax.f32 v30, $0.0e+00  }
0x119: {  	v42 =	vsub.f32 v63, v29;
	v31 =	vadd.f32 $9.999999960e-13, v31;
	v30 =	vmul.f32 v30, v35  }
0x11a: {  	v33 =	vmul.f32 v33, v34;
	v45 =	vsub.f32 v43, v32;
	v46 =	vadd.f32 v62, v24  }
0x11b: {  	v47 =	vadd.f32 $9.999999960e-13, v42;
	(erf) = vrcp.f32 v31;
	v48 =	vsub.f32 v44, v30  }
0x11c: {  	v34 =	vadd.f32 $9.999999960e-13, v45;
	v49 =	vsub.f32 v46, v33;
	(erf) = vrcp.f32 v36  }
0x11d: {  	(erf) = vrcp.f32 v47;
	v50 =	vadd.f32 $9.999999960e-13, v48  }
0x11e: {  	v51 =	vadd.f32 $9.999999960e-13, v49;
	(erf) = vrcp.f32 v34  }
0x11f: {  	(erf) = vrcp.f32 v50  }
0x120: {  	(erf) = vrcp.f32 v51;
	_ =	sdelay $0x2  }
0x121: {  	v52 =	vpop (erf)  }
0x122: {  	v53 =	vpop (erf)  }
0x123: {  	v26 =	vmul.f32 v52, v26;
	v54 =	vpop (erf);
	v27 =	vmul.f32 v53, v27  }
0x124: {  	v55 =	vpop (erf);
	v28 =	vmul.f32 v54, v28  }
0x125: {  	vm2 =	vgt.f32 v26, $6.999999880e-01;
	v56 =	vpop (erf);
	vm3 =	vgt.f32 v27, $6.999999880e-01;
	v57 =	vmul.f32 v55, v29  }
0x126: {  	v58 =	vpop (erf);
	vm15 =	vgt.f32 v28, $6.999999880e-01;
	v59 =	vmul.f32 v56, v32;
	vm2 =	vmor vm2, vm3  }
0x127: {  	vm2 =	vmor vm2, vm15;
	vm3 =	vgt.f32 v57, $6.999999880e-01;
	v60 =	vmul.f32 v58, v30;
	v61 =	vpop (erf)  }
0x128: {  	vm2 =	vmor vm2, vm3;
	vm3 =	vgt.f32 v59, $6.999999880e-01;
	v27 =	vmul.f32 v61, v33  }
0x129: {  	vm2 =	vmor vm2, vm3;
	vm3 =	vgt.f32 v60, $6.999999880e-01  }
0x12a: {  	vm2 =	vmor vm2, vm3;
	vm3 =	vgt.f32 v27, $6.999999880e-01  }
0x12b: {  	vm2 =	vmor vm2, vm3  }
0x12c: {  	v62 =	vsel vm2, $0x3F800000, v1  }
0x12d: {  	(xrf0) =	vmax.scan.msk.f32 $0xffff, v62;
	_ =	sdelay $0x5  }
0x12e: {  	p0 =	sge.f32 s11, $5.000000070e-02;
	v26, _, _ =	vpop (xrf0)  }
0x12f: {  	(v2sf) =	vpush v26, $0xF  }
0x130: {  	s11 =	simm.s32 @p0 $0x0;
	v26 =	vimm.f32 @p0 $-Inf  }
0x131: {  	[tilespmem:v25+s11+$0x0] =	vst.idx.msk @p0 $0x1, v26  }
0x132: {  	v25 =	vld @p0 [tilespmem:s10+$0x0]  }
0x133: {  	v26 =	vld @p0 [tilespmem:s12+$0x0]  }
0x134: {  	v27 =	vld @p0 [tilespmem:s10+$0x20]  }
0x135: {  	v28 =	vld @p0 [tilespmem:s10+$0x30]  }
0x136: {  	v29 =	vld @p0 [tilespmem:s10+$0x40]  }
0x137: {  	v30 =	vld @p0 [tilespmem:s10+$0x50]  }
0x138: {  	v25 =	vmax.f32 @p0 v25, v26;
	v26 =	vld @p0 [tilespmem:s10+$0x60]  }
0x139: {  	v25 =	vmax.f32 @p0 v25, v27;
	v27 =	vld @p0 [tilespmem:s10+$0x70]  }
0x13a: {  	v25 =	vmax.f32 @p0 v25, v28;
	v28 =	vld @p0 [tilespmem:s13+$0x0]  }
0x13b: {  	v25 =	vmax.f32 @p0 v25, v29;
	v29 =	vld @p0 [tilespmem:s10+$0x90]  }
0x13c: {  	v25 =	vmax.f32 @p0 v25, v30  }
0x13d: {  	v25 =	vmax.f32 @p0 v25, v26  }
0x13e: {  	v25 =	vmax.f32 @p0 v25, v27;
	s26 =	spop (v2sf)  }
0x13f: {  	v25 =	vmax.f32 @p0 v25, v28;
	p1 =	sgt.f32 s26, $0.0e+00  }
0x140: {  	v25 =	vmax.f32 @p0 v25, v29  }
0x141: {  	(xrf0) =	vmax.scan.msk.f32 @p0 $0xffff, v25;
	p1 =	por !p1, !p1  }
0x142: {  	p1 =	por !p0, !p1  }
0x143: {  	p1 =	por !p1, !p1  }
0x144: {  	p2 =	por !p1, !p0  }
0x145: {  	v25 =	vmov @p0 s8;
	s8 =	sadd.s32 @!p2 s9, s14  }
0x146: {  	vm2 =	vmmov vm0;
	s10 =	sshll.u32 @!p2 s14, $0x7;
	s8 =	sshll.u32 @!p2 s8, $0x7  }
0x147: {  	vm2 =	vmneg @p1 vm2;
	v26, _, _ =	vpop @p0 (xrf0);
	s10 =	sand.u32 @!p2 $0x380, s10;
	s8 =	sand.u32 @!p2 $0xFFFFFC00, s8  }
0x148: {  	vm2 =	vmand vm2, vm1;
	v26 =	vbroadcast @p0 v26, $0xF;
	s8 =	sor.u32 @!p2 s10, s8;
	s10 =	sshll.u32 @!p2 s4, $0x9  }
0x149: {  	v63 =	vmov s4;
	s11 =	simm.s32 @p0 $0x18880;
	s10 =	sshra.s32 @!p2 s10, $0x2;
	s8 =	sshrl.u32 @!p2 s8, $0x3  }
0x14a: {  	[tilespmem:v25+s11+$0x0] =	vst.idx.msk @p0 $0x1, v26;
	s11 =	simm.s32 @!p2 $0x0;
	s10 =	sadd.s32 @!p2 $0x18C80, s10;
	s8 =	sadd.s32 @!p2 s1, s8  }
0x14b: {  	[tilespmem:s10], [sflag:$0x1] =	stream.linear.gather @!p2 [hbm4b:s8+s11], $0x80, $0x38;
	[tilespmem:$0x1C500] =	vst v63  }
0x14c: {  	s8 =	simm.s32 $0x1  }
0x14d: {  	s8 =	simm.s32 @!p1 $0x0  }
0x14e: {  	[tilespmem:v63+s22+$0x0] =	vst.idx.msk vm2, v23;
	s4 =	sadd.s32 s8, s4  }
0x14f: {  	[tilespmem:v63+s23+$0x0] =	vst.idx.msk vm2, v22;
	p6 =	slt.s32 s4, $0x64  }
0x150: {  	[tilespmem:v63+s24+$0x0] =	vst.idx.msk vm2, v21;
	p0 =	por !p0, !p6  }
0x151: {  	s8 =	simm.s32 $0x1;
	[tilespmem:v63+s25+$0x0] =	vst.idx.msk vm2, v20;
	p0 =	por !p0, !p0  }
0x152: {  	[smem:$0x1] =	sst s4;
	[tilespmem:v63+s0+$0x0] =	vst.idx.msk vm2, v24;
	s8 =	simm.s32 @!p0 $0x0  }
0x153: {  	[tilespmem:v63+s31+$0x0] =	vst.idx.msk vm2, v19;
	[smem:$0x0] =	sst s8;
	s10 =	smov.u32 s8;
	s11 =	smov.u32 s8  }
.LBB2_9:
0x154: {  	s6 =	sadd.s32 $0xFFFFFFFF, s6  }
0x155: {  	p0 =	sne.s32 s6, $0x0  }
.Ltmp6:
0x156: {  	_ = 	snop;
	(pc) =	sbr.rel @!p0 .LBB2_10-.Ltmp6, $2  }
0x157: {  	_ =	sdelay $0x2  }
0x158: {  	s12 =	smov.u32 s10  }
.LBB2_6:
0x159: {  	p0 =	seq.s32 s11, $0x0  }
.Ltmp7:
0x15a: {  	_ = 	snop;
	(pc) =	sbr.rel @!p0 .LBB2_8-.Ltmp7, $1  }
0x15b: {  	_ =	sdelay $0x3  }
.Ltmp8:
0x15c: {  	(pc) =	sbr.rel .LBB2_9-.Ltmp8, $2  }
0x15d: {  	_ =	sdelay $0x2  }
0x15e: {  	s11 =	simm.s32 $0x0  }
.LBB2_11:
0x15f: {  	p0 =	seq.s32 s8, $0x0  }
.Ltmp9:
0x160: {  	_ = 	snop;
	(pc) =	sbr.rel @!p0 .LBB2_12-.Ltmp9, $2  }
0x161: {  	_ =	sdelay $0x2  }
0x162: {  	s10 =	simm.s32 $0x1;
	s5 =	simm.s32 $0x0  }
.LBB2_18:
0x163: {  	s6 =	simm.s32 $0x0;
	s5 =	simm.s32 $0x0  }
.LBB2_19:
0x164: {  	p0 =	sge.s32 s5, s4;
	s5 =	sadd.s32 $0x1, s5  }
0x165: {  	p1 =	sne.s32 s5, $0x70  }
.Ltmp10:
0x166: {  	_ = 	snop;
	(pc) =	sbr.rel @p1 .LBB2_19-.Ltmp10, $4  }
0x167: {  	s8 =	simm.s32 @!p0 $0x1  }
0x168: {  	_ =	swait.ge @!p0 [sflag:s8], $0x80  }
0x169: {  	[sflag:s8] =	ssyncset.done @!p0 $0x0  }
0x16a: {  	[sflag:s8] =	ssyncadd.s32 @!p0 $0xFFFFFF80  }
0x16b: {  	s5 =	simm.s32 $0x18CA0;
	p0 =	sle.s32 s4, $0x0  }
0x16c: {  	v19 =	vld @!p0 [tilespmem:s5+$0xFFFFFFF0]  }
0x16d: {  	v20 =	vld @!p0 [tilespmem:s5+$0xFFFFFFE0]  }
0x16e: {  	v21 =	vld @!p0 [tilespmem:s5+$0x0]  }
0x16f: {  	v22 =	vld @!p0 [tilespmem:s5+$0x10]  }
0x170: {  	v23 =	vld @!p0 [tilespmem:s5+$0x20];
	_ =	sdelay $0x1  }
0x171: {  	v24 =	vmax.f32 @!p0 v20, v19  }
0x172: {  	v24 =	vmax.f32 @!p0 v24, v21  }
0x173: {  	v24 =	vmax.f32 @!p0 v24, v22  }
0x174: {  	v24 =	vmax.f32 @!p0 v24, v23  }
0x175: {  	(xrf0) =	vmax.scan.msk.f32 @!p0 $0xffff, v24;
	_ =	sdelay $0x5  }
0x176: {  	v24, _, _ =	vpop @!p0 (xrf0)  }
0x177: {  	v24 =	vbroadcast @!p0 v24, $0xF  }
0x178: {  	v25 =	vlaneseq.u32 @!p0  }
0x179: {  	vm2 =	veq.f32 @!p0 v23, v24;
	v23 =	vor.u32 @!p0 $0x80000040, v25  }
0x17a: {  	vm3 =	veq.f32 @!p0 v22, v24;
	v22 =	vnsel @!p0 vm2, $0xC0000000, v23;
	v23 =	vor.u32 @!p0 $0x80000030, v25  }
0x17b: {  	vm2 =	veq.f32 @!p0 v21, v24;
	v21 =	vsel @!p0 vm3, v23, v22;
	v22 =	vor.u32 @!p0 $0x80000020, v25  }
0x17c: {  	vm3 =	veq.f32 @!p0 v19, v24;
	v19 =	vsel @!p0 vm2, v22, v21;
	v21 =	vor.u32 @!p0 $0x80000010, v25  }
0x17d: {  	vm2 =	veq.f32 @!p0 v20, v24;
	v20 =	vor.u32 @!p0 $0x80000000, v25;
	v19 =	vsel @!p0 vm3, v21, v19  }
0x17e: {  	v19 =	vsel @!p0 vm2, v20, v19  }
0x17f: {  	(xrf0) =	vmin.scan.msk.u32 @!p0 $0xffff, v19;
	_ =	sdelay $0x5  }
0x180: {  	v19, _, _ =	vpop @!p0 (xrf0)  }
0x181: {  	(v2sf) =	vpush @!p0 v19, $0xF;
	_ =	sdelay $0xc  }
0x182: {  	v19 =	vmov @!p0 s6;
	_ =	sdelay $0x1  }
0x183: {  	s8 =	spop @!p0 (v2sf)  }
0x184: {  	s8 =	sxor.u32 @!p0 $0x80000000, s8  }
0x185: {  	s6 =	simm.s32 $0x1;
	v20 =	vmov @!p0 s8;
	s8 =	simm.s32 @!p0 $0x18C00  }
.LBB2_21:
0x186: {  	[tilespmem:v19+s8+$0x0] =	vst.idx.msk @!p0 $0x1, v20;
	p0 =	sge.s32 s6, s4;
	s5 =	sadd.s32 $0x80, s5;
	s8 =	smov.u32 s6  }
0x187: {  	s6 =	sadd.s32 $0x1, s6;
	v19 =	vld @!p0 [tilespmem:s5+$0xFFFFFFF0]  }
0x188: {  	p1 =	sne.s32 s6, $0x70;
	v20 =	vld @!p0 [tilespmem:s5+$0xFFFFFFE0]  }
0x189: {  	v21 =	vld @!p0 [tilespmem:s5+$0x0]  }
0x18a: {  	v22 =	vld @!p0 [tilespmem:s5+$0x10]  }
0x18b: {  	v23 =	vld @!p0 [tilespmem:s5+$0x20];
	_ =	sdelay $0x1  }
0x18c: {  	v24 =	vmax.f32 @!p0 v20, v19  }
0x18d: {  	v24 =	vmax.f32 @!p0 v24, v21  }
0x18e: {  	v24 =	vmax.f32 @!p0 v24, v22  }
0x18f: {  	v24 =	vmax.f32 @!p0 v24, v23  }
0x190: {  	(xrf0) =	vmax.scan.msk.f32 @!p0 $0xffff, v24;
	_ =	sdelay $0x5  }
0x191: {  	v24, _, _ =	vpop @!p0 (xrf0)  }
0x192: {  	v24 =	vbroadcast @!p0 v24, $0xF  }
0x193: {  	v25 =	vlaneseq.u32 @!p0  }
0x194: {  	vm2 =	veq.f32 @!p0 v23, v24;
	v23 =	vor.u32 @!p0 $0x80000040, v25  }
0x195: {  	vm3 =	veq.f32 @!p0 v22, v24;
	v22 =	vnsel @!p0 vm2, $0xC0000000, v23;
	v23 =	vor.u32 @!p0 $0x80000030, v25  }
0x196: {  	vm2 =	veq.f32 @!p0 v21, v24;
	v21 =	vsel @!p0 vm3, v23, v22;
	v22 =	vor.u32 @!p0 $0x80000020, v25  }
0x197: {  	vm3 =	veq.f32 @!p0 v19, v24;
	v19 =	vsel @!p0 vm2, v22, v21;
	v21 =	vor.u32 @!p0 $0x80000010, v25  }
0x198: {  	vm2 =	veq.f32 @!p0 v20, v24;
	v20 =	vor.u32 @!p0 $0x80000000, v25;
	v19 =	vsel @!p0 vm3, v21, v19  }
0x199: {  	v19 =	vsel @!p0 vm2, v20, v19  }
0x19a: {  	(xrf0) =	vmin.scan.msk.u32 @!p0 $0xffff, v19;
	_ =	sdelay $0x5  }
0x19b: {  	v19, _, _ =	vpop @!p0 (xrf0)  }
0x19c: {  	(v2sf) =	vpush @!p0 v19, $0xF;
	_ =	sdelay $0xc  }
.Ltmp11:
0x19d: {  	v19 =	vmov @!p0 s8;
	(pc) =	sbr.rel @p1 .LBB2_21-.Ltmp11, $4  }
0x19e: {  	_ = 	snop  }
0x19f: {  	s8 =	spop @!p0 (v2sf)  }
0x1a0: {  	s8 =	sxor.u32 @!p0 $0x80000000, s8  }
0x1a1: {  	v20 =	vmov @!p0 s8;
	s8 =	simm.s32 @!p0 $0x18C00  }
0x1a2: {  	_ =	sdelay $0x3  }
0x1a3: {  	[tilespmem:v19+s8+$0x0] =	vst.idx.msk @!p0 $0x1, v20  }
0x1a4: {  	v20 =	vld [tilespmem:$0x18900]  }
0x1a5: {  	v21 =	vld [tilespmem:$0x18980]  }
0x1a6: {  	v22 =	vld [tilespmem:$0x18A00]  }
0x1a7: {  	v19 =	vmov s4;
	v23 =	vld [tilespmem:$0x18A80]  }
0x1a8: {  	vm2 =	vgt.s32 v19, v2;
	v24 =	vld [tilespmem:$0x18B80]  }
0x1a9: {  	v25 =	vld [tilespmem:$0x18C00];
	[tilespmem:$0x1C480] =	vst v19;
	v20 =	vnsel vm2, $0x0, v20  }
0x1aa: {  	v28 =	vld [tilespmem:$0x18910];
	[tilespmem:$0x18900] =	vst v20;
	v20 =	vnsel vm2, $0x0, v21  }
0x1ab: {  	v29 =	vld [tilespmem:$0x18990];
	[tilespmem:$0x18980] =	vst v20;
	v20 =	vnsel vm2, $0x0, v22  }
0x1ac: {  	v30 =	vld [tilespmem:$0x18A10];
	[tilespmem:$0x18A00] =	vst v20;
	v20 =	vnsel vm2, $0x0, v23  }
0x1ad: {  	v31 =	vld [tilespmem:$0x18A90];
	[tilespmem:$0x18A80] =	vst v20;
	v20 =	vnsel vm2, $0x0, v24  }
0x1ae: {  	v32 =	vld [tilespmem:$0x18B90];
	[tilespmem:$0x18B80] =	vst v20;
	v20 =	vnsel vm2, $0x0, v25;
	vm2 =	vgt.s32 v19, v9  }
0x1af: {  	v33 =	vld [tilespmem:$0x18C10];
	[tilespmem:$0x18C00] =	vst v20;
	v20 =	vnsel vm2, $0x0, v28  }
0x1b0: {  	v34 =	vld [tilespmem:$0x18920];
	[tilespmem:$0x18910] =	vst v20;
	v20 =	vnsel vm2, $0x0, v29  }
0x1b1: {  	v35 =	vld [tilespmem:$0x189A0];
	[tilespmem:$0x18990] =	vst v20;
	v20 =	vnsel vm2, $0x0, v30  }
0x1b2: {  	v36 =	vld [tilespmem:$0x18A20];
	[tilespmem:$0x18A10] =	vst v20;
	v20 =	vnsel vm2, $0x0, v31  }
0x1b3: {  	v37 =	vld [tilespmem:$0x18AA0];
	[tilespmem:$0x18A90] =	vst v20;
	v20 =	vnsel vm2, $0x0, v32  }
0x1b4: {  	v38 =	vld [tilespmem:$0x18BA0];
	[tilespmem:$0x18B90] =	vst v20;
	v20 =	vnsel vm2, $0x0, v33;
	vm2 =	vgt.s32 v19, v5  }
0x1b5: {  	v39 =	vld [tilespmem:$0x18C20];
	[tilespmem:$0x18C10] =	vst v20;
	v20 =	vnsel vm2, $0x0, v34  }
0x1b6: {  	v40 =	vld [tilespmem:$0x18930];
	[tilespmem:$0x18920] =	vst v20;
	v20 =	vnsel vm2, $0x0, v35  }
0x1b7: {  	v41 =	vld [tilespmem:$0x189B0];
	[tilespmem:$0x189A0] =	vst v20;
	v20 =	vnsel vm2, $0x0, v36  }
0x1b8: {  	v42 =	vld [tilespmem:$0x18A30];
	[tilespmem:$0x18A20] =	vst v20;
	v20 =	vnsel vm2, $0x0, v37  }
0x1b9: {  	v43 =	vld [tilespmem:$0x18AB0];
	[tilespmem:$0x18AA0] =	vst v20;
	v20 =	vnsel vm2, $0x0, v38  }
0x1ba: {  	v44 =	vld [tilespmem:$0x18BB0];
	[tilespmem:$0x18BA0] =	vst v20;
	v20 =	vnsel vm2, $0x0, v39;
	vm2 =	vgt.s32 v19, v6  }
0x1bb: {  	v45 =	vld [tilespmem:$0x18C30];
	[tilespmem:$0x18C20] =	vst v20;
	v20 =	vnsel vm2, $0x0, v40  }
0x1bc: {  	v46 =	vld [tilespmem:$0x18940];
	[tilespmem:$0x18930] =	vst v20;
	v20 =	vnsel vm2, $0x0, v41  }
0x1bd: {  	v47 =	vld [tilespmem:$0x189C0];
	[tilespmem:$0x189B0] =	vst v20;
	v20 =	vnsel vm2, $0x0, v42  }
0x1be: {  	v48 =	vld [tilespmem:$0x18A40];
	[tilespmem:$0x18A30] =	vst v20;
	v20 =	vnsel vm2, $0x0, v43  }
0x1bf: {  	v49 =	vld [tilespmem:$0x18AC0];
	[tilespmem:$0x18AB0] =	vst v20;
	v20 =	vnsel vm2, $0x0, v44  }
0x1c0: {  	v50 =	vld [tilespmem:$0x18BC0];
	[tilespmem:$0x18BB0] =	vst v20;
	v20 =	vnsel vm2, $0x0, v45;
	vm2 =	vgt.s32 v19, v7  }
0x1c1: {  	v51 =	vld [tilespmem:$0x18C40];
	[tilespmem:$0x18C30] =	vst v20;
	v20 =	vnsel vm2, $0x0, v46  }
0x1c2: {  	v52 =	vld [tilespmem:$0x18950];
	[tilespmem:$0x18940] =	vst v20;
	v20 =	vnsel vm2, $0x0, v47  }
0x1c3: {  	v53 =	vld [tilespmem:$0x189D0];
	[tilespmem:$0x189C0] =	vst v20;
	v20 =	vnsel vm2, $0x0, v48  }
0x1c4: {  	v54 =	vld [tilespmem:$0x18A50];
	[tilespmem:$0x18A40] =	vst v20;
	v20 =	vnsel vm2, $0x0, v49  }
0x1c5: {  	v55 =	vld [tilespmem:$0x18AD0];
	[tilespmem:$0x18AC0] =	vst v20;
	v20 =	vnsel vm2, $0x0, v50  }
0x1c6: {  	v56 =	vld [tilespmem:$0x18BD0];
	[tilespmem:$0x18BC0] =	vst v20;
	v20 =	vnsel vm2, $0x0, v51;
	vm2 =	vgt.s32 v19, v8  }
0x1c7: {  	v57 =	vld [tilespmem:$0x18C50];
	[tilespmem:$0x18C40] =	vst v20;
	v20 =	vnsel vm2, $0x0, v52  }
0x1c8: {  	v58 =	vld [tilespmem:$0x18960];
	[tilespmem:$0x18950] =	vst v20;
	v20 =	vnsel vm2, $0x0, v53  }
0x1c9: {  	v59 =	vld [tilespmem:$0x189E0];
	[tilespmem:$0x189D0] =	vst v20;
	v20 =	vnsel vm2, $0x0, v54  }
0x1ca: {  	v60 =	vld [tilespmem:$0x18A60];
	[tilespmem:$0x18A50] =	vst v20;
	v20 =	vnsel vm2, $0x0, v55  }
0x1cb: {  	v61 =	vld [tilespmem:$0x18AE0];
	[tilespmem:$0x18AD0] =	vst v20;
	v20 =	vnsel vm2, $0x0, v56  }
0x1cc: {  	v62 =	vld [tilespmem:$0x18BE0];
	[tilespmem:$0x18BD0] =	vst v20;
	v20 =	vnsel vm2, $0x0, v57;
	vm2 =	vgt.s32 v19, v15  }
0x1cd: {  	v63 =	vld [tilespmem:$0x18C60];
	[tilespmem:$0x18C50] =	vst v20;
	v20 =	vnsel vm2, $0x0, v58  }
0x1ce: {  	[tilespmem:$0x18960] =	vst v20;
	v20 =	vnsel vm2, $0x0, v59  }
0x1cf: {  	[tilespmem:$0x189E0] =	vst v20;
	v20 =	vnsel vm2, $0x0, v60  }
0x1d0: {  	[tilespmem:$0x18A60] =	vst v20;
	v20 =	vnsel vm2, $0x0, v61  }
0x1d1: {  	[tilespmem:$0x18AE0] =	vst v20;
	v20 =	vnsel vm2, $0x0, v62  }
0x1d2: {  	[tilespmem:$0x18BE0] =	vst v20;
	v20 =	vnsel vm2, $0x0, v63  }
0x1d3: {  	[tilespmem:$0x18C60] =	vst v20  }
0x1d4: {  	[hbm4b:s7+s3] =	stream.linear.scatter [tilespmem:s22], [sflag:$0x2], $0x80, $0x38;
	[tilespmem:$0x1C500] =	vst v63  }
0x1d5: {  	_ =	swait.ge [sflag:s30], $0x80  }
0x1d6: {  	[sflag:s30] =	ssyncset.done $0x0  }
0x1d7: {  	s10 =	rddreg [dreg:$0x9];
	[sflag:s30] =	ssyncadd.s32 $0xFFFFFF80  }
0x1d8: {  	[hbm4b:s10+s3] =	stream.linear.scatter [tilespmem:s23], [sflag:$0x2], $0x80, $0x38;
	[tilespmem:$0x1C500] =	vst v63  }
0x1d9: {  	_ =	swait.ge [sflag:s30], $0x80  }
0x1da: {  	[sflag:s30] =	ssyncset.done $0x0  }
0x1db: {  	s11 =	rddreg [dreg:$0xa];
	[sflag:s30] =	ssyncadd.s32 $0xFFFFFF80  }
0x1dc: {  	[hbm4b:s11+s3] =	stream.linear.scatter [tilespmem:s24], [sflag:$0x2], $0x80, $0x38;
	[tilespmem:$0x1C500] =	vst v63  }
0x1dd: {  	_ =	swait.ge [sflag:s30], $0x80  }
0x1de: {  	[sflag:s30] =	ssyncset.done $0x0  }
0x1df: {  	s12 =	rddreg [dreg:$0xb];
	[sflag:s30] =	ssyncadd.s32 $0xFFFFFF80  }
0x1e0: {  	[hbm4b:s12+s3] =	stream.linear.scatter [tilespmem:s25], [sflag:$0x2], $0x80, $0x38;
	[tilespmem:$0x1C500] =	vst v63  }
0x1e1: {  	_ =	swait.ge [sflag:s30], $0x80  }
0x1e2: {  	[sflag:s30] =	ssyncset.done $0x0  }
0x1e3: {  	s13 =	rddreg [dreg:$0xc];
	[sflag:s30] =	ssyncadd.s32 $0xFFFFFF80  }
0x1e4: {  	[hbm4b:s13+s3] =	stream.linear.scatter [tilespmem:s31], [sflag:$0x2], $0x80, $0x38;
	[tilespmem:$0x1C500] =	vst v63  }
0x1e5: {  	_ =	swait.ge [sflag:s30], $0x80  }
0x1e6: {  	[sflag:s30] =	ssyncset.done $0x0  }
0x1e7: {  	s5 =	simm.s32 $0x18C00;
	s14 =	rddreg [dreg:$0xd];
	[sflag:s30] =	ssyncadd.s32 $0xFFFFFF80  }
0x1e8: {  	[hbm4b:s14+s3] =	stream.linear.scatter [tilespmem:s5], [sflag:$0x2], $0x80, $0x38;
	[tilespmem:$0x1C500] =	vst v63  }
0x1e9: {  	_ =	swait.ge [sflag:s30], $0x80  }
0x1ea: {  	s26 =	simm.s32 $0x1C480;
	s2 =	sadd.s32 $0x1, s2;
	[sflag:s30] =	ssyncset.done $0x0  }
0x1eb: {  	p0 =	sne.s32 s2, s28;
	s15 =	rddreg [dreg:$0xe];
	[sflag:s30] =	ssyncadd.s32 $0xFFFFFF80  }
0x1ec: {  	[hbm4b:s15+s3] =	stream.linear.scatter [tilespmem:s26], [sflag:$0x2], $0x80, $0x38;
	[tilespmem:$0x1C500] =	vst v63  }
.Ltmp12:
0x1ed: {  	_ = 	snop;
	(pc) =	sbr.rel @p0 .LBB2_2-.Ltmp12, $4  }
.Ltmp13:
0x1ee: {  	_ = 	snop;
	(pc) =	sbr.rel @!p0 .LBB2_23-.Ltmp13, $4  }
0x1ef: {  	_ =	swait.ge [sflag:s30], $0x80  }
0x1f0: {  	[sflag:s30] =	ssyncset.done $0x0  }
0x1f1: {  	[sflag:s30] =	ssyncadd.s32 $0xFFFFFF80  }
0x1f2: {  	_ = 	snop  }
.LBB2_17:
0x1f3: {  	s5 =	sadd.s32 $0x1, s5  }
0x1f4: {  	p0 =	sne.s32 s5, $0x4E2  }
.Ltmp14:
0x1f5: {  	_ = 	snop;
	(pc) =	sbr.rel @!p0 .LBB2_18-.Ltmp14, $1  }
0x1f6: {  	_ =	sdelay $0x3  }
.LBB2_12:
0x1f7: {  	p0 =	seq.s32 s10, $0x0  }
.Ltmp15:
0x1f8: {  	_ = 	snop;
	(pc) =	sbr.rel @!p0 .LBB2_13-.Ltmp15, $4  }
.Ltmp16:
0x1f9: {  	_ = 	snop;
	(pc) =	sbr.rel @p0 .LBB2_17-.Ltmp16, $4  }
0x1fa: {  	_ = 	snop  }
0x1fb: {  	s6 =	simm.s32 $0x10  }
0x1fc: {  	s8 =	simm.s32 $0x1;
	s11 =	simm.s32 $0x1;
	s10 =	simm.s32 $0x0  }
0x1fd: {  	_ = 	snop  }
.LBB2_15:
0x1fe: {  	v19 =	vld [tilespmem:$0x18880]  }
0x1ff: {  	v20 =	vld [tilespmem:$0x18890];
	_ =	sdelay $0x1  }
0x200: {  	v21 =	vld [tilespmem:$0x188A0];
	_ =	sdelay $0x1  }
0x201: {  	v22 =	vld [tilespmem:$0x188B0]  }
0x202: {  	vm2 =	vgt.f32 v20, v19  }
0x203: {  	v19 =	vsel vm2, v20, v19;
	v20 =	vld [tilespmem:$0x188C0]  }
0x204: {  	vm3 =	vgt.f32 v21, v19  }
0x205: {  	v28 =	vld [tilespmem:$0x188D0];
	v19 =	vsel vm3, v21, v19  }
0x206: {  	vm4 =	vgt.f32 v22, v19  }
0x207: {  	v29 =	vld [tilespmem:$0x188E0];
	v19 =	vsel vm4, v22, v19  }
0x208: {  	vm5 =	vgt.f32 v20, v19  }
0x209: {  	v19 =	vsel vm5, v20, v19;
	v20 =	vld [tilespmem:$0x188F0]  }
0x20a: {  	vm6 =	vgt.f32 v28, v19  }
0x20b: {  	v19 =	vsel vm6, v28, v19  }
0x20c: {  	vm7 =	vgt.f32 v29, v19  }
0x20d: {  	v19 =	vsel vm7, v29, v19  }
0x20e: {  	vm8 =	vgt.f32 v20, v19  }
0x20f: {  	v20 =	vsel vm8, v20, v19  }
0x210: {  	(xrf0) =	vmax.scan.msk.f32 $0xffff, v20;
	_ =	sdelay $0x2  }
0x211: {  	v19 =	vsel vm2, v11, v10  }
0x212: {  	v19 =	vsel vm3, v12, v19  }
0x213: {  	v19 =	vsel vm4, v13, v19  }
0x214: {  	v31 =	vsel vm5, v14, v19;
	v30, _, _ =	vpop (xrf0)  }
0x215: {  	v22 =	vsel vm6, v16, v31;
	v19 =	vbroadcast v30, $0xF  }
0x216: {  	v22 =	vsel vm7, v17, v22  }
0x217: {  	vm2 =	veq.f32 v20, v19;
	v20 =	vsel vm8, v18, v22  }
0x218: {  	v20 =	vnsel vm2, $0xC0000000, v20  }
0x219: {  	(xrf0) =	vmin.scan.msk.u32 $0xffff, v20;
	_ =	sdelay $0x5  }
0x21a: {  	(v2sf) =	vpush v30, $0xF;
	v20, _, _ =	vpop (xrf0)  }
0x21b: {  	(v2sf) =	vpush v20, $0xF;
	_ =	sdelay $0xd  }
0x21c: {  	s11 =	spop (v2sf)  }
0x21d: {  	s8 =	spop (v2sf)  }
0x21e: {  	s8 =	sxor.u32 $0x80000000, s8  }
0x21f: {  	p0 =	slt.s32 s8, $0x7C  }
0x220: {  	s8 =	simm.s32 @!p0 $0x7C  }
0x221: {  	s10 =	smul.u32 $0xA0, s8;
	_ =	sdelay $0x1  }
0x222: {  	v20 =	vld [tilespmem:s10+$0x0];
	_ =	sdelay $0x1  }
0x223: {  	v32 =	vld [tilespmem:s10+$0x10]  }
0x224: {  	v33 =	vor.u32 s10, v2;
	v23 =	vld [tilespmem:s10+$0x20]  }
0x225: {  	vm2 =	vlt.s32 v33, $0x40000000  }
0x226: {  	s12 =	sor.u32 $0x10, s10;
	v34 =	vld [tilespmem:s10+$0x30];
	vm3 =	veq.f32 v20, v19;
	v20 =	vnsel vm2, $0x40000000, v33  }
0x227: {  	s13 =	sadd.s32 $0x20, s10;
	v24 =	vor.u32 s12, v2;
	v20 =	vnsel vm3, $0x40000000, v20  }
0x228: {  	v35 =	vld [tilespmem:s10+$0x40];
	v36 =	vor.u32 s13, v2;
	vm3 =	vlt.s32 v20, v24  }
0x229: {  	vm2 =	veq.f32 v32, v19;
	v24 =	vsel vm3, v20, v24;
	vm3 =	veq.f32 v23, v19  }
0x22a: {  	s14 =	sadd.s32 $0x30, s10;
	v37 =	vld [tilespmem:s10+$0x50];
	v20 =	vsel vm2, v24, v20;
	v23 =	vnsel vm3, $0x40000000, v36  }
0x22b: {  	v38 =	vor.u32 s14, v2;
	vm3 =	veq.f32 v34, v19;
	vm2 =	vlt.s32 v20, v23  }
0x22c: {  	s15 =	sadd.s32 $0x40, s10;
	v39 =	vld [tilespmem:s10+$0x60];
	v22 =	vnsel vm3, $0x40000000, v38;
	v20 =	vsel vm2, v20, v23  }
0x22d: {  	v40 =	vor.u32 s15, v2;
	s14 =	sadd.s32 $0x80, s10;
	vm3 =	veq.f32 v35, v19;
	vm2 =	vlt.s32 v20, v22  }
0x22e: {  	v41 =	vld [tilespmem:s10+$0x70];
	s26 =	sand.u32 $0x60, s10;
	s13 =	sadd.s32 $0x50, s10;
	s15 =	sand.u32 $0xFFFFFF80, s14;
	v21 =	vnsel vm3, $0x40000000, v40;
	v20 =	vsel vm2, v20, v22  }
0x22f: {  	v25 =	vor.u32 s13, v2;
	s13 =	sor.u32 s26, s15;
	vm3 =	veq.f32 v37, v19;
	vm2 =	vlt.s32 v20, v21  }
0x230: {  	s26 =	sadd.s32 $0x60, s10;
	v43 =	vld [tilespmem:s13+$0x0];
	v42 =	vnsel vm3, $0x40000000, v25;
	v20 =	vsel vm2, v20, v21  }
0x231: {  	v44 =	vor.u32 s26, v2;
	vm3 =	veq.f32 v39, v19;
	vm2 =	vlt.s32 v20, v42  }
0x232: {  	v46 =	vld [tilespmem:s10+$0x90];
	s26 =	sadd.s32 $0x70, s10;
	v45 =	vnsel vm3, $0x40000000, v44;
	v20 =	vsel vm2, v20, v42  }
0x233: {  	v47 =	vor.u32 s26, v2;
	vm3 =	veq.f32 v41, v19;
	vm2 =	vlt.s32 v20, v45  }
0x234: {  	v48 =	vnsel vm3, $0x40000000, v47;
	v20 =	vsel vm2, v20, v45  }
0x235: {  	v49 =	vor.u32 s14, v2;
	vm3 =	veq.f32 v43, v19;
	vm2 =	vlt.s32 v20, v48  }
0x236: {  	s26 =	sadd.s32 $0x90, s10;
	v50 =	vnsel vm3, $0x40000000, v49;
	v20 =	vsel vm2, v20, v48  }
0x237: {  	v51 =	vor.u32 s26, v2;
	vm3 =	veq.f32 v46, v19;
	vm2 =	vlt.s32 v20, v50  }
0x238: {  	v52 =	vnsel vm3, $0x40000000, v51;
	v20 =	vsel vm2, v20, v50  }
0x239: {  	vm2 =	vlt.s32 v20, v52  }
0x23a: {  	v20 =	vsel vm2, v20, v52  }
0x23b: {  	v20 =	vxor.u32 $0x80000000, v20  }
0x23c: {  	(xrf0) =	vmin.scan.msk.u32 $0xffff, v20;
	_ =	sdelay $0x5  }
0x23d: {  	v20, _, _ =	vpop (xrf0)  }
0x23e: {  	(v2sf) =	vpush v20, $0xF;
	_ =	sdelay $0xb  }
0x23f: {  	v53 =	vld [tilespmem:$0x18900]  }
0x240: {  	v26 =	vld [tilespmem:$0x18980]  }
0x241: {  	v27 =	vld [tilespmem:$0x18A00]  }
0x242: {  	v54 =	vld [tilespmem:$0x18A20];
	s15 =	spop (v2sf)  }
0x243: {  	v55 =	vld [tilespmem:$0x18AA0];
	s14 =	sxor.u32 $0x80000000, s15  }
0x244: {  	v28 =	vld [tilespmem:$0x18A80];
	p0 =	slt.s32 s14, $0x4E1F  }
0x245: {  	v31 =	vld [tilespmem:$0x18990];
	s14 =	simm.s32 @!p0 $0x4E1F  }
0x246: {  	v30 =	vld [tilespmem:$0x18910];
	v25 =	vmov s14  }
0x247: {  	v32 =	vld [tilespmem:$0x18A10]  }
0x248: {  	v33 =	vld [tilespmem:$0x18A90]  }
0x249: {  	v38 =	vld [tilespmem:$0x189A0]  }
0x24a: {  	v37 =	vld [tilespmem:$0x18920]  }
0x24b: {  	v23 =	vld.idx.msk [tilespmem:v25+s17+$0x0], $0xffff  }
0x24c: {  	v22 =	vld.idx.msk [tilespmem:v25+s18+$0x0], $0xffff  }
0x24d: {  	v21 =	vld.idx.msk [tilespmem:v25+s19+$0x0], $0xffff  }
0x24e: {  	v20 =	vld.idx.msk [tilespmem:v25+s20+$0x0], $0xffff  }
0x24f: {  	v40 =	vld [tilespmem:$0x18A30]  }
0x250: {  	v39 =	vld [tilespmem:$0x189B0]  }
0x251: {  	v41 =	vld [tilespmem:$0x18AB0]  }
0x252: {  	v42 =	vld [tilespmem:$0x18940];
	v35 =	vsub.f32 v21, v23  }
0x253: {  	v61 =	vld [tilespmem:$0x18A40];
	v36 =	vsub.f32 v20, v22;
	v24 =	vmax.f32 v53, v23;
	v26 =	vmax.f32 v26, v22  }
0x254: {  	v59 =	vld [tilespmem:$0x189C0];
	v27 =	vmin.f32 v27, v21;
	v28 =	vmin.f32 v28, v20;
	v30 =	vmax.f32 v30, v23  }
0x255: {  	v62 =	vld [tilespmem:$0x18AC0];
	v32 =	vmin.f32 v32, v21;
	v31 =	vmax.f32 v31, v22;
	v33 =	vmin.f32 v33, v20  }
0x256: {  	v56 =	vld [tilespmem:$0x18B20];
	v60 =	vmax.f32 v37, v23;
	v38 =	vmax.f32 v38, v22;
	v49 =	vmin.f32 v40, v21  }
0x257: {  	v58 =	vld [tilespmem:$0x18930];
	v39 =	vmax.f32 v39, v22;
	v41 =	vmin.f32 v41, v20;
	v52 =	vmax.f32 v42, v23  }
0x258: {  	v63 =	vld [tilespmem:$0x18950];
	v37 =	vmin.f32 v61, v21;
	v27 =	vsub.f32 v27, v24;
	v26 =	vsub.f32 v28, v26  }
0x259: {  	v29 =	vld [tilespmem:$0x18B00];
	v30 =	vsub.f32 v32, v30;
	v31 =	vsub.f32 v33, v31;
	v28 =	vmin.f32 v54, v21  }
0x25a: {  	v34 =	vld [tilespmem:$0x18B10];
	v39 =	vsub.f32 v41, v39;
	v32 =	vmax.f32 v59, v22;
	v33 =	vmin.f32 v62, v20  }
0x25b: {  	v51 =	vld [tilespmem:$0x18960];
	v37 =	vsub.f32 v37, v52;
	v24 =	vmul.f32 v36, v35;
	v35 =	vmin.f32 v55, v20  }
0x25c: {  	v48 =	vld [tilespmem:$0x18A50];
	v28 =	vsub.f32 v28, v60;
	v32 =	vsub.f32 v33, v32;
	v27 =	vmax.f32 v27, $0.0e+00  }
0x25d: {  	v50 =	vld [tilespmem:$0x18AD0];
	v26 =	vmax.f32 v26, $0.0e+00;
	v30 =	vmax.f32 v30, $0.0e+00;
	v31 =	vmax.f32 v31, $0.0e+00  }
0x25e: {  	v53 =	vld [tilespmem:$0x189E0];
	v35 =	vsub.f32 v35, v38;
	v39 =	vmax.f32 v39, $0.0e+00;
	v38 =	vmax.f32 v63, v23  }
0x25f: {  	v54 =	vld [tilespmem:$0x18A60];
	v37 =	vmax.f32 v37, $0.0e+00;
	v26 =	vmul.f32 v26, v27;
	v57 =	vadd.f32 v29, v24  }
0x260: {  	v55 =	vld [tilespmem:$0x18AE0];
	v46 =	vadd.f32 v34, v24;
	v28 =	vmax.f32 v28, $0.0e+00;
	v29 =	vmax.f32 v58, v23  }
0x261: {  	v60 =	vld [tilespmem:$0x18B50];
	v36 =	vadd.f32 v56, v24;
	v34 =	vmax.f32 v51, v23;
	v32 =	vmax.f32 v32, $0.0e+00  }
0x262: {  	v47 =	vmax.f32 v35, $0.0e+00;
	v29 =	vsub.f32 v49, v29;
	v35 =	vmin.f32 v48, v21  }
0x263: {  	v45 =	vld [tilespmem:$0x189D0];
	v61 =	vmax.f32 v53, v22;
	v32 =	vmul.f32 v32, v37;
	v27 =	vsub.f32 v57, v26  }
0x264: {  	v56 =	vld [tilespmem:$0x18B30];
	v28 =	vmul.f32 v47, v28;
	v35 =	vsub.f32 v35, v38;
	v59 =	vmin.f32 v54, v21  }
0x265: {  	v58 =	vld [tilespmem:$0x18B40];
	v57 =	vmin.f32 v50, v20;
	v29 =	vmax.f32 v29, $0.0e+00;
	v34 =	vsub.f32 v59, v34  }
0x266: {  	v33 =	vmin.f32 v55, v20;
	v44 =	vadd.f32 v60, v24;
	v27 =	vadd.f32 $9.999999960e-13, v27  }
0x267: {  	v29 =	vmul.f32 v39, v29;
	v36 =	vsub.f32 v36, v28;
	v33 =	vsub.f32 v33, v61  }
0x268: {  	v62 =	vld [tilespmem:$0x18B60];
	(erf) = vrcp.f32 v27;
	v27 =	vmul.f32 v31, v30;
	v30 =	vmax.f32 v45, v22  }
0x269: {  	v35 =	vmax.f32 v35, $0.0e+00;
	v63 =	vadd.f32 v56, v24;
	v30 =	vsub.f32 v57, v30  }
0x26a: {  	v43 =	vadd.f32 v58, v24;
	v34 =	vmax.f32 v34, $0.0e+00;
	v31 =	vsub.f32 v46, v27  }
0x26b: {  	v36 =	vadd.f32 $9.999999960e-13, v36;
	v33 =	vmax.f32 v33, $0.0e+00;
	v30 =	vmax.f32 v30, $0.0e+00  }
0x26c: {  	v42 =	vsub.f32 v63, v29;
	v31 =	vadd.f32 $9.999999960e-13, v31;
	v30 =	vmul.f32 v30, v35  }
0x26d: {  	v33 =	vmul.f32 v33, v34;
	v45 =	vsub.f32 v43, v32;
	v46 =	vadd.f32 v62, v24  }
0x26e: {  	v47 =	vadd.f32 $9.999999960e-13, v42;
	(erf) = vrcp.f32 v31;
	v48 =	vsub.f32 v44, v30  }
0x26f: {  	v34 =	vadd.f32 $9.999999960e-13, v45;
	v49 =	vsub.f32 v46, v33;
	(erf) = vrcp.f32 v36  }
0x270: {  	(erf) = vrcp.f32 v47;
	v50 =	vadd.f32 $9.999999960e-13, v48  }
0x271: {  	v51 =	vadd.f32 $9.999999960e-13, v49;
	(erf) = vrcp.f32 v34  }
0x272: {  	(erf) = vrcp.f32 v50  }
0x273: {  	(erf) = vrcp.f32 v51;
	_ =	sdelay $0x2  }
0x274: {  	v52 =	vpop (erf)  }
0x275: {  	v53 =	vpop (erf)  }
0x276: {  	v26 =	vmul.f32 v52, v26;
	v54 =	vpop (erf);
	v27 =	vmul.f32 v53, v27  }
0x277: {  	v55 =	vpop (erf);
	v28 =	vmul.f32 v54, v28  }
0x278: {  	vm2 =	vgt.f32 v26, $6.999999880e-01;
	v56 =	vpop (erf);
	vm3 =	vgt.f32 v27, $6.999999880e-01;
	v57 =	vmul.f32 v55, v29  }
0x279: {  	v58 =	vpop (erf);
	vm15 =	vgt.f32 v28, $6.999999880e-01;
	v59 =	vmul.f32 v56, v32;
	vm2 =	vmor vm2, vm3  }
0x27a: {  	vm2 =	vmor vm2, vm15;
	vm3 =	vgt.f32 v57, $6.999999880e-01;
	v60 =	vmul.f32 v58, v30;
	v61 =	vpop (erf)  }
0x27b: {  	vm2 =	vmor vm2, vm3;
	vm3 =	vgt.f32 v59, $6.999999880e-01;
	v27 =	vmul.f32 v61, v33  }
0x27c: {  	vm2 =	vmor vm2, vm3;
	vm3 =	vgt.f32 v60, $6.999999880e-01  }
0x27d: {  	vm2 =	vmor vm2, vm3;
	vm3 =	vgt.f32 v27, $6.999999880e-01  }
0x27e: {  	vm2 =	vmor vm2, vm3  }
0x27f: {  	v62 =	vsel vm2, $0x3F800000, v1  }
0x280: {  	(xrf0) =	vmax.scan.msk.f32 $0xffff, v62;
	_ =	sdelay $0x5  }
0x281: {  	p0 =	sge.f32 s11, $5.000000070e-02;
	v26, _, _ =	vpop (xrf0)  }
0x282: {  	(v2sf) =	vpush v26, $0xF  }
0x283: {  	s11 =	simm.s32 @p0 $0x0;
	v26 =	vimm.f32 @p0 $-Inf  }
0x284: {  	[tilespmem:v25+s11+$0x0] =	vst.idx.msk @p0 $0x1, v26  }
0x285: {  	v25 =	vld @p0 [tilespmem:s10+$0x0]  }
0x286: {  	v26 =	vld @p0 [tilespmem:s12+$0x0]  }
0x287: {  	v27 =	vld @p0 [tilespmem:s10+$0x20]  }
0x288: {  	v28 =	vld @p0 [tilespmem:s10+$0x30]  }
0x289: {  	v29 =	vld @p0 [tilespmem:s10+$0x40]  }
0x28a: {  	v30 =	vld @p0 [tilespmem:s10+$0x50]  }
0x28b: {  	v25 =	vmax.f32 @p0 v25, v26;
	v26 =	vld @p0 [tilespmem:s10+$0x60]  }
0x28c: {  	v25 =	vmax.f32 @p0 v25, v27;
	v27 =	vld @p0 [tilespmem:s10+$0x70]  }
0x28d: {  	v25 =	vmax.f32 @p0 v25, v28;
	v28 =	vld @p0 [tilespmem:s13+$0x0]  }
0x28e: {  	v25 =	vmax.f32 @p0 v25, v29;
	v29 =	vld @p0 [tilespmem:s10+$0x90]  }
0x28f: {  	v25 =	vmax.f32 @p0 v25, v30  }
0x290: {  	v25 =	vmax.f32 @p0 v25, v26  }
0x291: {  	v25 =	vmax.f32 @p0 v25, v27;
	s26 =	spop (v2sf)  }
0x292: {  	v25 =	vmax.f32 @p0 v25, v28;
	p1 =	sgt.f32 s26, $0.0e+00  }
0x293: {  	v25 =	vmax.f32 @p0 v25, v29  }
0x294: {  	(xrf0) =	vmax.scan.msk.f32 @p0 $0xffff, v25;
	p1 =	por !p1, !p1  }
0x295: {  	p1 =	por !p0, !p1  }
0x296: {  	p1 =	por !p1, !p1  }
0x297: {  	p2 =	por !p1, !p0  }
0x298: {  	v25 =	vmov @p0 s8;
	s8 =	sadd.s32 @!p2 s9, s14  }
0x299: {  	vm2 =	vmmov vm0;
	s10 =	sshll.u32 @!p2 s14, $0x7;
	s8 =	sshll.u32 @!p2 s8, $0x7  }
0x29a: {  	vm2 =	vmneg @p1 vm2;
	v26, _, _ =	vpop @p0 (xrf0);
	s10 =	sand.u32 @!p2 $0x380, s10;
	s8 =	sand.u32 @!p2 $0xFFFFFC00, s8  }
0x29b: {  	vm2 =	vmand vm2, vm1;
	v26 =	vbroadcast @p0 v26, $0xF;
	s8 =	sor.u32 @!p2 s10, s8;
	s10 =	sshll.u32 @!p2 s4, $0x9  }
0x29c: {  	v63 =	vmov s4;
	s11 =	simm.s32 @p0 $0x18880;
	s10 =	sshra.s32 @!p2 s10, $0x2;
	s8 =	sshrl.u32 @!p2 s8, $0x3  }
0x29d: {  	[tilespmem:v25+s11+$0x0] =	vst.idx.msk @p0 $0x1, v26;
	s11 =	simm.s32 @!p2 $0x0;
	s10 =	sadd.s32 @!p2 $0x18C80, s10;
	s8 =	sadd.s32 @!p2 s1, s8  }
0x29e: {  	[tilespmem:s10], [sflag:$0x1] =	stream.linear.gather @!p2 [hbm4b:s8+s11], $0x80, $0x38;
	[tilespmem:$0x1C500] =	vst v63  }
0x29f: {  	s8 =	simm.s32 $0x1  }
0x2a0: {  	s8 =	simm.s32 @!p1 $0x0  }
0x2a1: {  	[tilespmem:v63+s22+$0x0] =	vst.idx.msk vm2, v23;
	s4 =	sadd.s32 s8, s4  }
0x2a2: {  	[tilespmem:v63+s23+$0x0] =	vst.idx.msk vm2, v22;
	p6 =	slt.s32 s4, $0x64  }
0x2a3: {  	[tilespmem:v63+s24+$0x0] =	vst.idx.msk vm2, v21;
	p0 =	por !p0, !p6  }
0x2a4: {  	s8 =	simm.s32 $0x1;
	[tilespmem:v63+s25+$0x0] =	vst.idx.msk vm2, v20;
	p0 =	por !p0, !p0  }
0x2a5: {  	[smem:$0x1] =	sst s4;
	[tilespmem:v63+s0+$0x0] =	vst.idx.msk vm2, v24;
	s8 =	simm.s32 @!p0 $0x0  }
0x2a6: {  	[tilespmem:v63+s31+$0x0] =	vst.idx.msk vm2, v19;
	[smem:$0x0] =	sst s8;
	s11 =	smov.u32 s8  }
.LBB2_16:
0x2a7: {  	s6 =	sadd.s32 $0xFFFFFFFF, s6  }
0x2a8: {  	p0 =	sne.s32 s6, $0x0  }
.Ltmp17:
0x2a9: {  	_ = 	snop;
	(pc) =	sbr.rel @!p0 .LBB2_17-.Ltmp17, $2  }
0x2aa: {  	_ =	sdelay $0x2  }
0x2ab: {  	s10 =	smov.u32 s8  }
.LBB2_13:
0x2ac: {  	p0 =	seq.s32 s11, $0x0  }
.Ltmp18:
0x2ad: {  	_ = 	snop;
	(pc) =	sbr.rel @!p0 .LBB2_15-.Ltmp18, $1  }
0x2ae: {  	_ =	sdelay $0x3  }
.Ltmp19:
0x2af: {  	(pc) =	sbr.rel .LBB2_16-.Ltmp19, $2  }
0x2b0: {  	_ =	sdelay $0x2  }
0x2b1: {  	s11 =	simm.s32 $0x0  }
.LBB2_23:
0x2b2: {  	_ =	sfence.sel $0x180000  }
0x2b3: {  	[bflag:$0x0] =	sbarrier.arrive $0xFFFF  }
0x2b4: {  	_ =	strace $0x90000047  }
0x2b5: {  	s0 =	stileid.u32;
	[bflag:$0x2] =	sbarrier.arrive $0xFFFF  }
0x2b6: {  	p0 =	sne.s32 s0, $0x0;
	s0 =	rddreg [dreg:$0x4]  }
0x2b7: {  	s0 =	sadd.s32 @!p0 $0x100000, s0  }
0x2b8: {  	[sflag:s0] =	ssyncadd.tile.s32 @!p0 $0x1;
	_ =	shalt  }
.Lfunc_end2:
_tile_overlayer_lowered:
.L_overlay_start_2:
0x2b9: {  	(tag) =	ssettag $0x2  }
0x2ba: {  	s0 =	rddreg [dreg:$0x0];
	s2 =	stileid.u32  }
0x2bb: {  	s1 =	rddreg [dreg:$0x1];
	p0 =	sne.s32 s2, $0x0  }
0x2bc: {  	s3 =	rddreg [dreg:$0x2];
	[bflag:$0x3] =	sbarrier.arrive $0xFFFF;
	s2 =	simm.s32 @!p0 $0x1C02  }
0x2bd: {  	[timem:s3], [sflag:s2] =	dma.local @!p0 [hbm:s0], s1  }
0x2be: {  	s0 =	simm.s32 @!p0 $0x2  }
0x2bf: {  	_ =	swait.ge @!p0 [sflag:s0], s1  }
0x2c0: {  	s1 =	ssub.s32 @!p0 $0x0, s1;
	[sflag:s0] =	ssyncset.done @!p0 $0x0  }
0x2c1: {  	[sflag:s0] =	ssyncadd.s32 @!p0 s1  }
0x2c2: {  	[bflag:$0x3] =	sbarrier.arrive $0xFFFF  }
0x2c3: {  	_ =	shalt  }

</sc_bundles>
